<compile_context>
chip_gen: v7x
topology: tpu7x:2x2x1
jax: 0.10.2.dev20260603
libtpu: 0.0.44.dev20260713+nightly
codegen_flags: <defaults>
</compile_context>

<pallas_src>
import jax
import jax.numpy as jnp
from jax import lax
from jax.experimental import pallas as pl
from jax.experimental.pallas import tpu as pltpu
from jax.experimental.pallas import tpu_sc as plsc

VOCAB = 100000
EMBED = 64
MAX_LEN = 200
B = 4096
L = 200

NC, NS, LANES = 2, 16, 16
NW = NC * NS
TOKENS = B * L
SEQ_PER_CHUNK = 2
CHUNK = SEQ_PER_CHUNK * L
TOK_PER_W = TOKENS // NW
N_CHUNKS = TOK_PER_W // CHUNK
N_GROUPS = CHUNK // LANES
POS_T = 2 * L
UNROLL = 8
SPLITS = ((0, 128), (128, 72), (200, 128), (328, 72))


def _body(seq_hbm, table_hbm, posT_hbm, w_hbm, b_hbm, out_hbm,
          idx0, idx1, rows0, rows1, vT, posT_vm, w_vm, b_vm,
          gsem0, gsem1, osem0, osem1):
    wid = lax.axis_index("s") * NC + lax.axis_index("c")

    pltpu.sync_copy(posT_hbm, posT_vm)
    pltpu.sync_copy(w_hbm, w_vm)
    pltpu.sync_copy(b_hbm, b_vm)

    iota16 = lax.iota(jnp.int32, LANES)
    inv_e = jnp.float32(1.0 / EMBED)
    bufs = ((idx0, rows0, gsem0, osem0), (idx1, rows1, gsem1, osem1))

    def base_of(c):
        return wid * TOK_PER_W + c * CHUNK

    def issue_gather(c, idx_v, rows_v, gsem):
        pltpu.sync_copy(seq_hbm.at[pl.ds(base_of(c), CHUNK)], idx_v)
        for (start, size) in SPLITS:
            pltpu.async_copy(
                table_hbm.at[idx_v.at[pl.ds(start, size)]],
                rows_v.at[pl.ds(start, size)],
                gsem)

    def wait_gather(idx_v, rows_v, gsem):
        for (start, size) in SPLITS:
            pltpu.make_async_copy(
                table_hbm.at[idx_v.at[pl.ds(start, size)]],
                rows_v.at[pl.ds(start, size)],
                gsem).wait()

    def issue_out(c, rows_v, osem):
        bb = (base_of(c)) // L
        for q in range(SEQ_PER_CHUNK):
            pltpu.async_copy(rows_v.at[pl.ds(q * L, L)],
                             out_hbm.at[bb + q], osem)

    def wait_out(c, rows_v, osem):
        bb = (base_of(c)) // L
        for q in range(SEQ_PER_CHUNK):
            pltpu.make_async_copy(rows_v.at[pl.ds(q * L, L)],
                                  out_hbm.at[bb + q], osem).wait()

    def compute(idx_v, rows_v):
        def group_body(g, _):
            tok0 = g * LANES
            tokv = iota16 + tok0
            l0 = lax.rem(tok0, L)
            iv = idx_v[pl.ds(tok0, LANES)]
            m = jnp.where(iv != 0, jnp.float32(1.0), jnp.float32(0.0))

            zero = jnp.zeros((LANES,), jnp.float32)

            @plsc.parallel_loop(0, EMBED // UNROLL, 1, unroll=4,
                                carry=(zero, zero))
            def d_carry(i, carry):
                s, ss = carry
                d0 = i * UNROLL
                vs, qs = [], []
                for k in range(UNROLL):
                    dd = d0 + k
                    dv = jnp.full((LANES,), dd, jnp.int32)
                    g_d = plsc.load_gather(rows_v, [tokv, dv])
                    p_d = posT_vm[pl.ds(dd * POS_T + l0, LANES)]
                    v_d = g_d * m + p_d
                    vT[pl.ds(dd * LANES, LANES)] = v_d
                    vs.append(v_d)
                    qs.append(v_d * v_d)
                while len(vs) > 1:
                    vs = [a + b for a, b in zip(vs[::2], vs[1::2])]
                    qs = [a + b for a, b in zip(qs[::2], qs[1::2])]
                return s + vs[0], ss + qs[0]

            s, ss = d_carry
            mean = s * inv_e
            var = jnp.maximum(ss * inv_e - mean * mean, 0.0) + jnp.float32(1e-12)
            ii = jnp.int32(0x5F3759DF) - lax.shift_right_arithmetic(
                plsc.bitcast(var, jnp.int32), 1)
            y = plsc.bitcast(ii, jnp.float32)
            for _ in range(3):
                y = y * (jnp.float32(1.5) - jnp.float32(0.5) * var * y * y)
            rs = y

            @plsc.parallel_loop(0, EMBED // UNROLL, 1, unroll=4)
            def _d2(i):
                d0 = i * UNROLL
                for k in range(UNROLL):
                    dd = d0 + k
                    dv = jnp.full((LANES,), dd, jnp.int32)
                    v_d = vT[pl.ds(dd * LANES, LANES)]
                    wv = w_vm[pl.ds(dd * LANES, LANES)]
                    bv = b_vm[pl.ds(dd * LANES, LANES)]
                    o_d = (v_d - mean) * rs * wv + bv
                    plsc.store_scatter(rows_v, [tokv, dv], o_d)
            return 0

        lax.fori_loop(0, N_GROUPS, group_body, 0)

    issue_gather(0, *bufs[0][:3])

    def pair_body(t, _):
        for b in range(2):
            c = 2 * t + b
            cur_idx, cur_rows, cur_gsem, cur_osem = bufs[b]
            nxt_idx, nxt_rows, nxt_gsem, nxt_osem = bufs[1 - b]

            @pl.when(c + 1 < N_CHUNKS)
            def _prefetch():
                @pl.when(c >= 1)
                def _drain_prev():
                    wait_out(c - 1, nxt_rows, nxt_osem)
                issue_gather(c + 1, nxt_idx, nxt_rows, nxt_gsem)

            wait_gather(cur_idx, cur_rows, cur_gsem)
            compute(cur_idx, cur_rows)
            issue_out(c, cur_rows, cur_osem)
        return 0

    lax.fori_loop(0, N_CHUNKS // 2, pair_body, 0)
    wait_out(N_CHUNKS - 2, rows0, osem0)
    wait_out(N_CHUNKS - 1, rows1, osem1)


@jax.jit
def kernel(seq, token_table, pos_table, ln_weight, ln_bias):
    seq_flat = seq.reshape(-1).astype(jnp.int32)
    posT = jnp.tile(pos_table.T, (1, 2)).reshape(-1)
    w_splat = jnp.repeat(ln_weight, LANES)
    b_splat = jnp.repeat(ln_bias, LANES)
    mesh = plsc.VectorSubcoreMesh(core_axis_name="c", subcore_axis_name="s")
    out = pl.kernel(
        _body,
        out_type=jax.ShapeDtypeStruct((B, L, EMBED), jnp.float32),
        mesh=mesh,
        compiler_params=pltpu.CompilerParams(
            use_tc_tiling_on_sc=False,
            needs_layout_passes=False,
        ),
        scratch_types=[
            pltpu.VMEM((CHUNK,), jnp.int32),
            pltpu.VMEM((CHUNK,), jnp.int32),
            pltpu.VMEM((CHUNK, EMBED), jnp.float32),
            pltpu.VMEM((CHUNK, EMBED), jnp.float32),
            pltpu.VMEM((LANES * EMBED,), jnp.float32),
            pltpu.VMEM((EMBED * POS_T,), jnp.float32),
            pltpu.VMEM((EMBED * LANES,), jnp.float32),
            pltpu.VMEM((EMBED * LANES,), jnp.float32),
            pltpu.SemaphoreType.DMA,
            pltpu.SemaphoreType.DMA,
            pltpu.SemaphoreType.DMA,
            pltpu.SemaphoreType.DMA,
        ],
    )(seq_flat, token_table, posT, w_splat, b_splat)
    return out

# --- scband reference (transcript-rebuilt; emitter-appended) ---
"""Pipeline reference for scband-bertembeddings-31112743092509 (READ-ONLY COPY).

The authoritative reference and input builder live on the scoring server;
editing this copy changes nothing except your own understanding.
"""

import jax, jax.numpy as jnp
import numpy as np

VOCAB = 100000
EMBED = 64
MAX_LEN = 200
B = 4096
L = 200

def setup_inputs(seed: int = 0) -> dict:
    key = jax.random.key(seed)
    k1, k2, k3 = jax.random.split(key, 3)
    seq = jax.random.randint(k1, (B, L), 0, VOCAB, dtype=jnp.int64)
    token_table = jax.random.normal(k2, (VOCAB, EMBED), dtype=jnp.float32) * 0.02
    pos_table = jax.random.normal(k3, (MAX_LEN, EMBED), dtype=jnp.float32) * 0.02
    ln_weight = jnp.ones((EMBED,), dtype=jnp.float32)
    ln_bias = jnp.zeros((EMBED,), dtype=jnp.float32)
    return {"seq": seq, "token_table": token_table, "pos_table": pos_table, "ln_weight": ln_weight, "ln_bias": ln_bias}

def reference(seq, token_table, pos_table, ln_weight, ln_bias):
    # padding_idx=0 -> row 0 of token table is zero
    tt = token_table.at[0].set(0.0)
    b, l = seq.shape
    position_ids = jnp.arange(l)
    tok_emb = jnp.take(tt, seq, axis=0)                      # gather [B, L, E]
    pos_emb = jnp.take(pos_table, position_ids, axis=0)     # gather [L, E]
    embeddings = tok_emb + pos_emb[None, :, :]
    # LayerNorm(eps=1e-12), elementwise affine
    mean = jnp.mean(embeddings, axis=-1, keepdims=True)
    var = jnp.mean(jnp.square(embeddings - mean), axis=-1, keepdims=True)
    normed = (embeddings - mean) / jnp.sqrt(var + 1e-12)
    out = normed * ln_weight + ln_bias
    # dropout is identity in eval mode
    return out

if __name__ == "__main__":
    import jax
    _d = setup_inputs()
    print(jax.jit(kernel)(*tuple(_d.values())))

</pallas_src>

<mosaic_0001>
#map = affine_map<(d0, d1) -> (0)>
#map1 = affine_map<(d0, d1) -> (0, 0)>
#map2 = affine_map<(d0, d1) -> (0, 0, 0)>
module attributes {stable_mosaic.version = 14 : i64} {
  func.func @_body(%arg0: i32, %arg1: i32, %arg2: memref<819200xi32, #tpu.memory_space<hbm>>, %arg3: memref<100000x64xf32, #tpu.memory_space<hbm>>, %arg4: memref<25600xf32, #tpu.memory_space<hbm>>, %arg5: memref<1024xf32, #tpu.memory_space<hbm>>, %arg6: memref<1024xf32, #tpu.memory_space<hbm>>, %arg7: memref<4096x200x64xf32, #tpu.memory_space<hbm>>, %arg8: memref<400xi32, #tpu.memory_space<vmem>>, %arg9: memref<400xi32, #tpu.memory_space<vmem>>, %arg10: memref<400x64xf32, #tpu.memory_space<vmem>>, %arg11: memref<400x64xf32, #tpu.memory_space<vmem>>, %arg12: memref<1024xf32, #tpu.memory_space<vmem>>, %arg13: memref<25600xf32, #tpu.memory_space<vmem>>, %arg14: memref<1024xf32, #tpu.memory_space<vmem>>, %arg15: memref<1024xf32, #tpu.memory_space<vmem>>, %arg16: memref<!tpu.dma_semaphore, #tpu.memory_space<semaphore_mem>>, %arg17: memref<!tpu.dma_semaphore, #tpu.memory_space<semaphore_mem>>, %arg18: memref<!tpu.dma_semaphore, #tpu.memory_space<semaphore_mem>>, %arg19: memref<!tpu.dma_semaphore, #tpu.memory_space<semaphore_mem>>) attributes {dimension_semantics = [#tpu.dimension_semantics<core_parallel>, #tpu.dimension_semantics<subcore_parallel>], iteration_bounds = array<i64: 2, 16>, scalar_prefetch = 0 : i64, scratch_operands = 12 : i64, tpu.core_type = #tpu.core_type<sc_vector_subcore>, window_params = [{transform_indices = #map}, {transform_indices = #map1}, {transform_indices = #map}, {transform_indices = #map}, {transform_indices = #map}, {transform_indices = #map2}]} {
    %mul3A = arith.constant 2 : i32
    %mul3A_0 = arith.muli %arg1, %mul3A : i32
    %add3A = arith.addi %mul3A_0, %arg0 : i32
    "tpu.region"() ({
      %run_scoped3A = tpu.sem_alloc : memref<!tpu.dma_semaphore, #tpu.memory_space<semaphore_mem>>
      tpu.enqueue_dma source(%arg4 : memref<25600xf32, #tpu.memory_space<hbm>>) target(%arg13 : memref<25600xf32, #tpu.memory_space<vmem>>) target_semaphore(%run_scoped3A : memref<!tpu.dma_semaphore, #tpu.memory_space<semaphore_mem>>)
      tpu.wait_dma2 semaphore(%run_scoped3A : memref<!tpu.dma_semaphore, #tpu.memory_space<semaphore_mem>>) src(%arg4 : memref<25600xf32, #tpu.memory_space<hbm>>) dst(%arg13 : memref<25600xf32, #tpu.memory_space<vmem>>)
      tpu.yield
    }) : () -> ()
    "tpu.region"() ({
      %run_scoped3A = tpu.sem_alloc : memref<!tpu.dma_semaphore, #tpu.memory_space<semaphore_mem>>
      tpu.enqueue_dma source(%arg5 : memref<1024xf32, #tpu.memory_space<hbm>>) target(%arg14 : memref<1024xf32, #tpu.memory_space<vmem>>) target_semaphore(%run_scoped3A : memref<!tpu.dma_semaphore, #tpu.memory_space<semaphore_mem>>)
      tpu.wait_dma2 semaphore(%run_scoped3A : memref<!tpu.dma_semaphore, #tpu.memory_space<semaphore_mem>>) src(%arg5 : memref<1024xf32, #tpu.memory_space<hbm>>) dst(%arg14 : memref<1024xf32, #tpu.memory_space<vmem>>)
      tpu.yield
    }) : () -> ()
    "tpu.region"() ({
      %run_scoped3A = tpu.sem_alloc : memref<!tpu.dma_semaphore, #tpu.memory_space<semaphore_mem>>
      tpu.enqueue_dma source(%arg6 : memref<1024xf32, #tpu.memory_space<hbm>>) target(%arg15 : memref<1024xf32, #tpu.memory_space<vmem>>) target_semaphore(%run_scoped3A : memref<!tpu.dma_semaphore, #tpu.memory_space<semaphore_mem>>)
      tpu.wait_dma2 semaphore(%run_scoped3A : memref<!tpu.dma_semaphore, #tpu.memory_space<semaphore_mem>>) src(%arg6 : memref<1024xf32, #tpu.memory_space<hbm>>) dst(%arg15 : memref<1024xf32, #tpu.memory_space<vmem>>)
      tpu.yield
    }) : () -> ()
    %iota3A = tpu.iota {dimensions = array<i32: 0>} : vector<16xi32>
    %mul3A_1 = arith.constant 25600 : i32
    %mul3A_2 = arith.muli %add3A, %mul3A_1 : i32
    %add3A_3 = arith.constant 0 : i32
    %add3A_4 = arith.addi %mul3A_2, %add3A_3 : i32
    "tpu.region"() ({
      %run_scoped3A = tpu.sem_alloc : memref<!tpu.dma_semaphore, #tpu.memory_space<semaphore_mem>>
      %dma_start3A_154 = tpu.memref_slice %arg2[%add3A_4] : memref<819200xi32, #tpu.memory_space<hbm>> -> memref<400xi32, #tpu.memory_space<hbm>>
      %dma_start3A_155 = tpu.memref_slice %arg2[%add3A_4] : memref<819200xi32, #tpu.memory_space<hbm>> -> memref<400xi32, #tpu.memory_space<hbm>>
      tpu.enqueue_dma source(%dma_start3A_155 : memref<400xi32, #tpu.memory_space<hbm>>) target(%arg8 : memref<400xi32, #tpu.memory_space<vmem>>) target_semaphore(%run_scoped3A : memref<!tpu.dma_semaphore, #tpu.memory_space<semaphore_mem>>)
      %dma_wait3A_156 = tpu.memref_slice %arg2[%add3A_4] : memref<819200xi32, #tpu.memory_space<hbm>> -> memref<400xi32, #tpu.memory_space<hbm>>
      %dma_wait3A_157 = tpu.memref_slice %arg2[%add3A_4] : memref<819200xi32, #tpu.memory_space<hbm>> -> memref<400xi32, #tpu.memory_space<hbm>>
      tpu.wait_dma2 semaphore(%run_scoped3A : memref<!tpu.dma_semaphore, #tpu.memory_space<semaphore_mem>>) src(%dma_wait3A_157 : memref<400xi32, #tpu.memory_space<hbm>>) dst(%arg8 : memref<400xi32, #tpu.memory_space<vmem>>)
      tpu.yield
    }) : () -> ()
    %dma_start3A = arith.constant 0 : i32
    %dma_start3A_5 = arith.constant 0 : i32
    %dma_start3A_6 = tpu.memref_slice %arg10[%dma_start3A, %dma_start3A_5] : memref<400x64xf32, #tpu.memory_space<vmem>> -> memref<128x64xf32, #tpu.memory_space<vmem>>
    %dma_start3A_7 = arith.constant 0 : i32
    %dma_start3A_8 = tpu.memref_slice %arg8[%dma_start3A_7] : memref<400xi32, #tpu.memory_space<vmem>> -> memref<128xi32, #tpu.memory_space<vmem>>
    %dma_start3A_9 = arith.constant 0 : i32
    %dma_start3A_10 = arith.constant 0 : i32
    %dma_start3A_11 = tpu.memref_slice %arg3[%dma_start3A_9, %dma_start3A_10] : memref<100000x64xf32, #tpu.memory_space<hbm>> -> memref<100000x64xf32, #tpu.memory_space<hbm>>
    tpu.enqueue_indirect_dma source(%dma_start3A_11 : memref<100000x64xf32, #tpu.memory_space<hbm>>) target(%dma_start3A_6 : memref<128x64xf32, #tpu.memory_space<vmem>>) offsets(%dma_start3A_8 : memref<128xi32, #tpu.memory_space<vmem>>) semaphore(%arg16 : memref<!tpu.dma_semaphore, #tpu.memory_space<semaphore_mem>>)
    %dma_start3A_12 = arith.constant 128 : i32
    %dma_start3A_13 = arith.constant 0 : i32
    %dma_start3A_14 = tpu.memref_slice %arg10[%dma_start3A_12, %dma_start3A_13] : memref<400x64xf32, #tpu.memory_space<vmem>> -> memref<72x64xf32, #tpu.memory_space<vmem>>
    %dma_start3A_15 = arith.constant 128 : i32
    %dma_start3A_16 = tpu.memref_slice %arg8[%dma_start3A_15] : memref<400xi32, #tpu.memory_space<vmem>> -> memref<72xi32, #tpu.memory_space<vmem>>
    %dma_start3A_17 = arith.constant 0 : i32
    %dma_start3A_18 = arith.constant 0 : i32
    %dma_start3A_19 = tpu.memref_slice %arg3[%dma_start3A_17, %dma_start3A_18] : memref<100000x64xf32, #tpu.memory_space<hbm>> -> memref<100000x64xf32, #tpu.memory_space<hbm>>
    tpu.enqueue_indirect_dma source(%dma_start3A_19 : memref<100000x64xf32, #tpu.memory_space<hbm>>) target(%dma_start3A_14 : memref<72x64xf32, #tpu.memory_space<vmem>>) offsets(%dma_start3A_16 : memref<72xi32, #tpu.memory_space<vmem>>) semaphore(%arg16 : memref<!tpu.dma_semaphore, #tpu.memory_space<semaphore_mem>>)
    %dma_start3A_20 = arith.constant 200 : i32
    %dma_start3A_21 = arith.constant 0 : i32
    %dma_start3A_22 = tpu.memref_slice %arg10[%dma_start3A_20, %dma_start3A_21] : memref<400x64xf32, #tpu.memory_space<vmem>> -> memref<128x64xf32, #tpu.memory_space<vmem>>
    %dma_start3A_23 = arith.constant 200 : i32
    %dma_start3A_24 = tpu.memref_slice %arg8[%dma_start3A_23] : memref<400xi32, #tpu.memory_space<vmem>> -> memref<128xi32, #tpu.memory_space<vmem>>
    %dma_start3A_25 = arith.constant 0 : i32
    %dma_start3A_26 = arith.constant 0 : i32
    %dma_start3A_27 = tpu.memref_slice %arg3[%dma_start3A_25, %dma_start3A_26] : memref<100000x64xf32, #tpu.memory_space<hbm>> -> memref<100000x64xf32, #tpu.memory_space<hbm>>
    tpu.enqueue_indirect_dma source(%dma_start3A_27 : memref<100000x64xf32, #tpu.memory_space<hbm>>) target(%dma_start3A_22 : memref<128x64xf32, #tpu.memory_space<vmem>>) offsets(%dma_start3A_24 : memref<128xi32, #tpu.memory_space<vmem>>) semaphore(%arg16 : memref<!tpu.dma_semaphore, #tpu.memory_space<semaphore_mem>>)
    %dma_start3A_28 = arith.constant 328 : i32
    %dma_start3A_29 = arith.constant 0 : i32
    %dma_start3A_30 = tpu.memref_slice %arg10[%dma_start3A_28, %dma_start3A_29] : memref<400x64xf32, #tpu.memory_space<vmem>> -> memref<72x64xf32, #tpu.memory_space<vmem>>
    %dma_start3A_31 = arith.constant 328 : i32
    %dma_start3A_32 = tpu.memref_slice %arg8[%dma_start3A_31] : memref<400xi32, #tpu.memory_space<vmem>> -> memref<72xi32, #tpu.memory_space<vmem>>
    %dma_start3A_33 = arith.constant 0 : i32
    %dma_start3A_34 = arith.constant 0 : i32
    %dma_start3A_35 = tpu.memref_slice %arg3[%dma_start3A_33, %dma_start3A_34] : memref<100000x64xf32, #tpu.memory_space<hbm>> -> memref<100000x64xf32, #tpu.memory_space<hbm>>
    tpu.enqueue_indirect_dma source(%dma_start3A_35 : memref<100000x64xf32, #tpu.memory_space<hbm>>) target(%dma_start3A_30 : memref<72x64xf32, #tpu.memory_space<vmem>>) offsets(%dma_start3A_32 : memref<72xi32, #tpu.memory_space<vmem>>) semaphore(%arg16 : memref<!tpu.dma_semaphore, #tpu.memory_space<semaphore_mem>>)
    %scan3A = arith.constant 1.562500e-02 : f32
    %scan3A_36 = arith.constant 0 : i32
    %scan3A_37 = arith.constant 0 : i32
    %scan3A_38 = arith.constant 32 : i32
    %scan3A_39 = arith.addi %scan3A_37, %scan3A_38 : i32
    %scan3A_40 = arith.constant 1 : i32
    %scan3A_41 = scf.for %scan3A_154 = %scan3A_37 to %scan3A_39 step %scan3A_40 iter_args(%scan3A_155 = %scan3A_36) -> (i32)  : i32 {
      %mul3A_156 = arith.constant 2 : i32
      %mul3A_157 = arith.muli %mul3A_156, %scan3A_154 : i32
      %add3A_158 = arith.constant 0 : i32
      %add3A_159 = arith.addi %mul3A_157, %add3A_158 : i32
      %add3A_160 = arith.constant 1 : i32
      %add3A_161 = arith.addi %add3A_159, %add3A_160 : i32
      %lt3A = arith.constant 64 : i32
      %lt3A_162 = arith.cmpi slt, %add3A_161, %lt3A : i32
      %convert_element_type3A = arith.extui %lt3A_162 : i1 to i32
      %cond3A = arith.constant 0 : i32
      %cond3A_163 = arith.cmpi ne, %convert_element_type3A, %cond3A : i32
      scf.if %cond3A_163 {
        %ge3A = arith.constant 1 : i32
        %ge3A_376 = arith.cmpi sge, %add3A_159, %ge3A : i32
        %convert_element_type3A_377 = arith.extui %ge3A_376 : i1 to i32
        %cond3A_378 = arith.constant 0 : i32
        %cond3A_379 = arith.cmpi ne, %convert_element_type3A_377, %cond3A_378 : i32
        scf.if %cond3A_379 {
          %sub3A_419 = arith.constant 1 : i32
          %sub3A_420 = arith.subi %add3A_159, %sub3A_419 : i32
          %mul3A_421 = arith.constant 25600 : i32
          %mul3A_422 = arith.muli %add3A, %mul3A_421 : i32
          %mul3A_423 = arith.constant 400 : i32
          %mul3A_424 = arith.muli %sub3A_420, %mul3A_423 : i32
          %add3A_425 = arith.addi %mul3A_422, %mul3A_424 : i32
          %jit3A_426 = arith.constant 200 : i32
          %div3A_427 = arith.divsi %add3A_425, %jit3A_426 : i32
          %sign3A_428 = arith.constant 0 : i32
          %sign3A_429 = arith.cmpi sgt, %add3A_425, %sign3A_428 : i32
          %sign3A_430 = arith.extui %sign3A_429 : i1 to i32
          %sign3A_431 = arith.constant 0 : i32
          %sign3A_432 = arith.cmpi slt, %add3A_425, %sign3A_431 : i32
          %sign3A_433 = arith.extui %sign3A_432 : i1 to i32
          %sign3A_434 = arith.subi %sign3A_430, %sign3A_433 : i32
          %sign3A_435 = arith.constant 0 : i32
          %sign3A_436 = arith.cmpi sgt, %jit3A_426, %sign3A_435 : i32
          %sign3A_437 = arith.extui %sign3A_436 : i1 to i32
          %sign3A_438 = arith.constant 0 : i32
          %sign3A_439 = arith.cmpi slt, %jit3A_426, %sign3A_438 : i32
          %sign3A_440 = arith.extui %sign3A_439 : i1 to i32
          %sign3A_441 = arith.subi %sign3A_437, %sign3A_440 : i32
          %ne3A_442 = arith.cmpi ne, %sign3A_434, %sign3A_441 : i32
          %rem3A_443 = arith.remsi %add3A_425, %jit3A_426 : i32
          %ne3A_444 = arith.constant 0 : i32
          %ne3A_445 = arith.cmpi ne, %rem3A_443, %ne3A_444 : i32
          %and3A_446 = arith.andi %ne3A_442, %ne3A_445 : i1
          %sub3A_447 = arith.constant 1 : i32
          %sub3A_448 = arith.subi %div3A_427, %sub3A_447 : i32
          %select_n3A_449 = arith.select %and3A_446, %sub3A_448, %div3A_427 : i32
          %add3A_450 = arith.constant 0 : i32
          %add3A_451 = arith.addi %select_n3A_449, %add3A_450 : i32
          %dma_wait3A_452 = arith.constant 0 : i32
          %dma_wait3A_453 = arith.constant 0 : i32
          %dma_wait3A_454 = tpu.memref_slice %arg11[%dma_wait3A_452, %dma_wait3A_453] : memref<400x64xf32, #tpu.memory_space<vmem>> -> memref<200x64xf32, #tpu.memory_space<vmem>>
          %dma_wait3A_455 = arith.constant 0 : i32
          %dma_wait3A_456 = arith.constant 0 : i32
          %dma_wait3A_457 = tpu.memref_slice %arg7[%add3A_451, %dma_wait3A_455, %dma_wait3A_456] : memref<4096x200x64xf32, #tpu.memory_space<hbm>> -> memref<1x200x64xf32, #tpu.memory_space<hbm>>
          %dma_wait3A_458 = tpu.memref_squeeze %dma_wait3A_457 : memref<1x200x64xf32, #tpu.memory_space<hbm>> -> memref<200x64xf32, #tpu.memory_space<hbm>>
          %dma_wait3A_459 = arith.constant 0 : i32
          %dma_wait3A_460 = arith.constant 0 : i32
          %dma_wait3A_461 = tpu.memref_slice %arg7[%add3A_451, %dma_wait3A_459, %dma_wait3A_460] : memref<4096x200x64xf32, #tpu.memory_space<hbm>> -> memref<1x200x64xf32, #tpu.memory_space<hbm>>
          %dma_wait3A_462 = tpu.memref_squeeze %dma_wait3A_461 : memref<1x200x64xf32, #tpu.memory_space<hbm>> -> memref<200x64xf32, #tpu.memory_space<hbm>>
          %dma_wait3A_463 = arith.constant 0 : i32
          %dma_wait3A_464 = arith.constant 0 : i32
          %dma_wait3A_465 = tpu.memref_slice %arg11[%dma_wait3A_463, %dma_wait3A_464] : memref<400x64xf32, #tpu.memory_space<vmem>> -> memref<200x64xf32, #tpu.memory_space<vmem>>
          tpu.wait_dma2 semaphore(%arg19 : memref<!tpu.dma_semaphore, #tpu.memory_space<semaphore_mem>>) src(%dma_wait3A_465 : memref<200x64xf32, #tpu.memory_space<vmem>>) dst(%dma_wait3A_462 : memref<200x64xf32, #tpu.memory_space<hbm>>)
          %add3A_466 = arith.constant 1 : i32
          %add3A_467 = arith.addi %select_n3A_449, %add3A_466 : i32
          %dma_wait3A_468 = arith.constant 200 : i32
          %dma_wait3A_469 = arith.constant 0 : i32
          %dma_wait3A_470 = tpu.memref_slice %arg11[%dma_wait3A_468, %dma_wait3A_469] : memref<400x64xf32, #tpu.memory_space<vmem>> -> memref<200x64xf32, #tpu.memory_space<vmem>>
          %dma_wait3A_471 = arith.constant 0 : i32
          %dma_wait3A_472 = arith.constant 0 : i32
          %dma_wait3A_473 = tpu.memref_slice %arg7[%add3A_467, %dma_wait3A_471, %dma_wait3A_472] : memref<4096x200x64xf32, #tpu.memory_space<hbm>> -> memref<1x200x64xf32, #tpu.memory_space<hbm>>
          %dma_wait3A_474 = tpu.memref_squeeze %dma_wait3A_473 : memref<1x200x64xf32, #tpu.memory_space<hbm>> -> memref<200x64xf32, #tpu.memory_space<hbm>>
          %dma_wait3A_475 = arith.constant 0 : i32
          %dma_wait3A_476 = arith.constant 0 : i32
          %dma_wait3A_477 = tpu.memref_slice %arg7[%add3A_467, %dma_wait3A_475, %dma_wait3A_476] : memref<4096x200x64xf32, #tpu.memory_space<hbm>> -> memref<1x200x64xf32, #tpu.memory_space<hbm>>
          %dma_wait3A_478 = tpu.memref_squeeze %dma_wait3A_477 : memref<1x200x64xf32, #tpu.memory_space<hbm>> -> memref<200x64xf32, #tpu.memory_space<hbm>>
          %dma_wait3A_479 = arith.constant 200 : i32
          %dma_wait3A_480 = arith.constant 0 : i32
          %dma_wait3A_481 = tpu.memref_slice %arg11[%dma_wait3A_479, %dma_wait3A_480] : memref<400x64xf32, #tpu.memory_space<vmem>> -> memref<200x64xf32, #tpu.memory_space<vmem>>
          tpu.wait_dma2 semaphore(%arg19 : memref<!tpu.dma_semaphore, #tpu.memory_space<semaphore_mem>>) src(%dma_wait3A_481 : memref<200x64xf32, #tpu.memory_space<vmem>>) dst(%dma_wait3A_478 : memref<200x64xf32, #tpu.memory_space<hbm>>)
        } else {
        }
        %add3A_380 = arith.constant 1 : i32
        %add3A_381 = arith.addi %add3A_159, %add3A_380 : i32
        %mul3A_382 = arith.constant 25600 : i32
        %mul3A_383 = arith.muli %add3A, %mul3A_382 : i32
        %mul3A_384 = arith.constant 400 : i32
        %mul3A_385 = arith.muli %add3A_381, %mul3A_384 : i32
        %add3A_386 = arith.addi %mul3A_383, %mul3A_385 : i32
        "tpu.region"() ({
          %run_scoped3A = tpu.sem_alloc : memref<!tpu.dma_semaphore, #tpu.memory_space<semaphore_mem>>
          %dma_start3A_419 = tpu.memref_slice %arg2[%add3A_386] : memref<819200xi32, #tpu.memory_space<hbm>> -> memref<400xi32, #tpu.memory_space<hbm>>
          %dma_start3A_420 = tpu.memref_slice %arg2[%add3A_386] : memref<819200xi32, #tpu.memory_space<hbm>> -> memref<400xi32, #tpu.memory_space<hbm>>
          tpu.enqueue_dma source(%dma_start3A_420 : memref<400xi32, #tpu.memory_space<hbm>>) target(%arg9 : memref<400xi32, #tpu.memory_space<vmem>>) target_semaphore(%run_scoped3A : memref<!tpu.dma_semaphore, #tpu.memory_space<semaphore_mem>>)
          %dma_wait3A_421 = tpu.memref_slice %arg2[%add3A_386] : memref<819200xi32, #tpu.memory_space<hbm>> -> memref<400xi32, #tpu.memory_space<hbm>>
          %dma_wait3A_422 = tpu.memref_slice %arg2[%add3A_386] : memref<819200xi32, #tpu.memory_space<hbm>> -> memref<400xi32, #tpu.memory_space<hbm>>
          tpu.wait_dma2 semaphore(%run_scoped3A : memref<!tpu.dma_semaphore, #tpu.memory_space<semaphore_mem>>) src(%dma_wait3A_422 : memref<400xi32, #tpu.memory_space<hbm>>) dst(%arg9 : memref<400xi32, #tpu.memory_space<vmem>>)
          tpu.yield
        }) : () -> ()
        %dma_start3A_387 = arith.constant 0 : i32
        %dma_start3A_388 = arith.constant 0 : i32
        %dma_start3A_389 = tpu.memref_slice %arg11[%dma_start3A_387, %dma_start3A_388] : memref<400x64xf32, #tpu.memory_space<vmem>> -> memref<128x64xf32, #tpu.memory_space<vmem>>
        %dma_start3A_390 = arith.constant 0 : i32
        %dma_start3A_391 = tpu.memref_slice %arg9[%dma_start3A_390] : memref<400xi32, #tpu.memory_space<vmem>> -> memref<128xi32, #tpu.memory_space<vmem>>
        %dma_start3A_392 = arith.constant 0 : i32
        %dma_start3A_393 = arith.constant 0 : i32
        %dma_start3A_394 = tpu.memref_slice %arg3[%dma_start3A_392, %dma_start3A_393] : memref<100000x64xf32, #tpu.memory_space<hbm>> -> memref<100000x64xf32, #tpu.memory_space<hbm>>
        tpu.enqueue_indirect_dma source(%dma_start3A_394 : memref<100000x64xf32, #tpu.memory_space<hbm>>) target(%dma_start3A_389 : memref<128x64xf32, #tpu.memory_space<vmem>>) offsets(%dma_start3A_391 : memref<128xi32, #tpu.memory_space<vmem>>) semaphore(%arg17 : memref<!tpu.dma_semaphore, #tpu.memory_space<semaphore_mem>>)
        %dma_start3A_395 = arith.constant 128 : i32
        %dma_start3A_396 = arith.constant 0 : i32
        %dma_start3A_397 = tpu.memref_slice %arg11[%dma_start3A_395, %dma_start3A_396] : memref<400x64xf32, #tpu.memory_space<vmem>> -> memref<72x64xf32, #tpu.memory_space<vmem>>
        %dma_start3A_398 = arith.constant 128 : i32
        %dma_start3A_399 = tpu.memref_slice %arg9[%dma_start3A_398] : memref<400xi32, #tpu.memory_space<vmem>> -> memref<72xi32, #tpu.memory_space<vmem>>
        %dma_start3A_400 = arith.constant 0 : i32
        %dma_start3A_401 = arith.constant 0 : i32
        %dma_start3A_402 = tpu.memref_slice %arg3[%dma_start3A_400, %dma_start3A_401] : memref<100000x64xf32, #tpu.memory_space<hbm>> -> memref<100000x64xf32, #tpu.memory_space<hbm>>
        tpu.enqueue_indirect_dma source(%dma_start3A_402 : memref<100000x64xf32, #tpu.memory_space<hbm>>) target(%dma_start3A_397 : memref<72x64xf32, #tpu.memory_space<vmem>>) offsets(%dma_start3A_399 : memref<72xi32, #tpu.memory_space<vmem>>) semaphore(%arg17 : memref<!tpu.dma_semaphore, #tpu.memory_space<semaphore_mem>>)
        %dma_start3A_403 = arith.constant 200 : i32
        %dma_start3A_404 = arith.constant 0 : i32
        %dma_start3A_405 = tpu.memref_slice %arg11[%dma_start3A_403, %dma_start3A_404] : memref<400x64xf32, #tpu.memory_space<vmem>> -> memref<128x64xf32, #tpu.memory_space<vmem>>
        %dma_start3A_406 = arith.constant 200 : i32
        %dma_start3A_407 = tpu.memref_slice %arg9[%dma_start3A_406] : memref<400xi32, #tpu.memory_space<vmem>> -> memref<128xi32, #tpu.memory_space<vmem>>
        %dma_start3A_408 = arith.constant 0 : i32
        %dma_start3A_409 = arith.constant 0 : i32
        %dma_start3A_410 = tpu.memref_slice %arg3[%dma_start3A_408, %dma_start3A_409] : memref<100000x64xf32, #tpu.memory_space<hbm>> -> memref<100000x64xf32, #tpu.memory_space<hbm>>
        tpu.enqueue_indirect_dma source(%dma_start3A_410 : memref<100000x64xf32, #tpu.memory_space<hbm>>) target(%dma_start3A_405 : memref<128x64xf32, #tpu.memory_space<vmem>>) offsets(%dma_start3A_407 : memref<128xi32, #tpu.memory_space<vmem>>) semaphore(%arg17 : memref<!tpu.dma_semaphore, #tpu.memory_space<semaphore_mem>>)
        %dma_start3A_411 = arith.constant 328 : i32
        %dma_start3A_412 = arith.constant 0 : i32
        %dma_start3A_413 = tpu.memref_slice %arg11[%dma_start3A_411, %dma_start3A_412] : memref<400x64xf32, #tpu.memory_space<vmem>> -> memref<72x64xf32, #tpu.memory_space<vmem>>
        %dma_start3A_414 = arith.constant 328 : i32
        %dma_start3A_415 = tpu.memref_slice %arg9[%dma_start3A_414] : memref<400xi32, #tpu.memory_space<vmem>> -> memref<72xi32, #tpu.memory_space<vmem>>
        %dma_start3A_416 = arith.constant 0 : i32
        %dma_start3A_417 = arith.constant 0 : i32
        %dma_start3A_418 = tpu.memref_slice %arg3[%dma_start3A_416, %dma_start3A_417] : memref<100000x64xf32, #tpu.memory_space<hbm>> -> memref<100000x64xf32, #tpu.memory_space<hbm>>
        tpu.enqueue_indirect_dma source(%dma_start3A_418 : memref<100000x64xf32, #tpu.memory_space<hbm>>) target(%dma_start3A_413 : memref<72x64xf32, #tpu.memory_space<vmem>>) offsets(%dma_start3A_415 : memref<72xi32, #tpu.memory_space<vmem>>) semaphore(%arg17 : memref<!tpu.dma_semaphore, #tpu.memory_space<semaphore_mem>>)
      } else {
      }
      %dma_wait3A_164 = arith.constant 0 : i32
      %dma_wait3A_165 = arith.constant 0 : i32
      %dma_wait3A_166 = tpu.memref_slice %arg10[%dma_wait3A_164, %dma_wait3A_165] : memref<400x64xf32, #tpu.memory_space<vmem>> -> memref<128x64xf32, #tpu.memory_space<vmem>>
      %dma_wait3A_167 = arith.constant 0 : i32
      %dma_wait3A_168 = tpu.memref_slice %arg8[%dma_wait3A_167] : memref<400xi32, #tpu.memory_space<vmem>> -> memref<128xi32, #tpu.memory_space<vmem>>
      %dma_wait3A_169 = arith.constant 0 : i32
      %dma_wait3A_170 = arith.constant 0 : i32
      %dma_wait3A_171 = tpu.memref_slice %arg3[%dma_wait3A_169, %dma_wait3A_170] : memref<100000x64xf32, #tpu.memory_space<hbm>> -> memref<100000x64xf32, #tpu.memory_space<hbm>>
      tpu.wait_indirect_dma semaphore(%arg16 : memref<!tpu.dma_semaphore, #tpu.memory_space<semaphore_mem>>) src(%dma_wait3A_171 : memref<100000x64xf32, #tpu.memory_space<hbm>>) dst(%dma_wait3A_166 : memref<128x64xf32, #tpu.memory_space<vmem>>)
      %dma_wait3A_172 = arith.constant 128 : i32
      %dma_wait3A_173 = arith.constant 0 : i32
      %dma_wait3A_174 = tpu.memref_slice %arg10[%dma_wait3A_172, %dma_wait3A_173] : memref<400x64xf32, #tpu.memory_space<vmem>> -> memref<72x64xf32, #tpu.memory_space<vmem>>
      %dma_wait3A_175 = arith.constant 128 : i32
      %dma_wait3A_176 = tpu.memref_slice %arg8[%dma_wait3A_175] : memref<400xi32, #tpu.memory_space<vmem>> -> memref<72xi32, #tpu.memory_space<vmem>>
      %dma_wait3A_177 = arith.constant 0 : i32
      %dma_wait3A_178 = arith.constant 0 : i32
      %dma_wait3A_179 = tpu.memref_slice %arg3[%dma_wait3A_177, %dma_wait3A_178] : memref<100000x64xf32, #tpu.memory_space<hbm>> -> memref<100000x64xf32, #tpu.memory_space<hbm>>
      tpu.wait_indirect_dma semaphore(%arg16 : memref<!tpu.dma_semaphore, #tpu.memory_space<semaphore_mem>>) src(%dma_wait3A_179 : memref<100000x64xf32, #tpu.memory_space<hbm>>) dst(%dma_wait3A_174 : memref<72x64xf32, #tpu.memory_space<vmem>>)
      %dma_wait3A_180 = arith.constant 200 : i32
      %dma_wait3A_181 = arith.constant 0 : i32
      %dma_wait3A_182 = tpu.memref_slice %arg10[%dma_wait3A_180, %dma_wait3A_181] : memref<400x64xf32, #tpu.memory_space<vmem>> -> memref<128x64xf32, #tpu.memory_space<vmem>>
      %dma_wait3A_183 = arith.constant 200 : i32
      %dma_wait3A_184 = tpu.memref_slice %arg8[%dma_wait3A_183] : memref<400xi32, #tpu.memory_space<vmem>> -> memref<128xi32, #tpu.memory_space<vmem>>
      %dma_wait3A_185 = arith.constant 0 : i32
      %dma_wait3A_186 = arith.constant 0 : i32
      %dma_wait3A_187 = tpu.memref_slice %arg3[%dma_wait3A_185, %dma_wait3A_186] : memref<100000x64xf32, #tpu.memory_space<hbm>> -> memref<100000x64xf32, #tpu.memory_space<hbm>>
      tpu.wait_indirect_dma semaphore(%arg16 : memref<!tpu.dma_semaphore, #tpu.memory_space<semaphore_mem>>) src(%dma_wait3A_187 : memref<100000x64xf32, #tpu.memory_space<hbm>>) dst(%dma_wait3A_182 : memref<128x64xf32, #tpu.memory_space<vmem>>)
      %dma_wait3A_188 = arith.constant 328 : i32
      %dma_wait3A_189 = arith.constant 0 : i32
      %dma_wait3A_190 = tpu.memref_slice %arg10[%dma_wait3A_188, %dma_wait3A_189] : memref<400x64xf32, #tpu.memory_space<vmem>> -> memref<72x64xf32, #tpu.memory_space<vmem>>
      %dma_wait3A_191 = arith.constant 328 : i32
      %dma_wait3A_192 = tpu.memref_slice %arg8[%dma_wait3A_191] : memref<400xi32, #tpu.memory_space<vmem>> -> memref<72xi32, #tpu.memory_space<vmem>>
      %dma_wait3A_193 = arith.constant 0 : i32
      %dma_wait3A_194 = arith.constant 0 : i32
      %dma_wait3A_195 = tpu.memref_slice %arg3[%dma_wait3A_193, %dma_wait3A_194] : memref<100000x64xf32, #tpu.memory_space<hbm>> -> memref<100000x64xf32, #tpu.memory_space<hbm>>
      tpu.wait_indirect_dma semaphore(%arg16 : memref<!tpu.dma_semaphore, #tpu.memory_space<semaphore_mem>>) src(%dma_wait3A_195 : memref<100000x64xf32, #tpu.memory_space<hbm>>) dst(%dma_wait3A_190 : memref<72x64xf32, #tpu.memory_space<vmem>>)
      %scan3A_196 = arith.constant 0 : i32
      %scan3A_197 = arith.constant 0 : i32
      %scan3A_198 = arith.constant 25 : i32
      %scan3A_199 = arith.addi %scan3A_197, %scan3A_198 : i32
      %scan3A_200 = arith.constant 1 : i32
      %scan3A_201 = scf.for %scan3A_376 = %scan3A_197 to %scan3A_199 step %scan3A_200 iter_args(%scan3A_377 = %scan3A_196) -> (i32)  : i32 {
        %mul3A_378 = arith.constant 16 : i32
        %mul3A_379 = arith.muli %scan3A_376, %mul3A_378 : i32
        %add3A_380 = vector.broadcast %mul3A_379 : i32 to vector<16xi32>
        %add3A_381 = arith.addi %iota3A, %add3A_380 : vector<16xi32>
        %rem3A_382 = arith.constant 200 : i32
        %rem3A_383 = arith.remsi %mul3A_379, %rem3A_382 : i32
        %get3A = arith.index_cast %mul3A_379 : i32 to index
        %get3A_384 = tpu.vector_load %arg8[%get3A] {strides = array<i32>} : memref<400xi32, #tpu.memory_space<vmem>>, vector<16xi32>,
        %ne3A_385 = arith.constant 0 : i32
        %ne3A_386 = vector.broadcast %ne3A_385 : i32 to vector<16xi32>
        %ne3A_387 = arith.cmpi ne, %get3A_384, %ne3A_386 : vector<16xi32>
        %jit3A_388 = arith.constant 1.000000e+00 : f32
        %jit3A_389 = arith.constant 0.000000e+00 : f32
        %broadcast_in_dim3A = vector.broadcast %jit3A_388 : f32 to vector<16xf32>
        %broadcast_in_dim3A_390 = vector.broadcast %jit3A_389 : f32 to vector<16xf32>
        %select_n3A_391 = arith.select %ne3A_387, %broadcast_in_dim3A, %broadcast_in_dim3A_390 : vector<16xi1>, vector<16xf32>
        %broadcast_in_dim3A_392 = arith.constant 0.000000e+00 : f32
        %broadcast_in_dim3A_393 = vector.broadcast %broadcast_in_dim3A_392 : f32 to vector<16xf32>
        %parallel_loop3A = arith.constant 0 : i32
        %parallel_loop3A_394 = arith.constant 8 : i32
        %parallel_loop3A_395 = arith.constant 1 : i32
        %parallel_loop3A_396:2 = scf.for %parallel_loop3A_445 = %parallel_loop3A to %parallel_loop3A_394 step %parallel_loop3A_395 iter_args(%parallel_loop3A_446 = %broadcast_in_dim3A_393, %parallel_loop3A_447 = %broadcast_in_dim3A_393) -> (vector<16xf32>, vector<16xf32>)  : i32 {
          %parallel_loop3A_448 = arith.constant 8 : i32
          %parallel_loop3A_449 = arith.muli %parallel_loop3A_445, %parallel_loop3A_448 : i32
          %parallel_loop3A_450 = arith.constant 0 : i32
          %parallel_loop3A_451 = arith.addi %parallel_loop3A_449, %parallel_loop3A_450 : i32
          %parallel_loop3A_452 = vector.broadcast %parallel_loop3A_451 : i32 to vector<16xi32>
          %parallel_loop3A_453 = tpu.vector_load_idx %arg10[%add3A_381, %parallel_loop3A_452] : memref<400x64xf32, #tpu.memory_space<vmem>>[vector<16xi32>, vector<16xi32>], vector<16xf32>,
          %parallel_loop3A_454 = arith.constant 400 : i32
          %parallel_loop3A_455 = arith.muli %parallel_loop3A_451, %parallel_loop3A_454 : i32
          %parallel_loop3A_456 = arith.addi %parallel_loop3A_455, %rem3A_383 : i32
          %parallel_loop3A_457 = arith.index_cast %parallel_loop3A_456 : i32 to index
          %parallel_loop3A_458 = tpu.vector_load %arg13[%parallel_loop3A_457] {strides = array<i32>} : memref<25600xf32, #tpu.memory_space<vmem>>, vector<16xf32>,
          %parallel_loop3A_459 = arith.mulf %parallel_loop3A_453, %select_n3A_391 : vector<16xf32>
          %parallel_loop3A_460 = arith.addf %parallel_loop3A_459, %parallel_loop3A_458 : vector<16xf32>
          %parallel_loop3A_461 = arith.constant 16 : i32
          %parallel_loop3A_462 = arith.muli %parallel_loop3A_451, %parallel_loop3A_461 : i32
          %parallel_loop3A_463 = arith.index_cast %parallel_loop3A_462 : i32 to index
          %parallel_loop3A_464 = tpu.vector_load %arg12[%parallel_loop3A_463] {strides = array<i32>} : memref<1024xf32, #tpu.memory_space<vmem>>, vector<16xf32>,
          tpu.vector_store %arg12[%parallel_loop3A_463], %parallel_loop3A_460 {strides = array<i32>} : memref<1024xf32, #tpu.memory_space<vmem>>, vector<16xf32>,
          %parallel_loop3A_465 = arith.mulf %parallel_loop3A_460, %parallel_loop3A_460 : vector<16xf32>
          %parallel_loop3A_466 = arith.constant 1 : i32
          %parallel_loop3A_467 = arith.addi %parallel_loop3A_449, %parallel_loop3A_466 : i32
          %parallel_loop3A_468 = vector.broadcast %parallel_loop3A_467 : i32 to vector<16xi32>
          %parallel_loop3A_469 = tpu.vector_load_idx %arg10[%add3A_381, %parallel_loop3A_468] : memref<400x64xf32, #tpu.memory_space<vmem>>[vector<16xi32>, vector<16xi32>], vector<16xf32>,
          %parallel_loop3A_470 = arith.constant 400 : i32
          %parallel_loop3A_471 = arith.muli %parallel_loop3A_467, %parallel_loop3A_470 : i32
          %parallel_loop3A_472 = arith.addi %parallel_loop3A_471, %rem3A_383 : i32
          %parallel_loop3A_473 = arith.index_cast %parallel_loop3A_472 : i32 to index
          %parallel_loop3A_474 = tpu.vector_load %arg13[%parallel_loop3A_473] {strides = array<i32>} : memref<25600xf32, #tpu.memory_space<vmem>>, vector<16xf32>,
          %parallel_loop3A_475 = arith.mulf %parallel_loop3A_469, %select_n3A_391 : vector<16xf32>
          %parallel_loop3A_476 = arith.addf %parallel_loop3A_475, %parallel_loop3A_474 : vector<16xf32>
          %parallel_loop3A_477 = arith.constant 16 : i32
          %parallel_loop3A_478 = arith.muli %parallel_loop3A_467, %parallel_loop3A_477 : i32
          %parallel_loop3A_479 = arith.index_cast %parallel_loop3A_478 : i32 to index
          %parallel_loop3A_480 = tpu.vector_load %arg12[%parallel_loop3A_479] {strides = array<i32>} : memref<1024xf32, #tpu.memory_space<vmem>>, vector<16xf32>,
          tpu.vector_store %arg12[%parallel_loop3A_479], %parallel_loop3A_476 {strides = array<i32>} : memref<1024xf32, #tpu.memory_space<vmem>>, vector<16xf32>,
          %parallel_loop3A_481 = arith.mulf %parallel_loop3A_476, %parallel_loop3A_476 : vector<16xf32>
          %parallel_loop3A_482 = arith.constant 2 : i32
          %parallel_loop3A_483 = arith.addi %parallel_loop3A_449, %parallel_loop3A_482 : i32
          %parallel_loop3A_484 = vector.broadcast %parallel_loop3A_483 : i32 to vector<16xi32>
          %parallel_loop3A_485 = tpu.vector_load_idx %arg10[%add3A_381, %parallel_loop3A_484] : memref<400x64xf32, #tpu.memory_space<vmem>>[vector<16xi32>, vector<16xi32>], vector<16xf32>,
          %parallel_loop3A_486 = arith.constant 400 : i32
          %parallel_loop3A_487 = arith.muli %parallel_loop3A_483, %parallel_loop3A_486 : i32
          %parallel_loop3A_488 = arith.addi %parallel_loop3A_487, %rem3A_383 : i32
          %parallel_loop3A_489 = arith.index_cast %parallel_loop3A_488 : i32 to index
          %parallel_loop3A_490 = tpu.vector_load %arg13[%parallel_loop3A_489] {strides = array<i32>} : memref<25600xf32, #tpu.memory_space<vmem>>, vector<16xf32>,
          %parallel_loop3A_491 = arith.mulf %parallel_loop3A_485, %select_n3A_391 : vector<16xf32>
          %parallel_loop3A_492 = arith.addf %parallel_loop3A_491, %parallel_loop3A_490 : vector<16xf32>
          %parallel_loop3A_493 = arith.constant 16 : i32
          %parallel_loop3A_494 = arith.muli %parallel_loop3A_483, %parallel_loop3A_493 : i32
          %parallel_loop3A_495 = arith.index_cast %parallel_loop3A_494 : i32 to index
          %parallel_loop3A_496 = tpu.vector_load %arg12[%parallel_loop3A_495] {strides = array<i32>} : memref<1024xf32, #tpu.memory_space<vmem>>, vector<16xf32>,
          tpu.vector_store %arg12[%parallel_loop3A_495], %parallel_loop3A_492 {strides = array<i32>} : memref<1024xf32, #tpu.memory_space<vmem>>, vector<16xf32>,
          %parallel_loop3A_497 = arith.mulf %parallel_loop3A_492, %parallel_loop3A_492 : vector<16xf32>
          %parallel_loop3A_498 = arith.constant 3 : i32
          %parallel_loop3A_499 = arith.addi %parallel_loop3A_449, %parallel_loop3A_498 : i32
          %parallel_loop3A_500 = vector.broadcast %parallel_loop3A_499 : i32 to vector<16xi32>
          %parallel_loop3A_501 = tpu.vector_load_idx %arg10[%add3A_381, %parallel_loop3A_500] : memref<400x64xf32, #tpu.memory_space<vmem>>[vector<16xi32>, vector<16xi32>], vector<16xf32>,
          %parallel_loop3A_502 = arith.constant 400 : i32
          %parallel_loop3A_503 = arith.muli %parallel_loop3A_499, %parallel_loop3A_502 : i32
          %parallel_loop3A_504 = arith.addi %parallel_loop3A_503, %rem3A_383 : i32
          %parallel_loop3A_505 = arith.index_cast %parallel_loop3A_504 : i32 to index
          %parallel_loop3A_506 = tpu.vector_load %arg13[%parallel_loop3A_505] {strides = array<i32>} : memref<25600xf32, #tpu.memory_space<vmem>>, vector<16xf32>,
          %parallel_loop3A_507 = arith.mulf %parallel_loop3A_501, %select_n3A_391 : vector<16xf32>
          %parallel_loop3A_508 = arith.addf %parallel_loop3A_507, %parallel_loop3A_506 : vector<16xf32>
          %parallel_loop3A_509 = arith.constant 16 : i32
          %parallel_loop3A_510 = arith.muli %parallel_loop3A_499, %parallel_loop3A_509 : i32
          %parallel_loop3A_511 = arith.index_cast %parallel_loop3A_510 : i32 to index
          %parallel_loop3A_512 = tpu.vector_load %arg12[%parallel_loop3A_511] {strides = array<i32>} : memref<1024xf32, #tpu.memory_space<vmem>>, vector<16xf32>,
          tpu.vector_store %arg12[%parallel_loop3A_511], %parallel_loop3A_508 {strides = array<i32>} : memref<1024xf32, #tpu.memory_space<vmem>>, vector<16xf32>,
          %parallel_loop3A_513 = arith.mulf %parallel_loop3A_508, %parallel_loop3A_508 : vector<16xf32>
          %parallel_loop3A_514 = arith.constant 4 : i32
          %parallel_loop3A_515 = arith.addi %parallel_loop3A_449, %parallel_loop3A_514 : i32
          %parallel_loop3A_516 = vector.broadcast %parallel_loop3A_515 : i32 to vector<16xi32>
          %parallel_loop3A_517 = tpu.vector_load_idx %arg10[%add3A_381, %parallel_loop3A_516] : memref<400x64xf32, #tpu.memory_space<vmem>>[vector<16xi32>, vector<16xi32>], vector<16xf32>,
          %parallel_loop3A_518 = arith.constant 400 : i32
          %parallel_loop3A_519 = arith.muli %parallel_loop3A_515, %parallel_loop3A_518 : i32
          %parallel_loop3A_520 = arith.addi %parallel_loop3A_519, %rem3A_383 : i32
          %parallel_loop3A_521 = arith.index_cast %parallel_loop3A_520 : i32 to index
          %parallel_loop3A_522 = tpu.vector_load %arg13[%parallel_loop3A_521] {strides = array<i32>} : memref<25600xf32, #tpu.memory_space<vmem>>, vector<16xf32>,
          %parallel_loop3A_523 = arith.mulf %parallel_loop3A_517, %select_n3A_391 : vector<16xf32>
          %parallel_loop3A_524 = arith.addf %parallel_loop3A_523, %parallel_loop3A_522 : vector<16xf32>
          %parallel_loop3A_525 = arith.constant 16 : i32
          %parallel_loop3A_526 = arith.muli %parallel_loop3A_515, %parallel_loop3A_525 : i32
          %parallel_loop3A_527 = arith.index_cast %parallel_loop3A_526 : i32 to index
          %parallel_loop3A_528 = tpu.vector_load %arg12[%parallel_loop3A_527] {strides = array<i32>} : memref<1024xf32, #tpu.memory_space<vmem>>, vector<16xf32>,
          tpu.vector_store %arg12[%parallel_loop3A_527], %parallel_loop3A_524 {strides = array<i32>} : memref<1024xf32, #tpu.memory_space<vmem>>, vector<16xf32>,
          %parallel_loop3A_529 = arith.mulf %parallel_loop3A_524, %parallel_loop3A_524 : vector<16xf32>
          %parallel_loop3A_530 = arith.constant 5 : i32
          %parallel_loop3A_531 = arith.addi %parallel_loop3A_449, %parallel_loop3A_530 : i32
          %parallel_loop3A_532 = vector.broadcast %parallel_loop3A_531 : i32 to vector<16xi32>
          %parallel_loop3A_533 = tpu.vector_load_idx %arg10[%add3A_381, %parallel_loop3A_532] : memref<400x64xf32, #tpu.memory_space<vmem>>[vector<16xi32>, vector<16xi32>], vector<16xf32>,
          %parallel_loop3A_534 = arith.constant 400 : i32
          %parallel_loop3A_535 = arith.muli %parallel_loop3A_531, %parallel_loop3A_534 : i32
          %parallel_loop3A_536 = arith.addi %parallel_loop3A_535, %rem3A_383 : i32
          %parallel_loop3A_537 = arith.index_cast %parallel_loop3A_536 : i32 to index
          %parallel_loop3A_538 = tpu.vector_load %arg13[%parallel_loop3A_537] {strides = array<i32>} : memref<25600xf32, #tpu.memory_space<vmem>>, vector<16xf32>,
          %parallel_loop3A_539 = arith.mulf %parallel_loop3A_533, %select_n3A_391 : vector<16xf32>
          %parallel_loop3A_540 = arith.addf %parallel_loop3A_539, %parallel_loop3A_538 : vector<16xf32>
          %parallel_loop3A_541 = arith.constant 16 : i32
          %parallel_loop3A_542 = arith.muli %parallel_loop3A_531, %parallel_loop3A_541 : i32
          %parallel_loop3A_543 = arith.index_cast %parallel_loop3A_542 : i32 to index
          %parallel_loop3A_544 = tpu.vector_load %arg12[%parallel_loop3A_543] {strides = array<i32>} : memref<1024xf32, #tpu.memory_space<vmem>>, vector<16xf32>,
          tpu.vector_store %arg12[%parallel_loop3A_543], %parallel_loop3A_540 {strides = array<i32>} : memref<1024xf32, #tpu.memory_space<vmem>>, vector<16xf32>,
          %parallel_loop3A_545 = arith.mulf %parallel_loop3A_540, %parallel_loop3A_540 : vector<16xf32>
          %parallel_loop3A_546 = arith.constant 6 : i32
          %parallel_loop3A_547 = arith.addi %parallel_loop3A_449, %parallel_loop3A_546 : i32
          %parallel_loop3A_548 = vector.broadcast %parallel_loop3A_547 : i32 to vector<16xi32>
          %parallel_loop3A_549 = tpu.vector_load_idx %arg10[%add3A_381, %parallel_loop3A_548] : memref<400x64xf32, #tpu.memory_space<vmem>>[vector<16xi32>, vector<16xi32>], vector<16xf32>,
          %parallel_loop3A_550 = arith.constant 400 : i32
          %parallel_loop3A_551 = arith.muli %parallel_loop3A_547, %parallel_loop3A_550 : i32
          %parallel_loop3A_552 = arith.addi %parallel_loop3A_551, %rem3A_383 : i32
          %parallel_loop3A_553 = arith.index_cast %parallel_loop3A_552 : i32 to index
          %parallel_loop3A_554 = tpu.vector_load %arg13[%parallel_loop3A_553] {strides = array<i32>} : memref<25600xf32, #tpu.memory_space<vmem>>, vector<16xf32>,
          %parallel_loop3A_555 = arith.mulf %parallel_loop3A_549, %select_n3A_391 : vector<16xf32>
          %parallel_loop3A_556 = arith.addf %parallel_loop3A_555, %parallel_loop3A_554 : vector<16xf32>
          %parallel_loop3A_557 = arith.constant 16 : i32
          %parallel_loop3A_558 = arith.muli %parallel_loop3A_547, %parallel_loop3A_557 : i32
          %parallel_loop3A_559 = arith.index_cast %parallel_loop3A_558 : i32 to index
          %parallel_loop3A_560 = tpu.vector_load %arg12[%parallel_loop3A_559] {strides = array<i32>} : memref<1024xf32, #tpu.memory_space<vmem>>, vector<16xf32>,
          tpu.vector_store %arg12[%parallel_loop3A_559], %parallel_loop3A_556 {strides = array<i32>} : memref<1024xf32, #tpu.memory_space<vmem>>, vector<16xf32>,
          %parallel_loop3A_561 = arith.mulf %parallel_loop3A_556, %parallel_loop3A_556 : vector<16xf32>
          %parallel_loop3A_562 = arith.constant 7 : i32
          %parallel_loop3A_563 = arith.addi %parallel_loop3A_449, %parallel_loop3A_562 : i32
          %parallel_loop3A_564 = vector.broadcast %parallel_loop3A_563 : i32 to vector<16xi32>
          %parallel_loop3A_565 = tpu.vector_load_idx %arg10[%add3A_381, %parallel_loop3A_564] : memref<400x64xf32, #tpu.memory_space<vmem>>[vector<16xi32>, vector<16xi32>], vector<16xf32>,
          %parallel_loop3A_566 = arith.constant 400 : i32
          %parallel_loop3A_567 = arith.muli %parallel_loop3A_563, %parallel_loop3A_566 : i32
          %parallel_loop3A_568 = arith.addi %parallel_loop3A_567, %rem3A_383 : i32
          %parallel_loop3A_569 = arith.index_cast %parallel_loop3A_568 : i32 to index
          %parallel_loop3A_570 = tpu.vector_load %arg13[%parallel_loop3A_569] {strides = array<i32>} : memref<25600xf32, #tpu.memory_space<vmem>>, vector<16xf32>,
          %parallel_loop3A_571 = arith.mulf %parallel_loop3A_565, %select_n3A_391 : vector<16xf32>
          %parallel_loop3A_572 = arith.addf %parallel_loop3A_571, %parallel_loop3A_570 : vector<16xf32>
          %parallel_loop3A_573 = arith.constant 16 : i32
          %parallel_loop3A_574 = arith.muli %parallel_loop3A_563, %parallel_loop3A_573 : i32
          %parallel_loop3A_575 = arith.index_cast %parallel_loop3A_574 : i32 to index
          %parallel_loop3A_576 = tpu.vector_load %arg12[%parallel_loop3A_575] {strides = array<i32>} : memref<1024xf32, #tpu.memory_space<vmem>>, vector<16xf32>,
          tpu.vector_store %arg12[%parallel_loop3A_575], %parallel_loop3A_572 {strides = array<i32>} : memref<1024xf32, #tpu.memory_space<vmem>>, vector<16xf32>,
          %parallel_loop3A_577 = arith.mulf %parallel_loop3A_572, %parallel_loop3A_572 : vector<16xf32>
          %parallel_loop3A_578 = arith.addf %parallel_loop3A_460, %parallel_loop3A_476 : vector<16xf32>
          %parallel_loop3A_579 = arith.addf %parallel_loop3A_492, %parallel_loop3A_508 : vector<16xf32>
          %parallel_loop3A_580 = arith.addf %parallel_loop3A_524, %parallel_loop3A_540 : vector<16xf32>
          %parallel_loop3A_581 = arith.addf %parallel_loop3A_556, %parallel_loop3A_572 : vector<16xf32>
          %parallel_loop3A_582 = arith.addf %parallel_loop3A_465, %parallel_loop3A_481 : vector<16xf32>
          %parallel_loop3A_583 = arith.addf %parallel_loop3A_497, %parallel_loop3A_513 : vector<16xf32>
          %parallel_loop3A_584 = arith.addf %parallel_loop3A_529, %parallel_loop3A_545 : vector<16xf32>
          %parallel_loop3A_585 = arith.addf %parallel_loop3A_561, %parallel_loop3A_577 : vector<16xf32>
          %parallel_loop3A_586 = arith.addf %parallel_loop3A_578, %parallel_loop3A_579 : vector<16xf32>
          %parallel_loop3A_587 = arith.addf %parallel_loop3A_580, %parallel_loop3A_581 : vector<16xf32>
          %parallel_loop3A_588 = arith.addf %parallel_loop3A_582, %parallel_loop3A_583 : vector<16xf32>
          %parallel_loop3A_589 = arith.addf %parallel_loop3A_584, %parallel_loop3A_585 : vector<16xf32>
          %parallel_loop3A_590 = arith.addf %parallel_loop3A_586, %parallel_loop3A_587 : vector<16xf32>
          %parallel_loop3A_591 = arith.addf %parallel_loop3A_588, %parallel_loop3A_589 : vector<16xf32>
          %parallel_loop3A_592 = arith.addf %parallel_loop3A_446, %parallel_loop3A_590 : vector<16xf32>
          %parallel_loop3A_593 = arith.addf %parallel_loop3A_447, %parallel_loop3A_591 : vector<16xf32>
          scf.yield %parallel_loop3A_592, %parallel_loop3A_593 : vector<16xf32>, vector<16xf32>
        } {sc.loop_unroll_factor = 4 : i64, sc.parallel_access}
        %mul3A_397 = vector.broadcast %scan3A : f32 to vector<16xf32>
        %mul3A_398 = arith.mulf %parallel_loop3A_396#0, %mul3A_397 : vector<16xf32>
        %mul3A_399 = vector.broadcast %scan3A : f32 to vector<16xf32>
        %mul3A_400 = arith.mulf %parallel_loop3A_396#1, %mul3A_399 : vector<16xf32>
        %mul3A_401 = arith.mulf %mul3A_398, %mul3A_398 : vector<16xf32>
        %sub3A_402 = arith.subf %mul3A_400, %mul3A_401 : vector<16xf32>
        %max3A = arith.constant 0.000000e+00 : f32
        %max3A_403 = vector.broadcast %max3A : f32 to vector<16xf32>
        %max3A_404 = arith.maximumf %sub3A_402, %max3A_403 : vector<16xf32>
        %add3A_405 = arith.constant 9.99999996E-13 : f32
        %add3A_406 = vector.broadcast %add3A_405 : f32 to vector<16xf32>
        %add3A_407 = arith.addf %max3A_404, %add3A_406 : vector<16xf32>
        %bitcast3A = vector.bitcast %add3A_407 : vector<16xf32> to vector<16xi32>
        %shift_right_arithmetic3A = arith.constant 1 : i32
        %shift_right_arithmetic3A_408 = vector.broadcast %shift_right_arithmetic3A : i32 to vector<16xi32>
        %shift_right_arithmetic3A_409 = arith.shrsi %bitcast3A, %shift_right_arithmetic3A_408 : vector<16xi32>
        %sub3A_410 = arith.constant 1597463007 : i32
        %sub3A_411 = vector.broadcast %sub3A_410 : i32 to vector<16xi32>
        %sub3A_412 = arith.subi %sub3A_411, %shift_right_arithmetic3A_409 : vector<16xi32>
        %bitcast3A_413 = vector.bitcast %sub3A_412 : vector<16xi32> to vector<16xf32>
        %mul3A_414 = arith.constant 5.000000e-01 : f32
        %mul3A_415 = vector.broadcast %mul3A_414 : f32 to vector<16xf32>
        %mul3A_416 = arith.mulf %mul3A_415, %add3A_407 : vector<16xf32>
        %mul3A_417 = arith.mulf %mul3A_416, %bitcast3A_413 : vector<16xf32>
        %mul3A_418 = arith.mulf %mul3A_417, %bitcast3A_413 : vector<16xf32>
        %sub3A_419 = arith.constant 1.500000e+00 : f32
        %sub3A_420 = vector.broadcast %sub3A_419 : f32 to vector<16xf32>
        %sub3A_421 = arith.subf %sub3A_420, %mul3A_418 : vector<16xf32>
        %mul3A_422 = arith.mulf %bitcast3A_413, %sub3A_421 : vector<16xf32>
        %mul3A_423 = arith.constant 5.000000e-01 : f32
        %mul3A_424 = vector.broadcast %mul3A_423 : f32 to vector<16xf32>
        %mul3A_425 = arith.mulf %mul3A_424, %add3A_407 : vector<16xf32>
        %mul3A_426 = arith.mulf %mul3A_425, %mul3A_422 : vector<16xf32>
        %mul3A_427 = arith.mulf %mul3A_426, %mul3A_422 : vector<16xf32>
        %sub3A_428 = arith.constant 1.500000e+00 : f32
        %sub3A_429 = vector.broadcast %sub3A_428 : f32 to vector<16xf32>
        %sub3A_430 = arith.subf %sub3A_429, %mul3A_427 : vector<16xf32>
        %mul3A_431 = arith.mulf %mul3A_422, %sub3A_430 : vector<16xf32>
        %mul3A_432 = arith.constant 5.000000e-01 : f32
        %mul3A_433 = vector.broadcast %mul3A_432 : f32 to vector<16xf32>
        %mul3A_434 = arith.mulf %mul3A_433, %add3A_407 : vector<16xf32>
        %mul3A_435 = arith.mulf %mul3A_434, %mul3A_431 : vector<16xf32>
        %mul3A_436 = arith.mulf %mul3A_435, %mul3A_431 : vector<16xf32>
        %sub3A_437 = arith.constant 1.500000e+00 : f32
        %sub3A_438 = vector.broadcast %sub3A_437 : f32 to vector<16xf32>
        %sub3A_439 = arith.subf %sub3A_438, %mul3A_436 : vector<16xf32>
        %mul3A_440 = arith.mulf %mul3A_431, %sub3A_439 : vector<16xf32>
        %parallel_loop3A_441 = arith.constant 0 : i32
        %parallel_loop3A_442 = arith.constant 8 : i32
        %parallel_loop3A_443 = arith.constant 1 : i32
        scf.for %parallel_loop3A_445 = %parallel_loop3A_441 to %parallel_loop3A_442 step %parallel_loop3A_443  : i32 {
          %parallel_loop3A_446 = arith.constant 8 : i32
          %parallel_loop3A_447 = arith.muli %parallel_loop3A_445, %parallel_loop3A_446 : i32
          %parallel_loop3A_448 = arith.constant 0 : i32
          %parallel_loop3A_449 = arith.addi %parallel_loop3A_447, %parallel_loop3A_448 : i32
          %parallel_loop3A_450 = vector.broadcast %parallel_loop3A_449 : i32 to vector<16xi32>
          %parallel_loop3A_451 = arith.constant 16 : i32
          %parallel_loop3A_452 = arith.muli %parallel_loop3A_449, %parallel_loop3A_451 : i32
          %parallel_loop3A_453 = arith.index_cast %parallel_loop3A_452 : i32 to index
          %parallel_loop3A_454 = tpu.vector_load %arg12[%parallel_loop3A_453] {strides = array<i32>} : memref<1024xf32, #tpu.memory_space<vmem>>, vector<16xf32>,
          %parallel_loop3A_455 = arith.constant 16 : i32
          %parallel_loop3A_456 = arith.muli %parallel_loop3A_449, %parallel_loop3A_455 : i32
          %parallel_loop3A_457 = arith.index_cast %parallel_loop3A_456 : i32 to index
          %parallel_loop3A_458 = tpu.vector_load %arg14[%parallel_loop3A_457] {strides = array<i32>} : memref<1024xf32, #tpu.memory_space<vmem>>, vector<16xf32>,
          %parallel_loop3A_459 = arith.constant 16 : i32
          %parallel_loop3A_460 = arith.muli %parallel_loop3A_449, %parallel_loop3A_459 : i32
          %parallel_loop3A_461 = arith.index_cast %parallel_loop3A_460 : i32 to index
          %parallel_loop3A_462 = tpu.vector_load %arg15[%parallel_loop3A_461] {strides = array<i32>} : memref<1024xf32, #tpu.memory_space<vmem>>, vector<16xf32>,
          %parallel_loop3A_463 = arith.subf %parallel_loop3A_454, %mul3A_398 : vector<16xf32>
          %parallel_loop3A_464 = arith.mulf %parallel_loop3A_463, %mul3A_440 : vector<16xf32>
          %parallel_loop3A_465 = arith.mulf %parallel_loop3A_464, %parallel_loop3A_458 : vector<16xf32>
          %parallel_loop3A_466 = arith.addf %parallel_loop3A_465, %parallel_loop3A_462 : vector<16xf32>
          tpu.vector_store_idx %arg10[%add3A_381, %parallel_loop3A_450], %parallel_loop3A_466 : memref<400x64xf32, #tpu.memory_space<vmem>>[vector<16xi32>, vector<16xi32>], vector<16xf32>,
          %parallel_loop3A_467 = arith.constant 1 : i32
          %parallel_loop3A_468 = arith.addi %parallel_loop3A_447, %parallel_loop3A_467 : i32
          %parallel_loop3A_469 = vector.broadcast %parallel_loop3A_468 : i32 to vector<16xi32>
          %parallel_loop3A_470 = arith.constant 16 : i32
          %parallel_loop3A_471 = arith.muli %parallel_loop3A_468, %parallel_loop3A_470 : i32
          %parallel_loop3A_472 = arith.index_cast %parallel_loop3A_471 : i32 to index
          %parallel_loop3A_473 = tpu.vector_load %arg12[%parallel_loop3A_472] {strides = array<i32>} : memref<1024xf32, #tpu.memory_space<vmem>>, vector<16xf32>,
          %parallel_loop3A_474 = arith.constant 16 : i32
          %parallel_loop3A_475 = arith.muli %parallel_loop3A_468, %parallel_loop3A_474 : i32
          %parallel_loop3A_476 = arith.index_cast %parallel_loop3A_475 : i32 to index
          %parallel_loop3A_477 = tpu.vector_load %arg14[%parallel_loop3A_476] {strides = array<i32>} : memref<1024xf32, #tpu.memory_space<vmem>>, vector<16xf32>,
          %parallel_loop3A_478 = arith.constant 16 : i32
          %parallel_loop3A_479 = arith.muli %parallel_loop3A_468, %parallel_loop3A_478 : i32
          %parallel_loop3A_480 = arith.index_cast %parallel_loop3A_479 : i32 to index
          %parallel_loop3A_481 = tpu.vector_load %arg15[%parallel_loop3A_480] {strides = array<i32>} : memref<1024xf32, #tpu.memory_space<vmem>>, vector<16xf32>,
          %parallel_loop3A_482 = arith.subf %parallel_loop3A_473, %mul3A_398 : vector<16xf32>
          %parallel_loop3A_483 = arith.mulf %parallel_loop3A_482, %mul3A_440 : vector<16xf32>
          %parallel_loop3A_484 = arith.mulf %parallel_loop3A_483, %parallel_loop3A_477 : vector<16xf32>
          %parallel_loop3A_485 = arith.addf %parallel_loop3A_484, %parallel_loop3A_481 : vector<16xf32>
          tpu.vector_store_idx %arg10[%add3A_381, %parallel_loop3A_469], %parallel_loop3A_485 : memref<400x64xf32, #tpu.memory_space<vmem>>[vector<16xi32>, vector<16xi32>], vector<16xf32>,
          %parallel_loop3A_486 = arith.constant 2 : i32
          %parallel_loop3A_487 = arith.addi %parallel_loop3A_447, %parallel_loop3A_486 : i32
          %parallel_loop3A_488 = vector.broadcast %parallel_loop3A_487 : i32 to vector<16xi32>
          %parallel_loop3A_489 = arith.constant 16 : i32
          %parallel_loop3A_490 = arith.muli %parallel_loop3A_487, %parallel_loop3A_489 : i32
          %parallel_loop3A_491 = arith.index_cast %parallel_loop3A_490 : i32 to index
          %parallel_loop3A_492 = tpu.vector_load %arg12[%parallel_loop3A_491] {strides = array<i32>} : memref<1024xf32, #tpu.memory_space<vmem>>, vector<16xf32>,
          %parallel_loop3A_493 = arith.constant 16 : i32
          %parallel_loop3A_494 = arith.muli %parallel_loop3A_487, %parallel_loop3A_493 : i32
          %parallel_loop3A_495 = arith.index_cast %parallel_loop3A_494 : i32 to index
          %parallel_loop3A_496 = tpu.vector_load %arg14[%parallel_loop3A_495] {strides = array<i32>} : memref<1024xf32, #tpu.memory_space<vmem>>, vector<16xf32>,
          %parallel_loop3A_497 = arith.constant 16 : i32
          %parallel_loop3A_498 = arith.muli %parallel_loop3A_487, %parallel_loop3A_497 : i32
          %parallel_loop3A_499 = arith.index_cast %parallel_loop3A_498 : i32 to index
          %parallel_loop3A_500 = tpu.vector_load %arg15[%parallel_loop3A_499] {strides = array<i32>} : memref<1024xf32, #tpu.memory_space<vmem>>, vector<16xf32>,
          %parallel_loop3A_501 = arith.subf %parallel_loop3A_492, %mul3A_398 : vector<16xf32>
          %parallel_loop3A_502 = arith.mulf %parallel_loop3A_501, %mul3A_440 : vector<16xf32>
          %parallel_loop3A_503 = arith.mulf %parallel_loop3A_502, %parallel_loop3A_496 : vector<16xf32>
          %parallel_loop3A_504 = arith.addf %parallel_loop3A_503, %parallel_loop3A_500 : vector<16xf32>
          tpu.vector_store_idx %arg10[%add3A_381, %parallel_loop3A_488], %parallel_loop3A_504 : memref<400x64xf32, #tpu.memory_space<vmem>>[vector<16xi32>, vector<16xi32>], vector<16xf32>,
          %parallel_loop3A_505 = arith.constant 3 : i32
          %parallel_loop3A_506 = arith.addi %parallel_loop3A_447, %parallel_loop3A_505 : i32
          %parallel_loop3A_507 = vector.broadcast %parallel_loop3A_506 : i32 to vector<16xi32>
          %parallel_loop3A_508 = arith.constant 16 : i32
          %parallel_loop3A_509 = arith.muli %parallel_loop3A_506, %parallel_loop3A_508 : i32
          %parallel_loop3A_510 = arith.index_cast %parallel_loop3A_509 : i32 to index
          %parallel_loop3A_511 = tpu.vector_load %arg12[%parallel_loop3A_510] {strides = array<i32>} : memref<1024xf32, #tpu.memory_space<vmem>>, vector<16xf32>,
          %parallel_loop3A_512 = arith.constant 16 : i32
          %parallel_loop3A_513 = arith.muli %parallel_loop3A_506, %parallel_loop3A_512 : i32
          %parallel_loop3A_514 = arith.index_cast %parallel_loop3A_513 : i32 to index
          %parallel_loop3A_515 = tpu.vector_load %arg14[%parallel_loop3A_514] {strides = array<i32>} : memref<1024xf32, #tpu.memory_space<vmem>>, vector<16xf32>,
          %parallel_loop3A_516 = arith.constant 16 : i32
          %parallel_loop3A_517 = arith.muli %parallel_loop3A_506, %parallel_loop3A_516 : i32
          %parallel_loop3A_518 = arith.index_cast %parallel_loop3A_517 : i32 to index
          %parallel_loop3A_519 = tpu.vector_load %arg15[%parallel_loop3A_518] {strides = array<i32>} : memref<1024xf32, #tpu.memory_space<vmem>>, vector<16xf32>,
          %parallel_loop3A_520 = arith.subf %parallel_loop3A_511, %mul3A_398 : vector<16xf32>
          %parallel_loop3A_521 = arith.mulf %parallel_loop3A_520, %mul3A_440 : vector<16xf32>
          %parallel_loop3A_522 = arith.mulf %parallel_loop3A_521, %parallel_loop3A_515 : vector<16xf32>
          %parallel_loop3A_523 = arith.addf %parallel_loop3A_522, %parallel_loop3A_519 : vector<16xf32>
          tpu.vector_store_idx %arg10[%add3A_381, %parallel_loop3A_507], %parallel_loop3A_523 : memref<400x64xf32, #tpu.memory_space<vmem>>[vector<16xi32>, vector<16xi32>], vector<16xf32>,
          %parallel_loop3A_524 = arith.constant 4 : i32
          %parallel_loop3A_525 = arith.addi %parallel_loop3A_447, %parallel_loop3A_524 : i32
          %parallel_loop3A_526 = vector.broadcast %parallel_loop3A_525 : i32 to vector<16xi32>
          %parallel_loop3A_527 = arith.constant 16 : i32
          %parallel_loop3A_528 = arith.muli %parallel_loop3A_525, %parallel_loop3A_527 : i32
          %parallel_loop3A_529 = arith.index_cast %parallel_loop3A_528 : i32 to index
          %parallel_loop3A_530 = tpu.vector_load %arg12[%parallel_loop3A_529] {strides = array<i32>} : memref<1024xf32, #tpu.memory_space<vmem>>, vector<16xf32>,
          %parallel_loop3A_531 = arith.constant 16 : i32
          %parallel_loop3A_532 = arith.muli %parallel_loop3A_525, %parallel_loop3A_531 : i32
          %parallel_loop3A_533 = arith.index_cast %parallel_loop3A_532 : i32 to index
          %parallel_loop3A_534 = tpu.vector_load %arg14[%parallel_loop3A_533] {strides = array<i32>} : memref<1024xf32, #tpu.memory_space<vmem>>, vector<16xf32>,
          %parallel_loop3A_535 = arith.constant 16 : i32
          %parallel_loop3A_536 = arith.muli %parallel_loop3A_525, %parallel_loop3A_535 : i32
          %parallel_loop3A_537 = arith.index_cast %parallel_loop3A_536 : i32 to index
          %parallel_loop3A_538 = tpu.vector_load %arg15[%parallel_loop3A_537] {strides = array<i32>} : memref<1024xf32, #tpu.memory_space<vmem>>, vector<16xf32>,
          %parallel_loop3A_539 = arith.subf %parallel_loop3A_530, %mul3A_398 : vector<16xf32>
          %parallel_loop3A_540 = arith.mulf %parallel_loop3A_539, %mul3A_440 : vector<16xf32>
          %parallel_loop3A_541 = arith.mulf %parallel_loop3A_540, %parallel_loop3A_534 : vector<16xf32>
          %parallel_loop3A_542 = arith.addf %parallel_loop3A_541, %parallel_loop3A_538 : vector<16xf32>
          tpu.vector_store_idx %arg10[%add3A_381, %parallel_loop3A_526], %parallel_loop3A_542 : memref<400x64xf32, #tpu.memory_space<vmem>>[vector<16xi32>, vector<16xi32>], vector<16xf32>,
          %parallel_loop3A_543 = arith.constant 5 : i32
          %parallel_loop3A_544 = arith.addi %parallel_loop3A_447, %parallel_loop3A_543 : i32
          %parallel_loop3A_545 = vector.broadcast %parallel_loop3A_544 : i32 to vector<16xi32>
          %parallel_loop3A_546 = arith.constant 16 : i32
          %parallel_loop3A_547 = arith.muli %parallel_loop3A_544, %parallel_loop3A_546 : i32
          %parallel_loop3A_548 = arith.index_cast %parallel_loop3A_547 : i32 to index
          %parallel_loop3A_549 = tpu.vector_load %arg12[%parallel_loop3A_548] {strides = array<i32>} : memref<1024xf32, #tpu.memory_space<vmem>>, vector<16xf32>,
          %parallel_loop3A_550 = arith.constant 16 : i32
          %parallel_loop3A_551 = arith.muli %parallel_loop3A_544, %parallel_loop3A_550 : i32
          %parallel_loop3A_552 = arith.index_cast %parallel_loop3A_551 : i32 to index
          %parallel_loop3A_553 = tpu.vector_load %arg14[%parallel_loop3A_552] {strides = array<i32>} : memref<1024xf32, #tpu.memory_space<vmem>>, vector<16xf32>,
          %parallel_loop3A_554 = arith.constant 16 : i32
          %parallel_loop3A_555 = arith.muli %parallel_loop3A_544, %parallel_loop3A_554 : i32
          %parallel_loop3A_556 = arith.index_cast %parallel_loop3A_555 : i32 to index
          %parallel_loop3A_557 = tpu.vector_load %arg15[%parallel_loop3A_556] {strides = array<i32>} : memref<1024xf32, #tpu.memory_space<vmem>>, vector<16xf32>,
          %parallel_loop3A_558 = arith.subf %parallel_loop3A_549, %mul3A_398 : vector<16xf32>
          %parallel_loop3A_559 = arith.mulf %parallel_loop3A_558, %mul3A_440 : vector<16xf32>
          %parallel_loop3A_560 = arith.mulf %parallel_loop3A_559, %parallel_loop3A_553 : vector<16xf32>
          %parallel_loop3A_561 = arith.addf %parallel_loop3A_560, %parallel_loop3A_557 : vector<16xf32>
          tpu.vector_store_idx %arg10[%add3A_381, %parallel_loop3A_545], %parallel_loop3A_561 : memref<400x64xf32, #tpu.memory_space<vmem>>[vector<16xi32>, vector<16xi32>], vector<16xf32>,
          %parallel_loop3A_562 = arith.constant 6 : i32
          %parallel_loop3A_563 = arith.addi %parallel_loop3A_447, %parallel_loop3A_562 : i32
          %parallel_loop3A_564 = vector.broadcast %parallel_loop3A_563 : i32 to vector<16xi32>
          %parallel_loop3A_565 = arith.constant 16 : i32
          %parallel_loop3A_566 = arith.muli %parallel_loop3A_563, %parallel_loop3A_565 : i32
          %parallel_loop3A_567 = arith.index_cast %parallel_loop3A_566 : i32 to index
          %parallel_loop3A_568 = tpu.vector_load %arg12[%parallel_loop3A_567] {strides = array<i32>} : memref<1024xf32, #tpu.memory_space<vmem>>, vector<16xf32>,
          %parallel_loop3A_569 = arith.constant 16 : i32
          %parallel_loop3A_570 = arith.muli %parallel_loop3A_563, %parallel_loop3A_569 : i32
          %parallel_loop3A_571 = arith.index_cast %parallel_loop3A_570 : i32 to index
          %parallel_loop3A_572 = tpu.vector_load %arg14[%parallel_loop3A_571] {strides = array<i32>} : memref<1024xf32, #tpu.memory_space<vmem>>, vector<16xf32>,
          %parallel_loop3A_573 = arith.constant 16 : i32
          %parallel_loop3A_574 = arith.muli %parallel_loop3A_563, %parallel_loop3A_573 : i32
          %parallel_loop3A_575 = arith.index_cast %parallel_loop3A_574 : i32 to index
          %parallel_loop3A_576 = tpu.vector_load %arg15[%parallel_loop3A_575] {strides = array<i32>} : memref<1024xf32, #tpu.memory_space<vmem>>, vector<16xf32>,
          %parallel_loop3A_577 = arith.subf %parallel_loop3A_568, %mul3A_398 : vector<16xf32>
          %parallel_loop3A_578 = arith.mulf %parallel_loop3A_577, %mul3A_440 : vector<16xf32>
          %parallel_loop3A_579 = arith.mulf %parallel_loop3A_578, %parallel_loop3A_572 : vector<16xf32>
          %parallel_loop3A_580 = arith.addf %parallel_loop3A_579, %parallel_loop3A_576 : vector<16xf32>
          tpu.vector_store_idx %arg10[%add3A_381, %parallel_loop3A_564], %parallel_loop3A_580 : memref<400x64xf32, #tpu.memory_space<vmem>>[vector<16xi32>, vector<16xi32>], vector<16xf32>,
          %parallel_loop3A_581 = arith.constant 7 : i32
          %parallel_loop3A_582 = arith.addi %parallel_loop3A_447, %parallel_loop3A_581 : i32
          %parallel_loop3A_583 = vector.broadcast %parallel_loop3A_582 : i32 to vector<16xi32>
          %parallel_loop3A_584 = arith.constant 16 : i32
          %parallel_loop3A_585 = arith.muli %parallel_loop3A_582, %parallel_loop3A_584 : i32
          %parallel_loop3A_586 = arith.index_cast %parallel_loop3A_585 : i32 to index
          %parallel_loop3A_587 = tpu.vector_load %arg12[%parallel_loop3A_586] {strides = array<i32>} : memref<1024xf32, #tpu.memory_space<vmem>>, vector<16xf32>,
          %parallel_loop3A_588 = arith.constant 16 : i32
          %parallel_loop3A_589 = arith.muli %parallel_loop3A_582, %parallel_loop3A_588 : i32
          %parallel_loop3A_590 = arith.index_cast %parallel_loop3A_589 : i32 to index
          %parallel_loop3A_591 = tpu.vector_load %arg14[%parallel_loop3A_590] {strides = array<i32>} : memref<1024xf32, #tpu.memory_space<vmem>>, vector<16xf32>,
          %parallel_loop3A_592 = arith.constant 16 : i32
          %parallel_loop3A_593 = arith.muli %parallel_loop3A_582, %parallel_loop3A_592 : i32
          %parallel_loop3A_594 = arith.index_cast %parallel_loop3A_593 : i32 to index
          %parallel_loop3A_595 = tpu.vector_load %arg15[%parallel_loop3A_594] {strides = array<i32>} : memref<1024xf32, #tpu.memory_space<vmem>>, vector<16xf32>,
          %parallel_loop3A_596 = arith.subf %parallel_loop3A_587, %mul3A_398 : vector<16xf32>
          %parallel_loop3A_597 = arith.mulf %parallel_loop3A_596, %mul3A_440 : vector<16xf32>
          %parallel_loop3A_598 = arith.mulf %parallel_loop3A_597, %parallel_loop3A_591 : vector<16xf32>
          %parallel_loop3A_599 = arith.addf %parallel_loop3A_598, %parallel_loop3A_595 : vector<16xf32>
          tpu.vector_store_idx %arg10[%add3A_381, %parallel_loop3A_583], %parallel_loop3A_599 : memref<400x64xf32, #tpu.memory_space<vmem>>[vector<16xi32>, vector<16xi32>], vector<16xf32>,
        } {sc.loop_unroll_factor = 4 : i64, sc.parallel_access}
        %scan3A_444 = arith.constant 0 : i32
        scf.yield %scan3A_444 : i32
      }
      %scan3A_202 = arith.constant 25 : i32
      %mul3A_203 = arith.constant 25600 : i32
      %mul3A_204 = arith.muli %add3A, %mul3A_203 : i32
      %mul3A_205 = arith.constant 400 : i32
      %mul3A_206 = arith.muli %add3A_159, %mul3A_205 : i32
      %add3A_207 = arith.addi %mul3A_204, %mul3A_206 : i32
      %jit3A_208 = arith.constant 200 : i32
      %div3A_209 = arith.divsi %add3A_207, %jit3A_208 : i32
      %sign3A_210 = arith.constant 0 : i32
      %sign3A_211 = arith.cmpi sgt, %add3A_207, %sign3A_210 : i32
      %sign3A_212 = arith.extui %sign3A_211 : i1 to i32
      %sign3A_213 = arith.constant 0 : i32
      %sign3A_214 = arith.cmpi slt, %add3A_207, %sign3A_213 : i32
      %sign3A_215 = arith.extui %sign3A_214 : i1 to i32
      %sign3A_216 = arith.subi %sign3A_212, %sign3A_215 : i32
      %sign3A_217 = arith.constant 0 : i32
      %sign3A_218 = arith.cmpi sgt, %jit3A_208, %sign3A_217 : i32
      %sign3A_219 = arith.extui %sign3A_218 : i1 to i32
      %sign3A_220 = arith.constant 0 : i32
      %sign3A_221 = arith.cmpi slt, %jit3A_208, %sign3A_220 : i32
      %sign3A_222 = arith.extui %sign3A_221 : i1 to i32
      %sign3A_223 = arith.subi %sign3A_219, %sign3A_222 : i32
      %ne3A_224 = arith.cmpi ne, %sign3A_216, %sign3A_223 : i32
      %rem3A_225 = arith.remsi %add3A_207, %jit3A_208 : i32
      %ne3A_226 = arith.constant 0 : i32
      %ne3A_227 = arith.cmpi ne, %rem3A_225, %ne3A_226 : i32
      %and3A_228 = arith.andi %ne3A_224, %ne3A_227 : i1
      %sub3A_229 = arith.constant 1 : i32
      %sub3A_230 = arith.subi %div3A_209, %sub3A_229 : i32
      %select_n3A_231 = arith.select %and3A_228, %sub3A_230, %div3A_209 : i32
      %add3A_232 = arith.constant 0 : i32
      %add3A_233 = arith.addi %select_n3A_231, %add3A_232 : i32
      %dma_start3A_234 = arith.constant 0 : i32
      %dma_start3A_235 = arith.constant 0 : i32
      %dma_start3A_236 = tpu.memref_slice %arg10[%dma_start3A_234, %dma_start3A_235] : memref<400x64xf32, #tpu.memory_space<vmem>> -> memref<200x64xf32, #tpu.memory_space<vmem>>
      %dma_start3A_237 = arith.constant 0 : i32
      %dma_start3A_238 = arith.constant 0 : i32
      %dma_start3A_239 = tpu.memref_slice %arg7[%add3A_233, %dma_start3A_237, %dma_start3A_238] : memref<4096x200x64xf32, #tpu.memory_space<hbm>> -> memref<1x200x64xf32, #tpu.memory_space<hbm>>
      %dma_start3A_240 = tpu.memref_squeeze %dma_start3A_239 : memref<1x200x64xf32, #tpu.memory_space<hbm>> -> memref<200x64xf32, #tpu.memory_space<hbm>>
      %dma_start3A_241 = arith.constant 0 : i32
      %dma_start3A_242 = arith.constant 0 : i32
      %dma_start3A_243 = tpu.memref_slice %arg7[%add3A_233, %dma_start3A_241, %dma_start3A_242] : memref<4096x200x64xf32, #tpu.memory_space<hbm>> -> memref<1x200x64xf32, #tpu.memory_space<hbm>>
      %dma_start3A_244 = tpu.memref_squeeze %dma_start3A_243 : memref<1x200x64xf32, #tpu.memory_space<hbm>> -> memref<200x64xf32, #tpu.memory_space<hbm>>
      %dma_start3A_245 = arith.constant 0 : i32
      %dma_start3A_246 = arith.constant 0 : i32
      %dma_start3A_247 = tpu.memref_slice %arg10[%dma_start3A_245, %dma_start3A_246] : memref<400x64xf32, #tpu.memory_space<vmem>> -> memref<200x64xf32, #tpu.memory_space<vmem>>
      tpu.enqueue_dma source(%dma_start3A_247 : memref<200x64xf32, #tpu.memory_space<vmem>>) target(%dma_start3A_244 : memref<200x64xf32, #tpu.memory_space<hbm>>) target_semaphore(%arg18 : memref<!tpu.dma_semaphore, #tpu.memory_space<semaphore_mem>>)
      %add3A_248 = arith.constant 1 : i32
      %add3A_249 = arith.addi %select_n3A_231, %add3A_248 : i32
      %dma_start3A_250 = arith.constant 200 : i32
      %dma_start3A_251 = arith.constant 0 : i32
      %dma_start3A_252 = tpu.memref_slice %arg10[%dma_start3A_250, %dma_start3A_251] : memref<400x64xf32, #tpu.memory_space<vmem>> -> memref<200x64xf32, #tpu.memory_space<vmem>>
      %dma_start3A_253 = arith.constant 0 : i32
      %dma_start3A_254 = arith.constant 0 : i32
      %dma_start3A_255 = tpu.memref_slice %arg7[%add3A_249, %dma_start3A_253, %dma_start3A_254] : memref<4096x200x64xf32, #tpu.memory_space<hbm>> -> memref<1x200x64xf32, #tpu.memory_space<hbm>>
      %dma_start3A_256 = tpu.memref_squeeze %dma_start3A_255 : memref<1x200x64xf32, #tpu.memory_space<hbm>> -> memref<200x64xf32, #tpu.memory_space<hbm>>
      %dma_start3A_257 = arith.constant 0 : i32
      %dma_start3A_258 = arith.constant 0 : i32
      %dma_start3A_259 = tpu.memref_slice %arg7[%add3A_249, %dma_start3A_257, %dma_start3A_258] : memref<4096x200x64xf32, #tpu.memory_space<hbm>> -> memref<1x200x64xf32, #tpu.memory_space<hbm>>
      %dma_start3A_260 = tpu.memref_squeeze %dma_start3A_259 : memref<1x200x64xf32, #tpu.memory_space<hbm>> -> memref<200x64xf32, #tpu.memory_space<hbm>>
      %dma_start3A_261 = arith.constant 200 : i32
      %dma_start3A_262 = arith.constant 0 : i32
      %dma_start3A_263 = tpu.memref_slice %arg10[%dma_start3A_261, %dma_start3A_262] : memref<400x64xf32, #tpu.memory_space<vmem>> -> memref<200x64xf32, #tpu.memory_space<vmem>>
      tpu.enqueue_dma source(%dma_start3A_263 : memref<200x64xf32, #tpu.memory_space<vmem>>) target(%dma_start3A_260 : memref<200x64xf32, #tpu.memory_space<hbm>>) target_semaphore(%arg18 : memref<!tpu.dma_semaphore, #tpu.memory_space<semaphore_mem>>)
      %mul3A_264 = arith.constant 2 : i32
      %mul3A_265 = arith.muli %mul3A_264, %scan3A_154 : i32
      %add3A_266 = arith.constant 1 : i32
      %add3A_267 = arith.addi %mul3A_265, %add3A_266 : i32
      %add3A_268 = arith.constant 1 : i32
      %add3A_269 = arith.addi %add3A_267, %add3A_268 : i32
      %lt3A_270 = arith.constant 64 : i32
      %lt3A_271 = arith.cmpi slt, %add3A_269, %lt3A_270 : i32
      %convert_element_type3A_272 = arith.extui %lt3A_271 : i1 to i32
      %cond3A_273 = arith.constant 0 : i32
      %cond3A_274 = arith.cmpi ne, %convert_element_type3A_272, %cond3A_273 : i32
      scf.if %cond3A_274 {
        %ge3A = arith.constant 1 : i32
        %ge3A_376 = arith.cmpi sge, %add3A_267, %ge3A : i32
        %convert_element_type3A_377 = arith.extui %ge3A_376 : i1 to i32
        %cond3A_378 = arith.constant 0 : i32
        %cond3A_379 = arith.cmpi ne, %convert_element_type3A_377, %cond3A_378 : i32
        scf.if %cond3A_379 {
          %sub3A_419 = arith.constant 1 : i32
          %sub3A_420 = arith.subi %add3A_267, %sub3A_419 : i32
          %mul3A_421 = arith.constant 25600 : i32
          %mul3A_422 = arith.muli %add3A, %mul3A_421 : i32
          %mul3A_423 = arith.constant 400 : i32
          %mul3A_424 = arith.muli %sub3A_420, %mul3A_423 : i32
          %add3A_425 = arith.addi %mul3A_422, %mul3A_424 : i32
          %jit3A_426 = arith.constant 200 : i32
          %div3A_427 = arith.divsi %add3A_425, %jit3A_426 : i32
          %sign3A_428 = arith.constant 0 : i32
          %sign3A_429 = arith.cmpi sgt, %add3A_425, %sign3A_428 : i32
          %sign3A_430 = arith.extui %sign3A_429 : i1 to i32
          %sign3A_431 = arith.constant 0 : i32
          %sign3A_432 = arith.cmpi slt, %add3A_425, %sign3A_431 : i32
          %sign3A_433 = arith.extui %sign3A_432 : i1 to i32
          %sign3A_434 = arith.subi %sign3A_430, %sign3A_433 : i32
          %sign3A_435 = arith.constant 0 : i32
          %sign3A_436 = arith.cmpi sgt, %jit3A_426, %sign3A_435 : i32
          %sign3A_437 = arith.extui %sign3A_436 : i1 to i32
          %sign3A_438 = arith.constant 0 : i32
          %sign3A_439 = arith.cmpi slt, %jit3A_426, %sign3A_438 : i32
          %sign3A_440 = arith.extui %sign3A_439 : i1 to i32
          %sign3A_441 = arith.subi %sign3A_437, %sign3A_440 : i32
          %ne3A_442 = arith.cmpi ne, %sign3A_434, %sign3A_441 : i32
          %rem3A_443 = arith.remsi %add3A_425, %jit3A_426 : i32
          %ne3A_444 = arith.constant 0 : i32
          %ne3A_445 = arith.cmpi ne, %rem3A_443, %ne3A_444 : i32
          %and3A_446 = arith.andi %ne3A_442, %ne3A_445 : i1
          %sub3A_447 = arith.constant 1 : i32
          %sub3A_448 = arith.subi %div3A_427, %sub3A_447 : i32
          %select_n3A_449 = arith.select %and3A_446, %sub3A_448, %div3A_427 : i32
          %add3A_450 = arith.constant 0 : i32
          %add3A_451 = arith.addi %select_n3A_449, %add3A_450 : i32
          %dma_wait3A_452 = arith.constant 0 : i32
          %dma_wait3A_453 = arith.constant 0 : i32
          %dma_wait3A_454 = tpu.memref_slice %arg10[%dma_wait3A_452, %dma_wait3A_453] : memref<400x64xf32, #tpu.memory_space<vmem>> -> memref<200x64xf32, #tpu.memory_space<vmem>>
          %dma_wait3A_455 = arith.constant 0 : i32
          %dma_wait3A_456 = arith.constant 0 : i32
          %dma_wait3A_457 = tpu.memref_slice %arg7[%add3A_451, %dma_wait3A_455, %dma_wait3A_456] : memref<4096x200x64xf32, #tpu.memory_space<hbm>> -> memref<1x200x64xf32, #tpu.memory_space<hbm>>
          %dma_wait3A_458 = tpu.memref_squeeze %dma_wait3A_457 : memref<1x200x64xf32, #tpu.memory_space<hbm>> -> memref<200x64xf32, #tpu.memory_space<hbm>>
          %dma_wait3A_459 = arith.constant 0 : i32
          %dma_wait3A_460 = arith.constant 0 : i32
          %dma_wait3A_461 = tpu.memref_slice %arg7[%add3A_451, %dma_wait3A_459, %dma_wait3A_460] : memref<4096x200x64xf32, #tpu.memory_space<hbm>> -> memref<1x200x64xf32, #tpu.memory_space<hbm>>
          %dma_wait3A_462 = tpu.memref_squeeze %dma_wait3A_461 : memref<1x200x64xf32, #tpu.memory_space<hbm>> -> memref<200x64xf32, #tpu.memory_space<hbm>>
          %dma_wait3A_463 = arith.constant 0 : i32
          %dma_wait3A_464 = arith.constant 0 : i32
          %dma_wait3A_465 = tpu.memref_slice %arg10[%dma_wait3A_463, %dma_wait3A_464] : memref<400x64xf32, #tpu.memory_space<vmem>> -> memref<200x64xf32, #tpu.memory_space<vmem>>
          tpu.wait_dma2 semaphore(%arg18 : memref<!tpu.dma_semaphore, #tpu.memory_space<semaphore_mem>>) src(%dma_wait3A_465 : memref<200x64xf32, #tpu.memory_space<vmem>>) dst(%dma_wait3A_462 : memref<200x64xf32, #tpu.memory_space<hbm>>)
          %add3A_466 = arith.constant 1 : i32
          %add3A_467 = arith.addi %select_n3A_449, %add3A_466 : i32
          %dma_wait3A_468 = arith.constant 200 : i32
          %dma_wait3A_469 = arith.constant 0 : i32
          %dma_wait3A_470 = tpu.memref_slice %arg10[%dma_wait3A_468, %dma_wait3A_469] : memref<400x64xf32, #tpu.memory_space<vmem>> -> memref<200x64xf32, #tpu.memory_space<vmem>>
          %dma_wait3A_471 = arith.constant 0 : i32
          %dma_wait3A_472 = arith.constant 0 : i32
          %dma_wait3A_473 = tpu.memref_slice %arg7[%add3A_467, %dma_wait3A_471, %dma_wait3A_472] : memref<4096x200x64xf32, #tpu.memory_space<hbm>> -> memref<1x200x64xf32, #tpu.memory_space<hbm>>
          %dma_wait3A_474 = tpu.memref_squeeze %dma_wait3A_473 : memref<1x200x64xf32, #tpu.memory_space<hbm>> -> memref<200x64xf32, #tpu.memory_space<hbm>>
          %dma_wait3A_475 = arith.constant 0 : i32
          %dma_wait3A_476 = arith.constant 0 : i32
          %dma_wait3A_477 = tpu.memref_slice %arg7[%add3A_467, %dma_wait3A_475, %dma_wait3A_476] : memref<4096x200x64xf32, #tpu.memory_space<hbm>> -> memref<1x200x64xf32, #tpu.memory_space<hbm>>
          %dma_wait3A_478 = tpu.memref_squeeze %dma_wait3A_477 : memref<1x200x64xf32, #tpu.memory_space<hbm>> -> memref<200x64xf32, #tpu.memory_space<hbm>>
          %dma_wait3A_479 = arith.constant 200 : i32
          %dma_wait3A_480 = arith.constant 0 : i32
          %dma_wait3A_481 = tpu.memref_slice %arg10[%dma_wait3A_479, %dma_wait3A_480] : memref<400x64xf32, #tpu.memory_space<vmem>> -> memref<200x64xf32, #tpu.memory_space<vmem>>
          tpu.wait_dma2 semaphore(%arg18 : memref<!tpu.dma_semaphore, #tpu.memory_space<semaphore_mem>>) src(%dma_wait3A_481 : memref<200x64xf32, #tpu.memory_space<vmem>>) dst(%dma_wait3A_478 : memref<200x64xf32, #tpu.memory_space<hbm>>)
        } else {
        }
        %add3A_380 = arith.constant 1 : i32
        %add3A_381 = arith.addi %add3A_267, %add3A_380 : i32
        %mul3A_382 = arith.constant 25600 : i32
        %mul3A_383 = arith.muli %add3A, %mul3A_382 : i32
        %mul3A_384 = arith.constant 400 : i32
        %mul3A_385 = arith.muli %add3A_381, %mul3A_384 : i32
        %add3A_386 = arith.addi %mul3A_383, %mul3A_385 : i32
        "tpu.region"() ({
          %run_scoped3A = tpu.sem_alloc : memref<!tpu.dma_semaphore, #tpu.memory_space<semaphore_mem>>
          %dma_start3A_419 = tpu.memref_slice %arg2[%add3A_386] : memref<819200xi32, #tpu.memory_space<hbm>> -> memref<400xi32, #tpu.memory_space<hbm>>
          %dma_start3A_420 = tpu.memref_slice %arg2[%add3A_386] : memref<819200xi32, #tpu.memory_space<hbm>> -> memref<400xi32, #tpu.memory_space<hbm>>
          tpu.enqueue_dma source(%dma_start3A_420 : memref<400xi32, #tpu.memory_space<hbm>>) target(%arg8 : memref<400xi32, #tpu.memory_space<vmem>>) target_semaphore(%run_scoped3A : memref<!tpu.dma_semaphore, #tpu.memory_space<semaphore_mem>>)
          %dma_wait3A_421 = tpu.memref_slice %arg2[%add3A_386] : memref<819200xi32, #tpu.memory_space<hbm>> -> memref<400xi32, #tpu.memory_space<hbm>>
          %dma_wait3A_422 = tpu.memref_slice %arg2[%add3A_386] : memref<819200xi32, #tpu.memory_space<hbm>> -> memref<400xi32, #tpu.memory_space<hbm>>
          tpu.wait_dma2 semaphore(%run_scoped3A : memref<!tpu.dma_semaphore, #tpu.memory_space<semaphore_mem>>) src(%dma_wait3A_422 : memref<400xi32, #tpu.memory_space<hbm>>) dst(%arg8 : memref<400xi32, #tpu.memory_space<vmem>>)
          tpu.yield
        }) : () -> ()
        %dma_start3A_387 = arith.constant 0 : i32
        %dma_start3A_388 = arith.constant 0 : i32
        %dma_start3A_389 = tpu.memref_slice %arg10[%dma_start3A_387, %dma_start3A_388] : memref<400x64xf32, #tpu.memory_space<vmem>> -> memref<128x64xf32, #tpu.memory_space<vmem>>
        %dma_start3A_390 = arith.constant 0 : i32
        %dma_start3A_391 = tpu.memref_slice %arg8[%dma_start3A_390] : memref<400xi32, #tpu.memory_space<vmem>> -> memref<128xi32, #tpu.memory_space<vmem>>
        %dma_start3A_392 = arith.constant 0 : i32
        %dma_start3A_393 = arith.constant 0 : i32
        %dma_start3A_394 = tpu.memref_slice %arg3[%dma_start3A_392, %dma_start3A_393] : memref<100000x64xf32, #tpu.memory_space<hbm>> -> memref<100000x64xf32, #tpu.memory_space<hbm>>
        tpu.enqueue_indirect_dma source(%dma_start3A_394 : memref<100000x64xf32, #tpu.memory_space<hbm>>) target(%dma_start3A_389 : memref<128x64xf32, #tpu.memory_space<vmem>>) offsets(%dma_start3A_391 : memref<128xi32, #tpu.memory_space<vmem>>) semaphore(%arg16 : memref<!tpu.dma_semaphore, #tpu.memory_space<semaphore_mem>>)
        %dma_start3A_395 = arith.constant 128 : i32
        %dma_start3A_396 = arith.constant 0 : i32
        %dma_start3A_397 = tpu.memref_slice %arg10[%dma_start3A_395, %dma_start3A_396] : memref<400x64xf32, #tpu.memory_space<vmem>> -> memref<72x64xf32, #tpu.memory_space<vmem>>
        %dma_start3A_398 = arith.constant 128 : i32
        %dma_start3A_399 = tpu.memref_slice %arg8[%dma_start3A_398] : memref<400xi32, #tpu.memory_space<vmem>> -> memref<72xi32, #tpu.memory_space<vmem>>
        %dma_start3A_400 = arith.constant 0 : i32
        %dma_start3A_401 = arith.constant 0 : i32
        %dma_start3A_402 = tpu.memref_slice %arg3[%dma_start3A_400, %dma_start3A_401] : memref<100000x64xf32, #tpu.memory_space<hbm>> -> memref<100000x64xf32, #tpu.memory_space<hbm>>
        tpu.enqueue_indirect_dma source(%dma_start3A_402 : memref<100000x64xf32, #tpu.memory_space<hbm>>) target(%dma_start3A_397 : memref<72x64xf32, #tpu.memory_space<vmem>>) offsets(%dma_start3A_399 : memref<72xi32, #tpu.memory_space<vmem>>) semaphore(%arg16 : memref<!tpu.dma_semaphore, #tpu.memory_space<semaphore_mem>>)
        %dma_start3A_403 = arith.constant 200 : i32
        %dma_start3A_404 = arith.constant 0 : i32
        %dma_start3A_405 = tpu.memref_slice %arg10[%dma_start3A_403, %dma_start3A_404] : memref<400x64xf32, #tpu.memory_space<vmem>> -> memref<128x64xf32, #tpu.memory_space<vmem>>
        %dma_start3A_406 = arith.constant 200 : i32
        %dma_start3A_407 = tpu.memref_slice %arg8[%dma_start3A_406] : memref<400xi32, #tpu.memory_space<vmem>> -> memref<128xi32, #tpu.memory_space<vmem>>
        %dma_start3A_408 = arith.constant 0 : i32
        %dma_start3A_409 = arith.constant 0 : i32
        %dma_start3A_410 = tpu.memref_slice %arg3[%dma_start3A_408, %dma_start3A_409] : memref<100000x64xf32, #tpu.memory_space<hbm>> -> memref<100000x64xf32, #tpu.memory_space<hbm>>
        tpu.enqueue_indirect_dma source(%dma_start3A_410 : memref<100000x64xf32, #tpu.memory_space<hbm>>) target(%dma_start3A_405 : memref<128x64xf32, #tpu.memory_space<vmem>>) offsets(%dma_start3A_407 : memref<128xi32, #tpu.memory_space<vmem>>) semaphore(%arg16 : memref<!tpu.dma_semaphore, #tpu.memory_space<semaphore_mem>>)
        %dma_start3A_411 = arith.constant 328 : i32
        %dma_start3A_412 = arith.constant 0 : i32
        %dma_start3A_413 = tpu.memref_slice %arg10[%dma_start3A_411, %dma_start3A_412] : memref<400x64xf32, #tpu.memory_space<vmem>> -> memref<72x64xf32, #tpu.memory_space<vmem>>
        %dma_start3A_414 = arith.constant 328 : i32
        %dma_start3A_415 = tpu.memref_slice %arg8[%dma_start3A_414] : memref<400xi32, #tpu.memory_space<vmem>> -> memref<72xi32, #tpu.memory_space<vmem>>
        %dma_start3A_416 = arith.constant 0 : i32
        %dma_start3A_417 = arith.constant 0 : i32
        %dma_start3A_418 = tpu.memref_slice %arg3[%dma_start3A_416, %dma_start3A_417] : memref<100000x64xf32, #tpu.memory_space<hbm>> -> memref<100000x64xf32, #tpu.memory_space<hbm>>
        tpu.enqueue_indirect_dma source(%dma_start3A_418 : memref<100000x64xf32, #tpu.memory_space<hbm>>) target(%dma_start3A_413 : memref<72x64xf32, #tpu.memory_space<vmem>>) offsets(%dma_start3A_415 : memref<72xi32, #tpu.memory_space<vmem>>) semaphore(%arg16 : memref<!tpu.dma_semaphore, #tpu.memory_space<semaphore_mem>>)
      } else {
      }
      %dma_wait3A_275 = arith.constant 0 : i32
      %dma_wait3A_276 = arith.constant 0 : i32
      %dma_wait3A_277 = tpu.memref_slice %arg11[%dma_wait3A_275, %dma_wait3A_276] : memref<400x64xf32, #tpu.memory_space<vmem>> -> memref<128x64xf32, #tpu.memory_space<vmem>>
      %dma_wait3A_278 = arith.constant 0 : i32
      %dma_wait3A_279 = tpu.memref_slice %arg9[%dma_wait3A_278] : memref<400xi32, #tpu.memory_space<vmem>> -> memref<128xi32, #tpu.memory_space<vmem>>
      %dma_wait3A_280 = arith.constant 0 : i32
      %dma_wait3A_281 = arith.constant 0 : i32
      %dma_wait3A_282 = tpu.memref_slice %arg3[%dma_wait3A_280, %dma_wait3A_281] : memref<100000x64xf32, #tpu.memory_space<hbm>> -> memref<100000x64xf32, #tpu.memory_space<hbm>>
      tpu.wait_indirect_dma semaphore(%arg17 : memref<!tpu.dma_semaphore, #tpu.memory_space<semaphore_mem>>) src(%dma_wait3A_282 : memref<100000x64xf32, #tpu.memory_space<hbm>>) dst(%dma_wait3A_277 : memref<128x64xf32, #tpu.memory_space<vmem>>)
      %dma_wait3A_283 = arith.constant 128 : i32
      %dma_wait3A_284 = arith.constant 0 : i32
      %dma_wait3A_285 = tpu.memref_slice %arg11[%dma_wait3A_283, %dma_wait3A_284] : memref<400x64xf32, #tpu.memory_space<vmem>> -> memref<72x64xf32, #tpu.memory_space<vmem>>
      %dma_wait3A_286 = arith.constant 128 : i32
      %dma_wait3A_287 = tpu.memref_slice %arg9[%dma_wait3A_286] : memref<400xi32, #tpu.memory_space<vmem>> -> memref<72xi32, #tpu.memory_space<vmem>>
      %dma_wait3A_288 = arith.constant 0 : i32
      %dma_wait3A_289 = arith.constant 0 : i32
      %dma_wait3A_290 = tpu.memref_slice %arg3[%dma_wait3A_288, %dma_wait3A_289] : memref<100000x64xf32, #tpu.memory_space<hbm>> -> memref<100000x64xf32, #tpu.memory_space<hbm>>
      tpu.wait_indirect_dma semaphore(%arg17 : memref<!tpu.dma_semaphore, #tpu.memory_space<semaphore_mem>>) src(%dma_wait3A_290 : memref<100000x64xf32, #tpu.memory_space<hbm>>) dst(%dma_wait3A_285 : memref<72x64xf32, #tpu.memory_space<vmem>>)
      %dma_wait3A_291 = arith.constant 200 : i32
      %dma_wait3A_292 = arith.constant 0 : i32
      %dma_wait3A_293 = tpu.memref_slice %arg11[%dma_wait3A_291, %dma_wait3A_292] : memref<400x64xf32, #tpu.memory_space<vmem>> -> memref<128x64xf32, #tpu.memory_space<vmem>>
      %dma_wait3A_294 = arith.constant 200 : i32
      %dma_wait3A_295 = tpu.memref_slice %arg9[%dma_wait3A_294] : memref<400xi32, #tpu.memory_space<vmem>> -> memref<128xi32, #tpu.memory_space<vmem>>
      %dma_wait3A_296 = arith.constant 0 : i32
      %dma_wait3A_297 = arith.constant 0 : i32
      %dma_wait3A_298 = tpu.memref_slice %arg3[%dma_wait3A_296, %dma_wait3A_297] : memref<100000x64xf32, #tpu.memory_space<hbm>> -> memref<100000x64xf32, #tpu.memory_space<hbm>>
      tpu.wait_indirect_dma semaphore(%arg17 : memref<!tpu.dma_semaphore, #tpu.memory_space<semaphore_mem>>) src(%dma_wait3A_298 : memref<100000x64xf32, #tpu.memory_space<hbm>>) dst(%dma_wait3A_293 : memref<128x64xf32, #tpu.memory_space<vmem>>)
      %dma_wait3A_299 = arith.constant 328 : i32
      %dma_wait3A_300 = arith.constant 0 : i32
      %dma_wait3A_301 = tpu.memref_slice %arg11[%dma_wait3A_299, %dma_wait3A_300] : memref<400x64xf32, #tpu.memory_space<vmem>> -> memref<72x64xf32, #tpu.memory_space<vmem>>
      %dma_wait3A_302 = arith.constant 328 : i32
      %dma_wait3A_303 = tpu.memref_slice %arg9[%dma_wait3A_302] : memref<400xi32, #tpu.memory_space<vmem>> -> memref<72xi32, #tpu.memory_space<vmem>>
      %dma_wait3A_304 = arith.constant 0 : i32
      %dma_wait3A_305 = arith.constant 0 : i32
      %dma_wait3A_306 = tpu.memref_slice %arg3[%dma_wait3A_304, %dma_wait3A_305] : memref<100000x64xf32, #tpu.memory_space<hbm>> -> memref<100000x64xf32, #tpu.memory_space<hbm>>
      tpu.wait_indirect_dma semaphore(%arg17 : memref<!tpu.dma_semaphore, #tpu.memory_space<semaphore_mem>>) src(%dma_wait3A_306 : memref<100000x64xf32, #tpu.memory_space<hbm>>) dst(%dma_wait3A_301 : memref<72x64xf32, #tpu.memory_space<vmem>>)
      %scan3A_307 = arith.constant 0 : i32
      %scan3A_308 = arith.constant 0 : i32
      %scan3A_309 = arith.constant 25 : i32
      %scan3A_310 = arith.addi %scan3A_308, %scan3A_309 : i32
      %scan3A_311 = arith.constant 1 : i32
      %scan3A_312 = scf.for %scan3A_376 = %scan3A_308 to %scan3A_310 step %scan3A_311 iter_args(%scan3A_377 = %scan3A_307) -> (i32)  : i32 {
        %mul3A_378 = arith.constant 16 : i32
        %mul3A_379 = arith.muli %scan3A_376, %mul3A_378 : i32
        %add3A_380 = vector.broadcast %mul3A_379 : i32 to vector<16xi32>
        %add3A_381 = arith.addi %iota3A, %add3A_380 : vector<16xi32>
        %rem3A_382 = arith.constant 200 : i32
        %rem3A_383 = arith.remsi %mul3A_379, %rem3A_382 : i32
        %get3A = arith.index_cast %mul3A_379 : i32 to index
        %get3A_384 = tpu.vector_load %arg9[%get3A] {strides = array<i32>} : memref<400xi32, #tpu.memory_space<vmem>>, vector<16xi32>,
        %ne3A_385 = arith.constant 0 : i32
        %ne3A_386 = vector.broadcast %ne3A_385 : i32 to vector<16xi32>
        %ne3A_387 = arith.cmpi ne, %get3A_384, %ne3A_386 : vector<16xi32>
        %jit3A_388 = arith.constant 1.000000e+00 : f32
        %jit3A_389 = arith.constant 0.000000e+00 : f32
        %broadcast_in_dim3A = vector.broadcast %jit3A_388 : f32 to vector<16xf32>
        %broadcast_in_dim3A_390 = vector.broadcast %jit3A_389 : f32 to vector<16xf32>
        %select_n3A_391 = arith.select %ne3A_387, %broadcast_in_dim3A, %broadcast_in_dim3A_390 : vector<16xi1>, vector<16xf32>
        %broadcast_in_dim3A_392 = arith.constant 0.000000e+00 : f32
        %broadcast_in_dim3A_393 = vector.broadcast %broadcast_in_dim3A_392 : f32 to vector<16xf32>
        %parallel_loop3A = arith.constant 0 : i32
        %parallel_loop3A_394 = arith.constant 8 : i32
        %parallel_loop3A_395 = arith.constant 1 : i32
        %parallel_loop3A_396:2 = scf.for %parallel_loop3A_445 = %parallel_loop3A to %parallel_loop3A_394 step %parallel_loop3A_395 iter_args(%parallel_loop3A_446 = %broadcast_in_dim3A_393, %parallel_loop3A_447 = %broadcast_in_dim3A_393) -> (vector<16xf32>, vector<16xf32>)  : i32 {
          %parallel_loop3A_448 = arith.constant 8 : i32
          %parallel_loop3A_449 = arith.muli %parallel_loop3A_445, %parallel_loop3A_448 : i32
          %parallel_loop3A_450 = arith.constant 0 : i32
          %parallel_loop3A_451 = arith.addi %parallel_loop3A_449, %parallel_loop3A_450 : i32
          %parallel_loop3A_452 = vector.broadcast %parallel_loop3A_451 : i32 to vector<16xi32>
          %parallel_loop3A_453 = tpu.vector_load_idx %arg11[%add3A_381, %parallel_loop3A_452] : memref<400x64xf32, #tpu.memory_space<vmem>>[vector<16xi32>, vector<16xi32>], vector<16xf32>,
          %parallel_loop3A_454 = arith.constant 400 : i32
          %parallel_loop3A_455 = arith.muli %parallel_loop3A_451, %parallel_loop3A_454 : i32
          %parallel_loop3A_456 = arith.addi %parallel_loop3A_455, %rem3A_383 : i32
          %parallel_loop3A_457 = arith.index_cast %parallel_loop3A_456 : i32 to index
          %parallel_loop3A_458 = tpu.vector_load %arg13[%parallel_loop3A_457] {strides = array<i32>} : memref<25600xf32, #tpu.memory_space<vmem>>, vector<16xf32>,
          %parallel_loop3A_459 = arith.mulf %parallel_loop3A_453, %select_n3A_391 : vector<16xf32>
          %parallel_loop3A_460 = arith.addf %parallel_loop3A_459, %parallel_loop3A_458 : vector<16xf32>
          %parallel_loop3A_461 = arith.constant 16 : i32
          %parallel_loop3A_462 = arith.muli %parallel_loop3A_451, %parallel_loop3A_461 : i32
          %parallel_loop3A_463 = arith.index_cast %parallel_loop3A_462 : i32 to index
          %parallel_loop3A_464 = tpu.vector_load %arg12[%parallel_loop3A_463] {strides = array<i32>} : memref<1024xf32, #tpu.memory_space<vmem>>, vector<16xf32>,
          tpu.vector_store %arg12[%parallel_loop3A_463], %parallel_loop3A_460 {strides = array<i32>} : memref<1024xf32, #tpu.memory_space<vmem>>, vector<16xf32>,
          %parallel_loop3A_465 = arith.mulf %parallel_loop3A_460, %parallel_loop3A_460 : vector<16xf32>
          %parallel_loop3A_466 = arith.constant 1 : i32
          %parallel_loop3A_467 = arith.addi %parallel_loop3A_449, %parallel_loop3A_466 : i32
          %parallel_loop3A_468 = vector.broadcast %parallel_loop3A_467 : i32 to vector<16xi32>
          %parallel_loop3A_469 = tpu.vector_load_idx %arg11[%add3A_381, %parallel_loop3A_468] : memref<400x64xf32, #tpu.memory_space<vmem>>[vector<16xi32>, vector<16xi32>], vector<16xf32>,
          %parallel_loop3A_470 = arith.constant 400 : i32
          %parallel_loop3A_471 = arith.muli %parallel_loop3A_467, %parallel_loop3A_470 : i32
          %parallel_loop3A_472 = arith.addi %parallel_loop3A_471, %rem3A_383 : i32
          %parallel_loop3A_473 = arith.index_cast %parallel_loop3A_472 : i32 to index
          %parallel_loop3A_474 = tpu.vector_load %arg13[%parallel_loop3A_473] {strides = array<i32>} : memref<25600xf32, #tpu.memory_space<vmem>>, vector<16xf32>,
          %parallel_loop3A_475 = arith.mulf %parallel_loop3A_469, %select_n3A_391 : vector<16xf32>
          %parallel_loop3A_476 = arith.addf %parallel_loop3A_475, %parallel_loop3A_474 : vector<16xf32>
          %parallel_loop3A_477 = arith.constant 16 : i32
          %parallel_loop3A_478 = arith.muli %parallel_loop3A_467, %parallel_loop3A_477 : i32
          %parallel_loop3A_479 = arith.index_cast %parallel_loop3A_478 : i32 to index
          %parallel_loop3A_480 = tpu.vector_load %arg12[%parallel_loop3A_479] {strides = array<i32>} : memref<1024xf32, #tpu.memory_space<vmem>>, vector<16xf32>,
          tpu.vector_store %arg12[%parallel_loop3A_479], %parallel_loop3A_476 {strides = array<i32>} : memref<1024xf32, #tpu.memory_space<vmem>>, vector<16xf32>,
          %parallel_loop3A_481 = arith.mulf %parallel_loop3A_476, %parallel_loop3A_476 : vector<16xf32>
          %parallel_loop3A_482 = arith.constant 2 : i32
          %parallel_loop3A_483 = arith.addi %parallel_loop3A_449, %parallel_loop3A_482 : i32
          %parallel_loop3A_484 = vector.broadcast %parallel_loop3A_483 : i32 to vector<16xi32>
          %parallel_loop3A_485 = tpu.vector_load_idx %arg11[%add3A_381, %parallel_loop3A_484] : memref<400x64xf32, #tpu.memory_space<vmem>>[vector<16xi32>, vector<16xi32>], vector<16xf32>,
          %parallel_loop3A_486 = arith.constant 400 : i32
          %parallel_loop3A_487 = arith.muli %parallel_loop3A_483, %parallel_loop3A_486 : i32
          %parallel_loop3A_488 = arith.addi %parallel_loop3A_487, %rem3A_383 : i32
          %parallel_loop3A_489 = arith.index_cast %parallel_loop3A_488 : i32 to index
          %parallel_loop3A_490 = tpu.vector_load %arg13[%parallel_loop3A_489] {strides = array<i32>} : memref<25600xf32, #tpu.memory_space<vmem>>, vector<16xf32>,
          %parallel_loop3A_491 = arith.mulf %parallel_loop3A_485, %select_n3A_391 : vector<16xf32>
          %parallel_loop3A_492 = arith.addf %parallel_loop3A_491, %parallel_loop3A_490 : vector<16xf32>
          %parallel_loop3A_493 = arith.constant 16 : i32
          %parallel_loop3A_494 = arith.muli %parallel_loop3A_483, %parallel_loop3A_493 : i32
          %parallel_loop3A_495 = arith.index_cast %parallel_loop3A_494 : i32 to index
          %parallel_loop3A_496 = tpu.vector_load %arg12[%parallel_loop3A_495] {strides = array<i32>} : memref<1024xf32, #tpu.memory_space<vmem>>, vector<16xf32>,
          tpu.vector_store %arg12[%parallel_loop3A_495], %parallel_loop3A_492 {strides = array<i32>} : memref<1024xf32, #tpu.memory_space<vmem>>, vector<16xf32>,
          %parallel_loop3A_497 = arith.mulf %parallel_loop3A_492, %parallel_loop3A_492 : vector<16xf32>
          %parallel_loop3A_498 = arith.constant 3 : i32
          %parallel_loop3A_499 = arith.addi %parallel_loop3A_449, %parallel_loop3A_498 : i32
          %parallel_loop3A_500 = vector.broadcast %parallel_loop3A_499 : i32 to vector<16xi32>
          %parallel_loop3A_501 = tpu.vector_load_idx %arg11[%add3A_381, %parallel_loop3A_500] : memref<400x64xf32, #tpu.memory_space<vmem>>[vector<16xi32>, vector<16xi32>], vector<16xf32>,
          %parallel_loop3A_502 = arith.constant 400 : i32
          %parallel_loop3A_503 = arith.muli %parallel_loop3A_499, %parallel_loop3A_502 : i32
          %parallel_loop3A_504 = arith.addi %parallel_loop3A_503, %rem3A_383 : i32
          %parallel_loop3A_505 = arith.index_cast %parallel_loop3A_504 : i32 to index
          %parallel_loop3A_506 = tpu.vector_load %arg13[%parallel_loop3A_505] {strides = array<i32>} : memref<25600xf32, #tpu.memory_space<vmem>>, vector<16xf32>,
          %parallel_loop3A_507 = arith.mulf %parallel_loop3A_501, %select_n3A_391 : vector<16xf32>
          %parallel_loop3A_508 = arith.addf %parallel_loop3A_507, %parallel_loop3A_506 : vector<16xf32>
          %parallel_loop3A_509 = arith.constant 16 : i32
          %parallel_loop3A_510 = arith.muli %parallel_loop3A_499, %parallel_loop3A_509 : i32
          %parallel_loop3A_511 = arith.index_cast %parallel_loop3A_510 : i32 to index
          %parallel_loop3A_512 = tpu.vector_load %arg12[%parallel_loop3A_511] {strides = array<i32>} : memref<1024xf32, #tpu.memory_space<vmem>>, vector<16xf32>,
          tpu.vector_store %arg12[%parallel_loop3A_511], %parallel_loop3A_508 {strides = array<i32>} : memref<1024xf32, #tpu.memory_space<vmem>>, vector<16xf32>,
          %parallel_loop3A_513 = arith.mulf %parallel_loop3A_508, %parallel_loop3A_508 : vector<16xf32>
          %parallel_loop3A_514 = arith.constant 4 : i32
          %parallel_loop3A_515 = arith.addi %parallel_loop3A_449, %parallel_loop3A_514 : i32
          %parallel_loop3A_516 = vector.broadcast %parallel_loop3A_515 : i32 to vector<16xi32>
          %parallel_loop3A_517 = tpu.vector_load_idx %arg11[%add3A_381, %parallel_loop3A_516] : memref<400x64xf32, #tpu.memory_space<vmem>>[vector<16xi32>, vector<16xi32>], vector<16xf32>,
          %parallel_loop3A_518 = arith.constant 400 : i32
          %parallel_loop3A_519 = arith.muli %parallel_loop3A_515, %parallel_loop3A_518 : i32
          %parallel_loop3A_520 = arith.addi %parallel_loop3A_519, %rem3A_383 : i32
          %parallel_loop3A_521 = arith.index_cast %parallel_loop3A_520 : i32 to index
          %parallel_loop3A_522 = tpu.vector_load %arg13[%parallel_loop3A_521] {strides = array<i32>} : memref<25600xf32, #tpu.memory_space<vmem>>, vector<16xf32>,
          %parallel_loop3A_523 = arith.mulf %parallel_loop3A_517, %select_n3A_391 : vector<16xf32>
          %parallel_loop3A_524 = arith.addf %parallel_loop3A_523, %parallel_loop3A_522 : vector<16xf32>
          %parallel_loop3A_525 = arith.constant 16 : i32
          %parallel_loop3A_526 = arith.muli %parallel_loop3A_515, %parallel_loop3A_525 : i32
          %parallel_loop3A_527 = arith.index_cast %parallel_loop3A_526 : i32 to index
          %parallel_loop3A_528 = tpu.vector_load %arg12[%parallel_loop3A_527] {strides = array<i32>} : memref<1024xf32, #tpu.memory_space<vmem>>, vector<16xf32>,
          tpu.vector_store %arg12[%parallel_loop3A_527], %parallel_loop3A_524 {strides = array<i32>} : memref<1024xf32, #tpu.memory_space<vmem>>, vector<16xf32>,
          %parallel_loop3A_529 = arith.mulf %parallel_loop3A_524, %parallel_loop3A_524 : vector<16xf32>
          %parallel_loop3A_530 = arith.constant 5 : i32
          %parallel_loop3A_531 = arith.addi %parallel_loop3A_449, %parallel_loop3A_530 : i32
          %parallel_loop3A_532 = vector.broadcast %parallel_loop3A_531 : i32 to vector<16xi32>
          %parallel_loop3A_533 = tpu.vector_load_idx %arg11[%add3A_381, %parallel_loop3A_532] : memref<400x64xf32, #tpu.memory_space<vmem>>[vector<16xi32>, vector<16xi32>], vector<16xf32>,
          %parallel_loop3A_534 = arith.constant 400 : i32
          %parallel_loop3A_535 = arith.muli %parallel_loop3A_531, %parallel_loop3A_534 : i32
          %parallel_loop3A_536 = arith.addi %parallel_loop3A_535, %rem3A_383 : i32
          %parallel_loop3A_537 = arith.index_cast %parallel_loop3A_536 : i32 to index
          %parallel_loop3A_538 = tpu.vector_load %arg13[%parallel_loop3A_537] {strides = array<i32>} : memref<25600xf32, #tpu.memory_space<vmem>>, vector<16xf32>,
          %parallel_loop3A_539 = arith.mulf %parallel_loop3A_533, %select_n3A_391 : vector<16xf32>
          %parallel_loop3A_540 = arith.addf %parallel_loop3A_539, %parallel_loop3A_538 : vector<16xf32>
          %parallel_loop3A_541 = arith.constant 16 : i32
          %parallel_loop3A_542 = arith.muli %parallel_loop3A_531, %parallel_loop3A_541 : i32
          %parallel_loop3A_543 = arith.index_cast %parallel_loop3A_542 : i32 to index
          %parallel_loop3A_544 = tpu.vector_load %arg12[%parallel_loop3A_543] {strides = array<i32>} : memref<1024xf32, #tpu.memory_space<vmem>>, vector<16xf32>,
          tpu.vector_store %arg12[%parallel_loop3A_543], %parallel_loop3A_540 {strides = array<i32>} : memref<1024xf32, #tpu.memory_space<vmem>>, vector<16xf32>,
          %parallel_loop3A_545 = arith.mulf %parallel_loop3A_540, %parallel_loop3A_540 : vector<16xf32>
          %parallel_loop3A_546 = arith.constant 6 : i32
          %parallel_loop3A_547 = arith.addi %parallel_loop3A_449, %parallel_loop3A_546 : i32
          %parallel_loop3A_548 = vector.broadcast %parallel_loop3A_547 : i32 to vector<16xi32>
          %parallel_loop3A_549 = tpu.vector_load_idx %arg11[%add3A_381, %parallel_loop3A_548] : memref<400x64xf32, #tpu.memory_space<vmem>>[vector<16xi32>, vector<16xi32>], vector<16xf32>,
          %parallel_loop3A_550 = arith.constant 400 : i32
          %parallel_loop3A_551 = arith.muli %parallel_loop3A_547, %parallel_loop3A_550 : i32
          %parallel_loop3A_552 = arith.addi %parallel_loop3A_551, %rem3A_383 : i32
          %parallel_loop3A_553 = arith.index_cast %parallel_loop3A_552 : i32 to index
          %parallel_loop3A_554 = tpu.vector_load %arg13[%parallel_loop3A_553] {strides = array<i32>} : memref<25600xf32, #tpu.memory_space<vmem>>, vector<16xf32>,
          %parallel_loop3A_555 = arith.mulf %parallel_loop3A_549, %select_n3A_391 : vector<16xf32>
          %parallel_loop3A_556 = arith.addf %parallel_loop3A_555, %parallel_loop3A_554 : vector<16xf32>
          %parallel_loop3A_557 = arith.constant 16 : i32
          %parallel_loop3A_558 = arith.muli %parallel_loop3A_547, %parallel_loop3A_557 : i32
          %parallel_loop3A_559 = arith.index_cast %parallel_loop3A_558 : i32 to index
          %parallel_loop3A_560 = tpu.vector_load %arg12[%parallel_loop3A_559] {strides = array<i32>} : memref<1024xf32, #tpu.memory_space<vmem>>, vector<16xf32>,
          tpu.vector_store %arg12[%parallel_loop3A_559], %parallel_loop3A_556 {strides = array<i32>} : memref<1024xf32, #tpu.memory_space<vmem>>, vector<16xf32>,
          %parallel_loop3A_561 = arith.mulf %parallel_loop3A_556, %parallel_loop3A_556 : vector<16xf32>
          %parallel_loop3A_562 = arith.constant 7 : i32
          %parallel_loop3A_563 = arith.addi %parallel_loop3A_449, %parallel_loop3A_562 : i32
          %parallel_loop3A_564 = vector.broadcast %parallel_loop3A_563 : i32 to vector<16xi32>
          %parallel_loop3A_565 = tpu.vector_load_idx %arg11[%add3A_381, %parallel_loop3A_564] : memref<400x64xf32, #tpu.memory_space<vmem>>[vector<16xi32>, vector<16xi32>], vector<16xf32>,
          %parallel_loop3A_566 = arith.constant 400 : i32
          %parallel_loop3A_567 = arith.muli %parallel_loop3A_563, %parallel_loop3A_566 : i32
          %parallel_loop3A_568 = arith.addi %parallel_loop3A_567, %rem3A_383 : i32
          %parallel_loop3A_569 = arith.index_cast %parallel_loop3A_568 : i32 to index
          %parallel_loop3A_570 = tpu.vector_load %arg13[%parallel_loop3A_569] {strides = array<i32>} : memref<25600xf32, #tpu.memory_space<vmem>>, vector<16xf32>,
          %parallel_loop3A_571 = arith.mulf %parallel_loop3A_565, %select_n3A_391 : vector<16xf32>
          %parallel_loop3A_572 = arith.addf %parallel_loop3A_571, %parallel_loop3A_570 : vector<16xf32>
          %parallel_loop3A_573 = arith.constant 16 : i32
          %parallel_loop3A_574 = arith.muli %parallel_loop3A_563, %parallel_loop3A_573 : i32
          %parallel_loop3A_575 = arith.index_cast %parallel_loop3A_574 : i32 to index
          %parallel_loop3A_576 = tpu.vector_load %arg12[%parallel_loop3A_575] {strides = array<i32>} : memref<1024xf32, #tpu.memory_space<vmem>>, vector<16xf32>,
          tpu.vector_store %arg12[%parallel_loop3A_575], %parallel_loop3A_572 {strides = array<i32>} : memref<1024xf32, #tpu.memory_space<vmem>>, vector<16xf32>,
          %parallel_loop3A_577 = arith.mulf %parallel_loop3A_572, %parallel_loop3A_572 : vector<16xf32>
          %parallel_loop3A_578 = arith.addf %parallel_loop3A_460, %parallel_loop3A_476 : vector<16xf32>
          %parallel_loop3A_579 = arith.addf %parallel_loop3A_492, %parallel_loop3A_508 : vector<16xf32>
          %parallel_loop3A_580 = arith.addf %parallel_loop3A_524, %parallel_loop3A_540 : vector<16xf32>
          %parallel_loop3A_581 = arith.addf %parallel_loop3A_556, %parallel_loop3A_572 : vector<16xf32>
          %parallel_loop3A_582 = arith.addf %parallel_loop3A_465, %parallel_loop3A_481 : vector<16xf32>
          %parallel_loop3A_583 = arith.addf %parallel_loop3A_497, %parallel_loop3A_513 : vector<16xf32>
          %parallel_loop3A_584 = arith.addf %parallel_loop3A_529, %parallel_loop3A_545 : vector<16xf32>
          %parallel_loop3A_585 = arith.addf %parallel_loop3A_561, %parallel_loop3A_577 : vector<16xf32>
          %parallel_loop3A_586 = arith.addf %parallel_loop3A_578, %parallel_loop3A_579 : vector<16xf32>
          %parallel_loop3A_587 = arith.addf %parallel_loop3A_580, %parallel_loop3A_581 : vector<16xf32>
          %parallel_loop3A_588 = arith.addf %parallel_loop3A_582, %parallel_loop3A_583 : vector<16xf32>
          %parallel_loop3A_589 = arith.addf %parallel_loop3A_584, %parallel_loop3A_585 : vector<16xf32>
          %parallel_loop3A_590 = arith.addf %parallel_loop3A_586, %parallel_loop3A_587 : vector<16xf32>
          %parallel_loop3A_591 = arith.addf %parallel_loop3A_588, %parallel_loop3A_589 : vector<16xf32>
          %parallel_loop3A_592 = arith.addf %parallel_loop3A_446, %parallel_loop3A_590 : vector<16xf32>
          %parallel_loop3A_593 = arith.addf %parallel_loop3A_447, %parallel_loop3A_591 : vector<16xf32>
          scf.yield %parallel_loop3A_592, %parallel_loop3A_593 : vector<16xf32>, vector<16xf32>
        } {sc.loop_unroll_factor = 4 : i64, sc.parallel_access}
        %mul3A_397 = vector.broadcast %scan3A : f32 to vector<16xf32>
        %mul3A_398 = arith.mulf %parallel_loop3A_396#0, %mul3A_397 : vector<16xf32>
        %mul3A_399 = vector.broadcast %scan3A : f32 to vector<16xf32>
        %mul3A_400 = arith.mulf %parallel_loop3A_396#1, %mul3A_399 : vector<16xf32>
        %mul3A_401 = arith.mulf %mul3A_398, %mul3A_398 : vector<16xf32>
        %sub3A_402 = arith.subf %mul3A_400, %mul3A_401 : vector<16xf32>
        %max3A = arith.constant 0.000000e+00 : f32
        %max3A_403 = vector.broadcast %max3A : f32 to vector<16xf32>
        %max3A_404 = arith.maximumf %sub3A_402, %max3A_403 : vector<16xf32>
        %add3A_405 = arith.constant 9.99999996E-13 : f32
        %add3A_406 = vector.broadcast %add3A_405 : f32 to vector<16xf32>
        %add3A_407 = arith.addf %max3A_404, %add3A_406 : vector<16xf32>
        %bitcast3A = vector.bitcast %add3A_407 : vector<16xf32> to vector<16xi32>
        %shift_right_arithmetic3A = arith.constant 1 : i32
        %shift_right_arithmetic3A_408 = vector.broadcast %shift_right_arithmetic3A : i32 to vector<16xi32>
        %shift_right_arithmetic3A_409 = arith.shrsi %bitcast3A, %shift_right_arithmetic3A_408 : vector<16xi32>
        %sub3A_410 = arith.constant 1597463007 : i32
        %sub3A_411 = vector.broadcast %sub3A_410 : i32 to vector<16xi32>
        %sub3A_412 = arith.subi %sub3A_411, %shift_right_arithmetic3A_409 : vector<16xi32>
        %bitcast3A_413 = vector.bitcast %sub3A_412 : vector<16xi32> to vector<16xf32>
        %mul3A_414 = arith.constant 5.000000e-01 : f32
        %mul3A_415 = vector.broadcast %mul3A_414 : f32 to vector<16xf32>
        %mul3A_416 = arith.mulf %mul3A_415, %add3A_407 : vector<16xf32>
        %mul3A_417 = arith.mulf %mul3A_416, %bitcast3A_413 : vector<16xf32>
        %mul3A_418 = arith.mulf %mul3A_417, %bitcast3A_413 : vector<16xf32>
        %sub3A_419 = arith.constant 1.500000e+00 : f32
        %sub3A_420 = vector.broadcast %sub3A_419 : f32 to vector<16xf32>
        %sub3A_421 = arith.subf %sub3A_420, %mul3A_418 : vector<16xf32>
        %mul3A_422 = arith.mulf %bitcast3A_413, %sub3A_421 : vector<16xf32>
        %mul3A_423 = arith.constant 5.000000e-01 : f32
        %mul3A_424 = vector.broadcast %mul3A_423 : f32 to vector<16xf32>
        %mul3A_425 = arith.mulf %mul3A_424, %add3A_407 : vector<16xf32>
        %mul3A_426 = arith.mulf %mul3A_425, %mul3A_422 : vector<16xf32>
        %mul3A_427 = arith.mulf %mul3A_426, %mul3A_422 : vector<16xf32>
        %sub3A_428 = arith.constant 1.500000e+00 : f32
        %sub3A_429 = vector.broadcast %sub3A_428 : f32 to vector<16xf32>
        %sub3A_430 = arith.subf %sub3A_429, %mul3A_427 : vector<16xf32>
        %mul3A_431 = arith.mulf %mul3A_422, %sub3A_430 : vector<16xf32>
        %mul3A_432 = arith.constant 5.000000e-01 : f32
        %mul3A_433 = vector.broadcast %mul3A_432 : f32 to vector<16xf32>
        %mul3A_434 = arith.mulf %mul3A_433, %add3A_407 : vector<16xf32>
        %mul3A_435 = arith.mulf %mul3A_434, %mul3A_431 : vector<16xf32>
        %mul3A_436 = arith.mulf %mul3A_435, %mul3A_431 : vector<16xf32>
        %sub3A_437 = arith.constant 1.500000e+00 : f32
        %sub3A_438 = vector.broadcast %sub3A_437 : f32 to vector<16xf32>
        %sub3A_439 = arith.subf %sub3A_438, %mul3A_436 : vector<16xf32>
        %mul3A_440 = arith.mulf %mul3A_431, %sub3A_439 : vector<16xf32>
        %parallel_loop3A_441 = arith.constant 0 : i32
        %parallel_loop3A_442 = arith.constant 8 : i32
        %parallel_loop3A_443 = arith.constant 1 : i32
        scf.for %parallel_loop3A_445 = %parallel_loop3A_441 to %parallel_loop3A_442 step %parallel_loop3A_443  : i32 {
          %parallel_loop3A_446 = arith.constant 8 : i32
          %parallel_loop3A_447 = arith.muli %parallel_loop3A_445, %parallel_loop3A_446 : i32
          %parallel_loop3A_448 = arith.constant 0 : i32
          %parallel_loop3A_449 = arith.addi %parallel_loop3A_447, %parallel_loop3A_448 : i32
          %parallel_loop3A_450 = vector.broadcast %parallel_loop3A_449 : i32 to vector<16xi32>
          %parallel_loop3A_451 = arith.constant 16 : i32
          %parallel_loop3A_452 = arith.muli %parallel_loop3A_449, %parallel_loop3A_451 : i32
          %parallel_loop3A_453 = arith.index_cast %parallel_loop3A_452 : i32 to index
          %parallel_loop3A_454 = tpu.vector_load %arg12[%parallel_loop3A_453] {strides = array<i32>} : memref<1024xf32, #tpu.memory_space<vmem>>, vector<16xf32>,
          %parallel_loop3A_455 = arith.constant 16 : i32
          %parallel_loop3A_456 = arith.muli %parallel_loop3A_449, %parallel_loop3A_455 : i32
          %parallel_loop3A_457 = arith.index_cast %parallel_loop3A_456 : i32 to index
          %parallel_loop3A_458 = tpu.vector_load %arg14[%parallel_loop3A_457] {strides = array<i32>} : memref<1024xf32, #tpu.memory_space<vmem>>, vector<16xf32>,
          %parallel_loop3A_459 = arith.constant 16 : i32
          %parallel_loop3A_460 = arith.muli %parallel_loop3A_449, %parallel_loop3A_459 : i32
          %parallel_loop3A_461 = arith.index_cast %parallel_loop3A_460 : i32 to index
          %parallel_loop3A_462 = tpu.vector_load %arg15[%parallel_loop3A_461] {strides = array<i32>} : memref<1024xf32, #tpu.memory_space<vmem>>, vector<16xf32>,
          %parallel_loop3A_463 = arith.subf %parallel_loop3A_454, %mul3A_398 : vector<16xf32>
          %parallel_loop3A_464 = arith.mulf %parallel_loop3A_463, %mul3A_440 : vector<16xf32>
          %parallel_loop3A_465 = arith.mulf %parallel_loop3A_464, %parallel_loop3A_458 : vector<16xf32>
          %parallel_loop3A_466 = arith.addf %parallel_loop3A_465, %parallel_loop3A_462 : vector<16xf32>
          tpu.vector_store_idx %arg11[%add3A_381, %parallel_loop3A_450], %parallel_loop3A_466 : memref<400x64xf32, #tpu.memory_space<vmem>>[vector<16xi32>, vector<16xi32>], vector<16xf32>,
          %parallel_loop3A_467 = arith.constant 1 : i32
          %parallel_loop3A_468 = arith.addi %parallel_loop3A_447, %parallel_loop3A_467 : i32
          %parallel_loop3A_469 = vector.broadcast %parallel_loop3A_468 : i32 to vector<16xi32>
          %parallel_loop3A_470 = arith.constant 16 : i32
          %parallel_loop3A_471 = arith.muli %parallel_loop3A_468, %parallel_loop3A_470 : i32
          %parallel_loop3A_472 = arith.index_cast %parallel_loop3A_471 : i32 to index
          %parallel_loop3A_473 = tpu.vector_load %arg12[%parallel_loop3A_472] {strides = array<i32>} : memref<1024xf32, #tpu.memory_space<vmem>>, vector<16xf32>,
          %parallel_loop3A_474 = arith.constant 16 : i32
          %parallel_loop3A_475 = arith.muli %parallel_loop3A_468, %parallel_loop3A_474 : i32
          %parallel_loop3A_476 = arith.index_cast %parallel_loop3A_475 : i32 to index
          %parallel_loop3A_477 = tpu.vector_load %arg14[%parallel_loop3A_476] {strides = array<i32>} : memref<1024xf32, #tpu.memory_space<vmem>>, vector<16xf32>,
          %parallel_loop3A_478 = arith.constant 16 : i32
          %parallel_loop3A_479 = arith.muli %parallel_loop3A_468, %parallel_loop3A_478 : i32
          %parallel_loop3A_480 = arith.index_cast %parallel_loop3A_479 : i32 to index
          %parallel_loop3A_481 = tpu.vector_load %arg15[%parallel_loop3A_480] {strides = array<i32>} : memref<1024xf32, #tpu.memory_space<vmem>>, vector<16xf32>,
          %parallel_loop3A_482 = arith.subf %parallel_loop3A_473, %mul3A_398 : vector<16xf32>
          %parallel_loop3A_483 = arith.mulf %parallel_loop3A_482, %mul3A_440 : vector<16xf32>
          %parallel_loop3A_484 = arith.mulf %parallel_loop3A_483, %parallel_loop3A_477 : vector<16xf32>
          %parallel_loop3A_485 = arith.addf %parallel_loop3A_484, %parallel_loop3A_481 : vector<16xf32>
          tpu.vector_store_idx %arg11[%add3A_381, %parallel_loop3A_469], %parallel_loop3A_485 : memref<400x64xf32, #tpu.memory_space<vmem>>[vector<16xi32>, vector<16xi32>], vector<16xf32>,
          %parallel_loop3A_486 = arith.constant 2 : i32
          %parallel_loop3A_487 = arith.addi %parallel_loop3A_447, %parallel_loop3A_486 : i32
          %parallel_loop3A_488 = vector.broadcast %parallel_loop3A_487 : i32 to vector<16xi32>
          %parallel_loop3A_489 = arith.constant 16 : i32
          %parallel_loop3A_490 = arith.muli %parallel_loop3A_487, %parallel_loop3A_489 : i32
          %parallel_loop3A_491 = arith.index_cast %parallel_loop3A_490 : i32 to index
          %parallel_loop3A_492 = tpu.vector_load %arg12[%parallel_loop3A_491] {strides = array<i32>} : memref<1024xf32, #tpu.memory_space<vmem>>, vector<16xf32>,
          %parallel_loop3A_493 = arith.constant 16 : i32
          %parallel_loop3A_494 = arith.muli %parallel_loop3A_487, %parallel_loop3A_493 : i32
          %parallel_loop3A_495 = arith.index_cast %parallel_loop3A_494 : i32 to index
          %parallel_loop3A_496 = tpu.vector_load %arg14[%parallel_loop3A_495] {strides = array<i32>} : memref<1024xf32, #tpu.memory_space<vmem>>, vector<16xf32>,
          %parallel_loop3A_497 = arith.constant 16 : i32
          %parallel_loop3A_498 = arith.muli %parallel_loop3A_487, %parallel_loop3A_497 : i32
          %parallel_loop3A_499 = arith.index_cast %parallel_loop3A_498 : i32 to index
          %parallel_loop3A_500 = tpu.vector_load %arg15[%parallel_loop3A_499] {strides = array<i32>} : memref<1024xf32, #tpu.memory_space<vmem>>, vector<16xf32>,
          %parallel_loop3A_501 = arith.subf %parallel_loop3A_492, %mul3A_398 : vector<16xf32>
          %parallel_loop3A_502 = arith.mulf %parallel_loop3A_501, %mul3A_440 : vector<16xf32>
          %parallel_loop3A_503 = arith.mulf %parallel_loop3A_502, %parallel_loop3A_496 : vector<16xf32>
          %parallel_loop3A_504 = arith.addf %parallel_loop3A_503, %parallel_loop3A_500 : vector<16xf32>
          tpu.vector_store_idx %arg11[%add3A_381, %parallel_loop3A_488], %parallel_loop3A_504 : memref<400x64xf32, #tpu.memory_space<vmem>>[vector<16xi32>, vector<16xi32>], vector<16xf32>,
          %parallel_loop3A_505 = arith.constant 3 : i32
          %parallel_loop3A_506 = arith.addi %parallel_loop3A_447, %parallel_loop3A_505 : i32
          %parallel_loop3A_507 = vector.broadcast %parallel_loop3A_506 : i32 to vector<16xi32>
          %parallel_loop3A_508 = arith.constant 16 : i32
          %parallel_loop3A_509 = arith.muli %parallel_loop3A_506, %parallel_loop3A_508 : i32
          %parallel_loop3A_510 = arith.index_cast %parallel_loop3A_509 : i32 to index
          %parallel_loop3A_511 = tpu.vector_load %arg12[%parallel_loop3A_510] {strides = array<i32>} : memref<1024xf32, #tpu.memory_space<vmem>>, vector<16xf32>,
          %parallel_loop3A_512 = arith.constant 16 : i32
          %parallel_loop3A_513 = arith.muli %parallel_loop3A_506, %parallel_loop3A_512 : i32
          %parallel_loop3A_514 = arith.index_cast %parallel_loop3A_513 : i32 to index
          %parallel_loop3A_515 = tpu.vector_load %arg14[%parallel_loop3A_514] {strides = array<i32>} : memref<1024xf32, #tpu.memory_space<vmem>>, vector<16xf32>,
          %parallel_loop3A_516 = arith.constant 16 : i32
          %parallel_loop3A_517 = arith.muli %parallel_loop3A_506, %parallel_loop3A_516 : i32
          %parallel_loop3A_518 = arith.index_cast %parallel_loop3A_517 : i32 to index
          %parallel_loop3A_519 = tpu.vector_load %arg15[%parallel_loop3A_518] {strides = array<i32>} : memref<1024xf32, #tpu.memory_space<vmem>>, vector<16xf32>,
          %parallel_loop3A_520 = arith.subf %parallel_loop3A_511, %mul3A_398 : vector<16xf32>
          %parallel_loop3A_521 = arith.mulf %parallel_loop3A_520, %mul3A_440 : vector<16xf32>
          %parallel_loop3A_522 = arith.mulf %parallel_loop3A_521, %parallel_loop3A_515 : vector<16xf32>
          %parallel_loop3A_523 = arith.addf %parallel_loop3A_522, %parallel_loop3A_519 : vector<16xf32>
          tpu.vector_store_idx %arg11[%add3A_381, %parallel_loop3A_507], %parallel_loop3A_523 : memref<400x64xf32, #tpu.memory_space<vmem>>[vector<16xi32>, vector<16xi32>], vector<16xf32>,
          %parallel_loop3A_524 = arith.constant 4 : i32
          %parallel_loop3A_525 = arith.addi %parallel_loop3A_447, %parallel_loop3A_524 : i32
          %parallel_loop3A_526 = vector.broadcast %parallel_loop3A_525 : i32 to vector<16xi32>
          %parallel_loop3A_527 = arith.constant 16 : i32
          %parallel_loop3A_528 = arith.muli %parallel_loop3A_525, %parallel_loop3A_527 : i32
          %parallel_loop3A_529 = arith.index_cast %parallel_loop3A_528 : i32 to index
          %parallel_loop3A_530 = tpu.vector_load %arg12[%parallel_loop3A_529] {strides = array<i32>} : memref<1024xf32, #tpu.memory_space<vmem>>, vector<16xf32>,
          %parallel_loop3A_531 = arith.constant 16 : i32
          %parallel_loop3A_532 = arith.muli %parallel_loop3A_525, %parallel_loop3A_531 : i32
          %parallel_loop3A_533 = arith.index_cast %parallel_loop3A_532 : i32 to index
          %parallel_loop3A_534 = tpu.vector_load %arg14[%parallel_loop3A_533] {strides = array<i32>} : memref<1024xf32, #tpu.memory_space<vmem>>, vector<16xf32>,
          %parallel_loop3A_535 = arith.constant 16 : i32
          %parallel_loop3A_536 = arith.muli %parallel_loop3A_525, %parallel_loop3A_535 : i32
          %parallel_loop3A_537 = arith.index_cast %parallel_loop3A_536 : i32 to index
          %parallel_loop3A_538 = tpu.vector_load %arg15[%parallel_loop3A_537] {strides = array<i32>} : memref<1024xf32, #tpu.memory_space<vmem>>, vector<16xf32>,
          %parallel_loop3A_539 = arith.subf %parallel_loop3A_530, %mul3A_398 : vector<16xf32>
          %parallel_loop3A_540 = arith.mulf %parallel_loop3A_539, %mul3A_440 : vector<16xf32>
          %parallel_loop3A_541 = arith.mulf %parallel_loop3A_540, %parallel_loop3A_534 : vector<16xf32>
          %parallel_loop3A_542 = arith.addf %parallel_loop3A_541, %parallel_loop3A_538 : vector<16xf32>
          tpu.vector_store_idx %arg11[%add3A_381, %parallel_loop3A_526], %parallel_loop3A_542 : memref<400x64xf32, #tpu.memory_space<vmem>>[vector<16xi32>, vector<16xi32>], vector<16xf32>,
          %parallel_loop3A_543 = arith.constant 5 : i32
          %parallel_loop3A_544 = arith.addi %parallel_loop3A_447, %parallel_loop3A_543 : i32
          %parallel_loop3A_545 = vector.broadcast %parallel_loop3A_544 : i32 to vector<16xi32>
          %parallel_loop3A_546 = arith.constant 16 : i32
          %parallel_loop3A_547 = arith.muli %parallel_loop3A_544, %parallel_loop3A_546 : i32
          %parallel_loop3A_548 = arith.index_cast %parallel_loop3A_547 : i32 to index
          %parallel_loop3A_549 = tpu.vector_load %arg12[%parallel_loop3A_548] {strides = array<i32>} : memref<1024xf32, #tpu.memory_space<vmem>>, vector<16xf32>,
          %parallel_loop3A_550 = arith.constant 16 : i32
          %parallel_loop3A_551 = arith.muli %parallel_loop3A_544, %parallel_loop3A_550 : i32
          %parallel_loop3A_552 = arith.index_cast %parallel_loop3A_551 : i32 to index
          %parallel_loop3A_553 = tpu.vector_load %arg14[%parallel_loop3A_552] {strides = array<i32>} : memref<1024xf32, #tpu.memory_space<vmem>>, vector<16xf32>,
          %parallel_loop3A_554 = arith.constant 16 : i32
          %parallel_loop3A_555 = arith.muli %parallel_loop3A_544, %parallel_loop3A_554 : i32
          %parallel_loop3A_556 = arith.index_cast %parallel_loop3A_555 : i32 to index
          %parallel_loop3A_557 = tpu.vector_load %arg15[%parallel_loop3A_556] {strides = array<i32>} : memref<1024xf32, #tpu.memory_space<vmem>>, vector<16xf32>,
          %parallel_loop3A_558 = arith.subf %parallel_loop3A_549, %mul3A_398 : vector<16xf32>
          %parallel_loop3A_559 = arith.mulf %parallel_loop3A_558, %mul3A_440 : vector<16xf32>
          %parallel_loop3A_560 = arith.mulf %parallel_loop3A_559, %parallel_loop3A_553 : vector<16xf32>
          %parallel_loop3A_561 = arith.addf %parallel_loop3A_560, %parallel_loop3A_557 : vector<16xf32>
          tpu.vector_store_idx %arg11[%add3A_381, %parallel_loop3A_545], %parallel_loop3A_561 : memref<400x64xf32, #tpu.memory_space<vmem>>[vector<16xi32>, vector<16xi32>], vector<16xf32>,
          %parallel_loop3A_562 = arith.constant 6 : i32
          %parallel_loop3A_563 = arith.addi %parallel_loop3A_447, %parallel_loop3A_562 : i32
          %parallel_loop3A_564 = vector.broadcast %parallel_loop3A_563 : i32 to vector<16xi32>
          %parallel_loop3A_565 = arith.constant 16 : i32
          %parallel_loop3A_566 = arith.muli %parallel_loop3A_563, %parallel_loop3A_565 : i32
          %parallel_loop3A_567 = arith.index_cast %parallel_loop3A_566 : i32 to index
          %parallel_loop3A_568 = tpu.vector_load %arg12[%parallel_loop3A_567] {strides = array<i32>} : memref<1024xf32, #tpu.memory_space<vmem>>, vector<16xf32>,
          %parallel_loop3A_569 = arith.constant 16 : i32
          %parallel_loop3A_570 = arith.muli %parallel_loop3A_563, %parallel_loop3A_569 : i32
          %parallel_loop3A_571 = arith.index_cast %parallel_loop3A_570 : i32 to index
          %parallel_loop3A_572 = tpu.vector_load %arg14[%parallel_loop3A_571] {strides = array<i32>} : memref<1024xf32, #tpu.memory_space<vmem>>, vector<16xf32>,
          %parallel_loop3A_573 = arith.constant 16 : i32
          %parallel_loop3A_574 = arith.muli %parallel_loop3A_563, %parallel_loop3A_573 : i32
          %parallel_loop3A_575 = arith.index_cast %parallel_loop3A_574 : i32 to index
          %parallel_loop3A_576 = tpu.vector_load %arg15[%parallel_loop3A_575] {strides = array<i32>} : memref<1024xf32, #tpu.memory_space<vmem>>, vector<16xf32>,
          %parallel_loop3A_577 = arith.subf %parallel_loop3A_568, %mul3A_398 : vector<16xf32>
          %parallel_loop3A_578 = arith.mulf %parallel_loop3A_577, %mul3A_440 : vector<16xf32>
          %parallel_loop3A_579 = arith.mulf %parallel_loop3A_578, %parallel_loop3A_572 : vector<16xf32>
          %parallel_loop3A_580 = arith.addf %parallel_loop3A_579, %parallel_loop3A_576 : vector<16xf32>
          tpu.vector_store_idx %arg11[%add3A_381, %parallel_loop3A_564], %parallel_loop3A_580 : memref<400x64xf32, #tpu.memory_space<vmem>>[vector<16xi32>, vector<16xi32>], vector<16xf32>,
          %parallel_loop3A_581 = arith.constant 7 : i32
          %parallel_loop3A_582 = arith.addi %parallel_loop3A_447, %parallel_loop3A_581 : i32
          %parallel_loop3A_583 = vector.broadcast %parallel_loop3A_582 : i32 to vector<16xi32>
          %parallel_loop3A_584 = arith.constant 16 : i32
          %parallel_loop3A_585 = arith.muli %parallel_loop3A_582, %parallel_loop3A_584 : i32
          %parallel_loop3A_586 = arith.index_cast %parallel_loop3A_585 : i32 to index
          %parallel_loop3A_587 = tpu.vector_load %arg12[%parallel_loop3A_586] {strides = array<i32>} : memref<1024xf32, #tpu.memory_space<vmem>>, vector<16xf32>,
          %parallel_loop3A_588 = arith.constant 16 : i32
          %parallel_loop3A_589 = arith.muli %parallel_loop3A_582, %parallel_loop3A_588 : i32
          %parallel_loop3A_590 = arith.index_cast %parallel_loop3A_589 : i32 to index
          %parallel_loop3A_591 = tpu.vector_load %arg14[%parallel_loop3A_590] {strides = array<i32>} : memref<1024xf32, #tpu.memory_space<vmem>>, vector<16xf32>,
          %parallel_loop3A_592 = arith.constant 16 : i32
          %parallel_loop3A_593 = arith.muli %parallel_loop3A_582, %parallel_loop3A_592 : i32
          %parallel_loop3A_594 = arith.index_cast %parallel_loop3A_593 : i32 to index
          %parallel_loop3A_595 = tpu.vector_load %arg15[%parallel_loop3A_594] {strides = array<i32>} : memref<1024xf32, #tpu.memory_space<vmem>>, vector<16xf32>,
          %parallel_loop3A_596 = arith.subf %parallel_loop3A_587, %mul3A_398 : vector<16xf32>
          %parallel_loop3A_597 = arith.mulf %parallel_loop3A_596, %mul3A_440 : vector<16xf32>
          %parallel_loop3A_598 = arith.mulf %parallel_loop3A_597, %parallel_loop3A_591 : vector<16xf32>
          %parallel_loop3A_599 = arith.addf %parallel_loop3A_598, %parallel_loop3A_595 : vector<16xf32>
          tpu.vector_store_idx %arg11[%add3A_381, %parallel_loop3A_583], %parallel_loop3A_599 : memref<400x64xf32, #tpu.memory_space<vmem>>[vector<16xi32>, vector<16xi32>], vector<16xf32>,
        } {sc.loop_unroll_factor = 4 : i64, sc.parallel_access}
        %scan3A_444 = arith.constant 0 : i32
        scf.yield %scan3A_444 : i32
      }
      %scan3A_313 = arith.constant 25 : i32
      %mul3A_314 = arith.constant 25600 : i32
      %mul3A_315 = arith.muli %add3A, %mul3A_314 : i32
      %mul3A_316 = arith.constant 400 : i32
      %mul3A_317 = arith.muli %add3A_267, %mul3A_316 : i32
      %add3A_318 = arith.addi %mul3A_315, %mul3A_317 : i32
      %jit3A_319 = arith.constant 200 : i32
      %div3A_320 = arith.divsi %add3A_318, %jit3A_319 : i32
      %sign3A_321 = arith.constant 0 : i32
      %sign3A_322 = arith.cmpi sgt, %add3A_318, %sign3A_321 : i32
      %sign3A_323 = arith.extui %sign3A_322 : i1 to i32
      %sign3A_324 = arith.constant 0 : i32
      %sign3A_325 = arith.cmpi slt, %add3A_318, %sign3A_324 : i32
      %sign3A_326 = arith.extui %sign3A_325 : i1 to i32
      %sign3A_327 = arith.subi %sign3A_323, %sign3A_326 : i32
      %sign3A_328 = arith.constant 0 : i32
      %sign3A_329 = arith.cmpi sgt, %jit3A_319, %sign3A_328 : i32
      %sign3A_330 = arith.extui %sign3A_329 : i1 to i32
      %sign3A_331 = arith.constant 0 : i32
      %sign3A_332 = arith.cmpi slt, %jit3A_319, %sign3A_331 : i32
      %sign3A_333 = arith.extui %sign3A_332 : i1 to i32
      %sign3A_334 = arith.subi %sign3A_330, %sign3A_333 : i32
      %ne3A_335 = arith.cmpi ne, %sign3A_327, %sign3A_334 : i32
      %rem3A_336 = arith.remsi %add3A_318, %jit3A_319 : i32
      %ne3A_337 = arith.constant 0 : i32
      %ne3A_338 = arith.cmpi ne, %rem3A_336, %ne3A_337 : i32
      %and3A_339 = arith.andi %ne3A_335, %ne3A_338 : i1
      %sub3A_340 = arith.constant 1 : i32
      %sub3A_341 = arith.subi %div3A_320, %sub3A_340 : i32
      %select_n3A_342 = arith.select %and3A_339, %sub3A_341, %div3A_320 : i32
      %add3A_343 = arith.constant 0 : i32
      %add3A_344 = arith.addi %select_n3A_342, %add3A_343 : i32
      %dma_start3A_345 = arith.constant 0 : i32
      %dma_start3A_346 = arith.constant 0 : i32
      %dma_start3A_347 = tpu.memref_slice %arg11[%dma_start3A_345, %dma_start3A_346] : memref<400x64xf32, #tpu.memory_space<vmem>> -> memref<200x64xf32, #tpu.memory_space<vmem>>
      %dma_start3A_348 = arith.constant 0 : i32
      %dma_start3A_349 = arith.constant 0 : i32
      %dma_start3A_350 = tpu.memref_slice %arg7[%add3A_344, %dma_start3A_348, %dma_start3A_349] : memref<4096x200x64xf32, #tpu.memory_space<hbm>> -> memref<1x200x64xf32, #tpu.memory_space<hbm>>
      %dma_start3A_351 = tpu.memref_squeeze %dma_start3A_350 : memref<1x200x64xf32, #tpu.memory_space<hbm>> -> memref<200x64xf32, #tpu.memory_space<hbm>>
      %dma_start3A_352 = arith.constant 0 : i32
      %dma_start3A_353 = arith.constant 0 : i32
      %dma_start3A_354 = tpu.memref_slice %arg7[%add3A_344, %dma_start3A_352, %dma_start3A_353] : memref<4096x200x64xf32, #tpu.memory_space<hbm>> -> memref<1x200x64xf32, #tpu.memory_space<hbm>>
      %dma_start3A_355 = tpu.memref_squeeze %dma_start3A_354 : memref<1x200x64xf32, #tpu.memory_space<hbm>> -> memref<200x64xf32, #tpu.memory_space<hbm>>
      %dma_start3A_356 = arith.constant 0 : i32
      %dma_start3A_357 = arith.constant 0 : i32
      %dma_start3A_358 = tpu.memref_slice %arg11[%dma_start3A_356, %dma_start3A_357] : memref<400x64xf32, #tpu.memory_space<vmem>> -> memref<200x64xf32, #tpu.memory_space<vmem>>
      tpu.enqueue_dma source(%dma_start3A_358 : memref<200x64xf32, #tpu.memory_space<vmem>>) target(%dma_start3A_355 : memref<200x64xf32, #tpu.memory_space<hbm>>) target_semaphore(%arg19 : memref<!tpu.dma_semaphore, #tpu.memory_space<semaphore_mem>>)
      %add3A_359 = arith.constant 1 : i32
      %add3A_360 = arith.addi %select_n3A_342, %add3A_359 : i32
      %dma_start3A_361 = arith.constant 200 : i32
      %dma_start3A_362 = arith.constant 0 : i32
      %dma_start3A_363 = tpu.memref_slice %arg11[%dma_start3A_361, %dma_start3A_362] : memref<400x64xf32, #tpu.memory_space<vmem>> -> memref<200x64xf32, #tpu.memory_space<vmem>>
      %dma_start3A_364 = arith.constant 0 : i32
      %dma_start3A_365 = arith.constant 0 : i32
      %dma_start3A_366 = tpu.memref_slice %arg7[%add3A_360, %dma_start3A_364, %dma_start3A_365] : memref<4096x200x64xf32, #tpu.memory_space<hbm>> -> memref<1x200x64xf32, #tpu.memory_space<hbm>>
      %dma_start3A_367 = tpu.memref_squeeze %dma_start3A_366 : memref<1x200x64xf32, #tpu.memory_space<hbm>> -> memref<200x64xf32, #tpu.memory_space<hbm>>
      %dma_start3A_368 = arith.constant 0 : i32
      %dma_start3A_369 = arith.constant 0 : i32
      %dma_start3A_370 = tpu.memref_slice %arg7[%add3A_360, %dma_start3A_368, %dma_start3A_369] : memref<4096x200x64xf32, #tpu.memory_space<hbm>> -> memref<1x200x64xf32, #tpu.memory_space<hbm>>
      %dma_start3A_371 = tpu.memref_squeeze %dma_start3A_370 : memref<1x200x64xf32, #tpu.memory_space<hbm>> -> memref<200x64xf32, #tpu.memory_space<hbm>>
      %dma_start3A_372 = arith.constant 200 : i32
      %dma_start3A_373 = arith.constant 0 : i32
      %dma_start3A_374 = tpu.memref_slice %arg11[%dma_start3A_372, %dma_start3A_373] : memref<400x64xf32, #tpu.memory_space<vmem>> -> memref<200x64xf32, #tpu.memory_space<vmem>>
      tpu.enqueue_dma source(%dma_start3A_374 : memref<200x64xf32, #tpu.memory_space<vmem>>) target(%dma_start3A_371 : memref<200x64xf32, #tpu.memory_space<hbm>>) target_semaphore(%arg19 : memref<!tpu.dma_semaphore, #tpu.memory_space<semaphore_mem>>)
      %scan3A_375 = arith.constant 0 : i32
      scf.yield %scan3A_375 : i32
    }
    %scan3A_42 = arith.constant 32 : i32
    %mul3A_43 = arith.constant 25600 : i32
    %mul3A_44 = arith.muli %add3A, %mul3A_43 : i32
    %add3A_45 = arith.constant 24800 : i32
    %add3A_46 = arith.addi %mul3A_44, %add3A_45 : i32
    %jit3A = arith.constant 200 : i32
    %div3A = arith.divsi %add3A_46, %jit3A : i32
    %sign3A = arith.constant 0 : i32
    %sign3A_47 = arith.cmpi sgt, %add3A_46, %sign3A : i32
    %sign3A_48 = arith.extui %sign3A_47 : i1 to i32
    %sign3A_49 = arith.constant 0 : i32
    %sign3A_50 = arith.cmpi slt, %add3A_46, %sign3A_49 : i32
    %sign3A_51 = arith.extui %sign3A_50 : i1 to i32
    %sign3A_52 = arith.subi %sign3A_48, %sign3A_51 : i32
    %sign3A_53 = arith.constant 0 : i32
    %sign3A_54 = arith.cmpi sgt, %jit3A, %sign3A_53 : i32
    %sign3A_55 = arith.extui %sign3A_54 : i1 to i32
    %sign3A_56 = arith.constant 0 : i32
    %sign3A_57 = arith.cmpi slt, %jit3A, %sign3A_56 : i32
    %sign3A_58 = arith.extui %sign3A_57 : i1 to i32
    %sign3A_59 = arith.subi %sign3A_55, %sign3A_58 : i32
    %ne3A = arith.cmpi ne, %sign3A_52, %sign3A_59 : i32
    %rem3A = arith.remsi %add3A_46, %jit3A : i32
    %ne3A_60 = arith.constant 0 : i32
    %ne3A_61 = arith.cmpi ne, %rem3A, %ne3A_60 : i32
    %and3A = arith.andi %ne3A, %ne3A_61 : i1
    %sub3A = arith.constant 1 : i32
    %sub3A_62 = arith.subi %div3A, %sub3A : i32
    %select_n3A = arith.select %and3A, %sub3A_62, %div3A : i32
    %add3A_63 = arith.constant 0 : i32
    %add3A_64 = arith.addi %select_n3A, %add3A_63 : i32
    %dma_wait3A = arith.constant 0 : i32
    %dma_wait3A_65 = arith.constant 0 : i32
    %dma_wait3A_66 = tpu.memref_slice %arg10[%dma_wait3A, %dma_wait3A_65] : memref<400x64xf32, #tpu.memory_space<vmem>> -> memref<200x64xf32, #tpu.memory_space<vmem>>
    %dma_wait3A_67 = arith.constant 0 : i32
    %dma_wait3A_68 = arith.constant 0 : i32
    %dma_wait3A_69 = tpu.memref_slice %arg7[%add3A_64, %dma_wait3A_67, %dma_wait3A_68] : memref<4096x200x64xf32, #tpu.memory_space<hbm>> -> memref<1x200x64xf32, #tpu.memory_space<hbm>>
    %dma_wait3A_70 = tpu.memref_squeeze %dma_wait3A_69 : memref<1x200x64xf32, #tpu.memory_space<hbm>> -> memref<200x64xf32, #tpu.memory_space<hbm>>
    %dma_wait3A_71 = arith.constant 0 : i32
    %dma_wait3A_72 = arith.constant 0 : i32
    %dma_wait3A_73 = tpu.memref_slice %arg7[%add3A_64, %dma_wait3A_71, %dma_wait3A_72] : memref<4096x200x64xf32, #tpu.memory_space<hbm>> -> memref<1x200x64xf32, #tpu.memory_space<hbm>>
    %dma_wait3A_74 = tpu.memref_squeeze %dma_wait3A_73 : memref<1x200x64xf32, #tpu.memory_space<hbm>> -> memref<200x64xf32, #tpu.memory_space<hbm>>
    %dma_wait3A_75 = arith.constant 0 : i32
    %dma_wait3A_76 = arith.constant 0 : i32
    %dma_wait3A_77 = tpu.memref_slice %arg10[%dma_wait3A_75, %dma_wait3A_76] : memref<400x64xf32, #tpu.memory_space<vmem>> -> memref<200x64xf32, #tpu.memory_space<vmem>>
    tpu.wait_dma2 semaphore(%arg18 : memref<!tpu.dma_semaphore, #tpu.memory_space<semaphore_mem>>) src(%dma_wait3A_77 : memref<200x64xf32, #tpu.memory_space<vmem>>) dst(%dma_wait3A_74 : memref<200x64xf32, #tpu.memory_space<hbm>>)
    %add3A_78 = arith.constant 1 : i32
    %add3A_79 = arith.addi %select_n3A, %add3A_78 : i32
    %dma_wait3A_80 = arith.constant 200 : i32
    %dma_wait3A_81 = arith.constant 0 : i32
    %dma_wait3A_82 = tpu.memref_slice %arg10[%dma_wait3A_80, %dma_wait3A_81] : memref<400x64xf32, #tpu.memory_space<vmem>> -> memref<200x64xf32, #tpu.memory_space<vmem>>
    %dma_wait3A_83 = arith.constant 0 : i32
    %dma_wait3A_84 = arith.constant 0 : i32
    %dma_wait3A_85 = tpu.memref_slice %arg7[%add3A_79, %dma_wait3A_83, %dma_wait3A_84] : memref<4096x200x64xf32, #tpu.memory_space<hbm>> -> memref<1x200x64xf32, #tpu.memory_space<hbm>>
    %dma_wait3A_86 = tpu.memref_squeeze %dma_wait3A_85 : memref<1x200x64xf32, #tpu.memory_space<hbm>> -> memref<200x64xf32, #tpu.memory_space<hbm>>
    %dma_wait3A_87 = arith.constant 0 : i32
    %dma_wait3A_88 = arith.constant 0 : i32
    %dma_wait3A_89 = tpu.memref_slice %arg7[%add3A_79, %dma_wait3A_87, %dma_wait3A_88] : memref<4096x200x64xf32, #tpu.memory_space<hbm>> -> memref<1x200x64xf32, #tpu.memory_space<hbm>>
    %dma_wait3A_90 = tpu.memref_squeeze %dma_wait3A_89 : memref<1x200x64xf32, #tpu.memory_space<hbm>> -> memref<200x64xf32, #tpu.memory_space<hbm>>
    %dma_wait3A_91 = arith.constant 200 : i32
    %dma_wait3A_92 = arith.constant 0 : i32
    %dma_wait3A_93 = tpu.memref_slice %arg10[%dma_wait3A_91, %dma_wait3A_92] : memref<400x64xf32, #tpu.memory_space<vmem>> -> memref<200x64xf32, #tpu.memory_space<vmem>>
    tpu.wait_dma2 semaphore(%arg18 : memref<!tpu.dma_semaphore, #tpu.memory_space<semaphore_mem>>) src(%dma_wait3A_93 : memref<200x64xf32, #tpu.memory_space<vmem>>) dst(%dma_wait3A_90 : memref<200x64xf32, #tpu.memory_space<hbm>>)
    %mul3A_94 = arith.constant 25600 : i32
    %mul3A_95 = arith.muli %add3A, %mul3A_94 : i32
    %add3A_96 = arith.constant 25200 : i32
    %add3A_97 = arith.addi %mul3A_95, %add3A_96 : i32
    %jit3A_98 = arith.constant 200 : i32
    %div3A_99 = arith.divsi %add3A_97, %jit3A_98 : i32
    %sign3A_100 = arith.constant 0 : i32
    %sign3A_101 = arith.cmpi sgt, %add3A_97, %sign3A_100 : i32
    %sign3A_102 = arith.extui %sign3A_101 : i1 to i32
    %sign3A_103 = arith.constant 0 : i32
    %sign3A_104 = arith.cmpi slt, %add3A_97, %sign3A_103 : i32
    %sign3A_105 = arith.extui %sign3A_104 : i1 to i32
    %sign3A_106 = arith.subi %sign3A_102, %sign3A_105 : i32
    %sign3A_107 = arith.constant 0 : i32
    %sign3A_108 = arith.cmpi sgt, %jit3A_98, %sign3A_107 : i32
    %sign3A_109 = arith.extui %sign3A_108 : i1 to i32
    %sign3A_110 = arith.constant 0 : i32
    %sign3A_111 = arith.cmpi slt, %jit3A_98, %sign3A_110 : i32
    %sign3A_112 = arith.extui %sign3A_111 : i1 to i32
    %sign3A_113 = arith.subi %sign3A_109, %sign3A_112 : i32
    %ne3A_114 = arith.cmpi ne, %sign3A_106, %sign3A_113 : i32
    %rem3A_115 = arith.remsi %add3A_97, %jit3A_98 : i32
    %ne3A_116 = arith.constant 0 : i32
    %ne3A_117 = arith.cmpi ne, %rem3A_115, %ne3A_116 : i32
    %and3A_118 = arith.andi %ne3A_114, %ne3A_117 : i1
    %sub3A_119 = arith.constant 1 : i32
    %sub3A_120 = arith.subi %div3A_99, %sub3A_119 : i32
    %select_n3A_121 = arith.select %and3A_118, %sub3A_120, %div3A_99 : i32
    %add3A_122 = arith.constant 0 : i32
    %add3A_123 = arith.addi %select_n3A_121, %add3A_122 : i32
    %dma_wait3A_124 = arith.constant 0 : i32
    %dma_wait3A_125 = arith.constant 0 : i32
    %dma_wait3A_126 = tpu.memref_slice %arg11[%dma_wait3A_124, %dma_wait3A_125] : memref<400x64xf32, #tpu.memory_space<vmem>> -> memref<200x64xf32, #tpu.memory_space<vmem>>
    %dma_wait3A_127 = arith.constant 0 : i32
    %dma_wait3A_128 = arith.constant 0 : i32
    %dma_wait3A_129 = tpu.memref_slice %arg7[%add3A_123, %dma_wait3A_127, %dma_wait3A_128] : memref<4096x200x64xf32, #tpu.memory_space<hbm>> -> memref<1x200x64xf32, #tpu.memory_space<hbm>>
    %dma_wait3A_130 = tpu.memref_squeeze %dma_wait3A_129 : memref<1x200x64xf32, #tpu.memory_space<hbm>> -> memref<200x64xf32, #tpu.memory_space<hbm>>
    %dma_wait3A_131 = arith.constant 0 : i32
    %dma_wait3A_132 = arith.constant 0 : i32
    %dma_wait3A_133 = tpu.memref_slice %arg7[%add3A_123, %dma_wait3A_131, %dma_wait3A_132] : memref<4096x200x64xf32, #tpu.memory_space<hbm>> -> memref<1x200x64xf32, #tpu.memory_space<hbm>>
    %dma_wait3A_134 = tpu.memref_squeeze %dma_wait3A_133 : memref<1x200x64xf32, #tpu.memory_space<hbm>> -> memref<200x64xf32, #tpu.memory_space<hbm>>
    %dma_wait3A_135 = arith.constant 0 : i32
    %dma_wait3A_136 = arith.constant 0 : i32
    %dma_wait3A_137 = tpu.memref_slice %arg11[%dma_wait3A_135, %dma_wait3A_136] : memref<400x64xf32, #tpu.memory_space<vmem>> -> memref<200x64xf32, #tpu.memory_space<vmem>>
    tpu.wait_dma2 semaphore(%arg19 : memref<!tpu.dma_semaphore, #tpu.memory_space<semaphore_mem>>) src(%dma_wait3A_137 : memref<200x64xf32, #tpu.memory_space<vmem>>) dst(%dma_wait3A_134 : memref<200x64xf32, #tpu.memory_space<hbm>>)
    %add3A_138 = arith.constant 1 : i32
    %add3A_139 = arith.addi %select_n3A_121, %add3A_138 : i32
    %dma_wait3A_140 = arith.constant 200 : i32
    %dma_wait3A_141 = arith.constant 0 : i32
    %dma_wait3A_142 = tpu.memref_slice %arg11[%dma_wait3A_140, %dma_wait3A_141] : memref<400x64xf32, #tpu.memory_space<vmem>> -> memref<200x64xf32, #tpu.memory_space<vmem>>
    %dma_wait3A_143 = arith.constant 0 : i32
    %dma_wait3A_144 = arith.constant 0 : i32
    %dma_wait3A_145 = tpu.memref_slice %arg7[%add3A_139, %dma_wait3A_143, %dma_wait3A_144] : memref<4096x200x64xf32, #tpu.memory_space<hbm>> -> memref<1x200x64xf32, #tpu.memory_space<hbm>>
    %dma_wait3A_146 = tpu.memref_squeeze %dma_wait3A_145 : memref<1x200x64xf32, #tpu.memory_space<hbm>> -> memref<200x64xf32, #tpu.memory_space<hbm>>
    %dma_wait3A_147 = arith.constant 0 : i32
    %dma_wait3A_148 = arith.constant 0 : i32
    %dma_wait3A_149 = tpu.memref_slice %arg7[%add3A_139, %dma_wait3A_147, %dma_wait3A_148] : memref<4096x200x64xf32, #tpu.memory_space<hbm>> -> memref<1x200x64xf32, #tpu.memory_space<hbm>>
    %dma_wait3A_150 = tpu.memref_squeeze %dma_wait3A_149 : memref<1x200x64xf32, #tpu.memory_space<hbm>> -> memref<200x64xf32, #tpu.memory_space<hbm>>
    %dma_wait3A_151 = arith.constant 200 : i32
    %dma_wait3A_152 = arith.constant 0 : i32
    %dma_wait3A_153 = tpu.memref_slice %arg11[%dma_wait3A_151, %dma_wait3A_152] : memref<400x64xf32, #tpu.memory_space<vmem>> -> memref<200x64xf32, #tpu.memory_space<vmem>>
    tpu.wait_dma2 semaphore(%arg19 : memref<!tpu.dma_semaphore, #tpu.memory_space<semaphore_mem>>) src(%dma_wait3A_153 : memref<200x64xf32, #tpu.memory_space<vmem>>) dst(%dma_wait3A_150 : memref<200x64xf32, #tpu.memory_space<hbm>>)
    return
  }
}

</mosaic_0001>

<sc_bundles>
// kernel: kernel.3.cloned.1.call-start
scs
__scs_entry_jumppad:
0x0: {  	(pc) =	sbr.rel $0x88, $3  }
0x1: {  	(tag) =	ssettag $0x0;
	lr =	simm.s32 $0x1  }
0x2: {  	[smem:$0x3F9C] =	sst lr;
	_ =	strace $0xD0000000  }
0x3: {  	_ = 	snop  }
0x4: {  	_ = 	snop  }
0x5: {  	_ = 	snop  }
0x6: {  	_ = 	snop  }
0x7: {  	_ = 	snop  }
__scs_overlays_trampoline_lowered:
0x8: {  	[smem:$0x3FAB] =	sst s0  }
0x9: {  	[smem:$0x3FAC] =	sst s1  }
0xa: {  	[smem:$0x3FAD] =	sst s2  }
0xb: {  	[smem:$0x3FAE] =	sst s3  }
0xc: {  	[smem:$0x3FAF] =	sst s4  }
0xd: {  	[smem:$0x3FB0] =	sst s5  }
0xe: {  	[smem:$0x3FB1] =	sst s6  }
0xf: {  	[smem:$0x3FB2] =	sst s7  }
0x10: {  	[smem:$0x3FB3] =	sst s8  }
0x11: {  	[smem:$0x3FB4] =	sst s9;
	s0 =	simm.s32 @!p0 $0x0  }
0x12: {  	s1 =	sld [smem:$0x3F9A];
	s0 =	simm.s32 @p0 $0x1  }
0x13: {  	[smem:$0x3FB5] =	sst s0;
	s0 =	simm.s32 @!p1 $0x0  }
0x14: {  	s2 =	sld [smem:$0x3F99];
	s0 =	simm.s32 @p1 $0x1  }
0x15: {  	[smem:$0x3FB6] =	sst s0;
	s0 =	simm.s32 @!p2 $0x0  }
0x16: {  	s3 =	sld [smem:$0x3FDB];
	s0 =	simm.s32 @p2 $0x1  }
0x17: {  	s4 =	simm.s32 $0x1BF5;
	[smem:$0x3FB8] =	sst s0  }
0x18: {  	s0 =	sld [smem:$0x3F9B];
	_ =	swait.ge [sflag:s4], $0x0  }
0x19: {  	s7 =	sld [smem:$0x3F9C]  }
0x1a: {  	s8 =	sadd.s32 $0xFFFFE003, lr  }
0x1b: {  	s9 =	sadd.s32 $0xFFFFFEF7, lr;
	s5 =	simm.s32 $0xFFFFFFFF;
	p2 =	slt.u32 s8, $0xFFFFF086  }
0x1c: {  	p1 =	slt.u32 s9, $0xF7A;
	s5 =	simm.s32 @!p2 $0x0  }
0x1d: {  	s5 =	simm.s32 @p1 $0x1;
	p0 =	seq.s32 s7, s2  }
0x1e: {  	s7 =	smul.u32 @!p0 $0xF7A, s2;
	p2 =	seq.s32 @!p0 s5, $0x0  }
0x1f: {  	s9 =	smul.u32 $0xF7A, s1;
	s8 =	simm.s32 @!p0 $0x1BF5;
	p2 =	por !p2, p0  }
0x20: {  	[sflag:s8] =	ssyncset.s32 @!p0 $0xFFFFF086;
	s6 =	sadd.s32 @!p0 s3, s7;
	s7 =	simm.s32 @!p0 $0x108  }
0x21: {  	s3 =	sadd.s32 s3, s9;
	s6 =	sadd.s32 @!p0 $0x88, s6;
	s7 =	simm.s32 @p2 $0x1082  }
0x22: {  	[simem:s7], [sflag:s8] =	dma.local @!p0 [hbm:s6], $0xF7A  }
0x23: {  	s9 =	sor.u32 $0xD0000000, s2;
	s6 =	simm.s32 $0x108;
	_ =	swait.ge @!p0 [sflag:s8], $0x0  }
0x24: {  	s3 =	sadd.s32 $0x88, s3;
	s6 =	simm.s32 @!p1 $0x1082;
	[sflag:s4] =	ssyncset.s32 $0xFFFFF086  }
0x25: {  	[simem:s6], [sflag:s4] =	dma.local [hbm:s3], $0xF7A  }
0x26: {  	[smem:$0x3F9C] =	sst s1;
	(tag) =	ssettag s2;
	_ =	strace s9  }
0x27: {  	s1 =	sld [smem:$0x3FAC]  }
0x28: {  	s2 =	sld [smem:$0x3FAD]  }
0x29: {  	s4 =	sld [smem:$0x3FAF]  }
0x2a: {  	p0 =	seq.s32 s5, $0x0;
	s5 =	sld [smem:$0x3FB0]  }
0x2b: {  	s6 =	sld [smem:$0x3FB1]  }
0x2c: {  	s7 =	sld [smem:$0x3FB2]  }
0x2d: {  	s3 =	simm.s32 $0x108;
	s8 =	sld [smem:$0x3FB3]  }
0x2e: {  	s3 =	simm.s32 @!p0 $0x1082;
	s9 =	sld [smem:$0x3FB4]  }
0x2f: {  	lr =	sadd.s32 s0, s3;
	s0 =	sld [smem:$0x3FAB]  }
0x30: {  	s3 =	sld [smem:$0x3FAE]  }
0x31: {  	[smem:$0x3FB7] =	sst s10  }
0x32: {  	s10 =	sld [smem:$0x3FB5];
	_ =	sdelay $0x3  }
0x33: {  	p0 =	seq.s32 s10, $0x1;
	s10 =	sld [smem:$0x3FB7];
	_ =	sdelay $0x3  }
0x34: {  	[smem:$0x3FB7] =	sst s10  }
0x35: {  	s10 =	sld [smem:$0x3FB6];
	_ =	sdelay $0x3  }
0x36: {  	p1 =	seq.s32 s10, $0x1;
	s10 =	sld [smem:$0x3FB7];
	_ =	sdelay $0x3  }
0x37: {  	[smem:$0x3FB7] =	sst s10  }
0x38: {  	s10 =	sld [smem:$0x3FB8]  }
0x39: {  	_ = 	snop;
	(pc) =	sbr.ind lr, $3  }
0x3a: {  	_ = 	snop  }
0x3b: {  	_ = 	snop  }
0x3c: {  	p2 =	seq.s32 s10, $0x1;
	s10 =	sld [smem:$0x3FB7]  }
0x3d: {  	_ =	shalt  }
0x3e: {  	_ =	shalt  }
0x3f: {  	_ =	shalt  }
0x40: {  	_ =	shalt  }
0x41: {  	_ =	shalt  }
0x42: {  	_ =	shalt  }
0x43: {  	_ =	shalt  }
0x44: {  	_ =	shalt  }
0x45: {  	_ =	shalt  }
0x46: {  	_ =	shalt  }
0x47: {  	_ =	shalt  }
0x48: {  	_ =	shalt  }
0x49: {  	_ =	shalt  }
0x4a: {  	_ =	shalt  }
0x4b: {  	_ =	shalt  }
0x4c: {  	_ =	shalt  }
0x4d: {  	_ =	shalt  }
0x4e: {  	_ =	shalt  }
0x4f: {  	_ =	shalt  }
0x50: {  	_ =	shalt  }
0x51: {  	_ =	shalt  }
0x52: {  	_ =	shalt  }
0x53: {  	_ =	shalt  }
0x54: {  	_ =	shalt  }
0x55: {  	_ =	shalt  }
0x56: {  	_ =	shalt  }
0x57: {  	_ =	shalt  }
0x58: {  	_ =	shalt  }
0x59: {  	_ =	shalt  }
0x5a: {  	_ =	shalt  }
0x5b: {  	_ =	shalt  }
0x5c: {  	_ =	shalt  }
0x5d: {  	_ =	shalt  }
0x5e: {  	_ =	shalt  }
0x5f: {  	_ =	shalt  }
0x60: {  	_ =	shalt  }
0x61: {  	_ =	shalt  }
0x62: {  	_ =	shalt  }
0x63: {  	_ =	shalt  }
0x64: {  	_ =	shalt  }
0x65: {  	_ =	shalt  }
0x66: {  	_ =	shalt  }
0x67: {  	_ =	shalt  }
0x68: {  	_ =	shalt  }
0x69: {  	_ =	shalt  }
0x6a: {  	_ =	shalt  }
0x6b: {  	_ =	shalt  }
0x6c: {  	_ =	shalt  }
0x6d: {  	_ =	shalt  }
0x6e: {  	_ =	shalt  }
0x6f: {  	_ =	shalt  }
0x70: {  	_ =	shalt  }
0x71: {  	_ =	shalt  }
0x72: {  	_ =	shalt  }
0x73: {  	_ =	shalt  }
0x74: {  	_ =	shalt  }
0x75: {  	_ =	shalt  }
0x76: {  	_ =	shalt  }
0x77: {  	_ =	shalt  }
0x78: {  	_ =	shalt  }
0x79: {  	_ =	shalt  }
0x7a: {  	_ =	shalt  }
0x7b: {  	_ =	shalt  }
0x7c: {  	_ =	shalt  }
0x7d: {  	_ =	shalt  }
0x7e: {  	_ =	shalt  }
0x7f: {  	_ =	shalt  }
0x80: {  	_ =	shalt  }
0x81: {  	_ =	shalt  }
0x82: {  	_ =	shalt  }
0x83: {  	_ =	shalt  }
0x84: {  	_ =	shalt  }
0x85: {  	_ =	shalt  }
0x86: {  	_ =	shalt  }
0x87: {  	_ =	shalt  }
.Lfunc_end0:
.L_simem_size_0:
called_computation.1_lowered:
.L_overlay_start_0:
0x88: {  	s2 =	sld [smem:$0x3FD9]  }
0x89: {  	s3 =	sld [smem:$0x3FFE];
	_ =	sdelay $0x1  }
0x8a: {  	s1 =	srdreg.scid  }
0x8b: {  	s0 =	sand.u32 $0x1, s1  }
0x8c: {  	s17 =	sshll.u32 s0, $0xA;
	s2 =	sadd.s32 s3, s2  }
0x8d: {  	s2 =	sadd.s32 s2, s17  }
0x8e: {  	[smem:$0x3FC3] =	sst s2  }
0x8f: {  	_ = 	snop  }
0x90: {  	s2 =	sld [smem:$0x3FD0];
	(tm) =	ssettm $0x1  }
0x91: {  	s18 =	sld [smem:$0x3FFB];
	_ =	sdelay $0x3  }
0x92: {  	_ =	strace s18  }
0x93: {  	s3 =	sld [smem:$0x3FFC];
	_ =	sdelay $0x3  }
0x94: {  	_ =	strace s3  }
0x95: {  	s3 =	sld [smem:$0x3FFD];
	_ =	sdelay $0x3  }
0x96: {  	_ =	strace s3  }
0x97: {  	_ =	strace $0x8FFFFFFF  }
0x98: {  	s19 =	sld [smem:$0x3FDB];
	_ =	sdelay $0x1  }
0x99: {  	s4 =	simm.s32 $_scs_section_size  }
0x9a: {  	s5 =	simm.s32 $_size__tile_overlayer_lowered;
	s6 =	simm.s32 $_tile_overlayer_lowered  }
0x9b: {  	s22 =	simm.s32 $0x1BFF;
	s21 =	sshll.u32 s6, $0x1;
	s3 =	sadd.s32 s4, s19  }
0x9c: {  	s7 =	simm.s32 $0x0;
	s20 =	sshll.u32 s5, $0x1;
	s5 =	sadd.s32 s21, s3  }
0x9d: {  	[timem:s7], [sflag:s22] =	dma.local [hbm:s5], s20  }
0x9e: {  	_ =	swait.ge [sflag:s22], s20  }
0x9f: {  	s4 =	ssub.s32 $0x0, s20;
	[sflag:s22] =	ssyncset.done $0x0  }
0xa0: {  	[sflag:s22] =	ssyncadd.s32 s4;
	_ =	sdelay $0x1  }
0xa1: {  	s23 =	simm.s32 $0x1B8B  }
0xa2: {  	_ =	swait.ge [sflag:s23], $0x1  }
0xa3: {  	[sflag:s23] =	ssyncset.done $0x0  }
0xa4: {  	s25 =	simm.s32 $0x1B8E;
	s24 =	sld [smem:$0x3FFE];
	[sflag:s23] =	ssyncadd.s32 $0xFFFFFFFF  }
0xa5: {  	s26 =	simm.s32 $execute0_lowered;
	[smem:$0x3FD2] =	sst s25  }
0xa6: {  	s5 =	sshll.u32 s26, $0x1;
	_ =	strace $0x80000046;
	[dreg:$0x1] =	wrdreg $0xFFFFFFFF  }
0xa7: {  	s28 =	simm.s32 $_size_execute0_lowered;
	s3 =	sadd.s32 s3, s5;
	[dreg:$0x0] =	wrdreg $0x0  }
0xa8: {  	s5 =	sshll.u32 s28, $0x1;
	[dreg:$0x2] =	wrdreg s3  }
0xa9: {  	[dreg:$0x3] =	wrdreg s5  }
0xaa: {  	[dreg:$0x4] =	wrdreg $0xC0  }
0xab: {  	_ =	task [dreg:s7], $0x5FFFF  }
0xac: {  	[dreg:$0x1] =	wrdreg $0xFFFFFFFF  }
0xad: {  	[dreg:$0x0] =	wrdreg $0x60  }
0xae: {  	[dreg:$0x2] =	wrdreg s24  }
0xaf: {  	[dreg:$0x3] =	wrdreg s2  }
0xb0: {  	[dreg:$0x4] =	wrdreg $0x9  }
0xb1: {  	_ =	task.clear_ibuf [dreg:s7], $0x5FFFF;
	_ =	strace $0x90000046  }
0xb2: {  	s29 =	simm.s32 $0x9;
	_ =	strace $0x80000048  }
0xb3: {  	_ =	swait.ge [sflag:s29], $0x1  }
0xb4: {  	[sflag:s29] =	ssyncadd.s32 $0xFFFFFFFF  }
0xb5: {  	_ =	strace $0x90000048  }
0xb6: {  	_ =	sfence  }
0xb7: {  	s30 =	sld [smem:$0x0];
	_ =	sdelay $0x2  }
0xb8: {  	s31 =	sshll.u32 s1, $0xD;
	s1 =	sshrl.u32 s1, $0x2  }
0xb9: {  	s3 =	sand.u32 $0x4000, s31;
	s1 =	sadd.s32 s1, s30  }
0xba: {  	s0 =	sor.u32 s3, s0;
	s1 =	sshll.u32 s1, $0x11  }
0xbb: {  	s0 =	sor.u32 s1, s0  }
0xbc: {  	s0 =	sadd.s32 $0x8F2B, s0  }
0xbd: {  	[sflag:s0] =	ssyncadd.remote.s32 $0x1  }
0xbe: {  	_ =	sfence.sel $0xFFFF  }
0xbf: {  	[dreg:$0x0] =	wrdreg $0xFFFFFFFF;
	(pc) =	sbr.abs _section_cstart, $3  }
0xc0: {  	[dreg:$0x1] =	wrdreg $0xFFFFFFFF  }
0xc1: {  	_ =	task.clear_ibuf [dreg:s7], $0x2FFFF;
	_ =	strace $0x9FFFFFFF  }
0xc2: {  	(tm) =	ssettm $0x7FFFFFFF  }
0xc3: {  	_ =	shalt  }
tec
execute0_lowered:
.L_overlay_start_1:
0x0: {  	(tag) =	ssettag $0x1  }
0x1: {  	s0 =	rddreg [dreg:$0x0]  }
0x2: {  	s2 =	rddreg [dreg:$0x1];
	s3 =	simm.s32 $0x0;
	s1 =	srdreg.scid  }
0x3: {  	s4 =	stileid.u32;
	s15 =	simm.s32 $0x5;
	s18 =	simm.s32 $0x80  }
0x4: {  	s19 =	simm.s32 $0x320;
	s28 =	simm.s32 $0x6720;
	[smem:$0x7FF] =	sst s3  }
0x5: {  	s1 =	sand.u32 $0x1, s1;
	s4 =	sshll.u32 s4, $0x1;
	s5 =	sadd.s32 $0x1AA00, s0  }
0x6: {  	s23 =	sadd.s32 $0xC00, s0;
	s24 =	sadd.s32 $0x800, s0;
	_ =	strace $0x80000047  }
0x7: {  	s6 =	sor.u32 s1, s4;
	s4 =	sadd.s32 $0x1A00, s0;
	[dreg:$0x4] =	wrdreg s23  }
0x8: {  	[dreg:$0x5] =	wrdreg s24;
	s0 =	sadd.s32 $0xA00, s0;
	s7 =	smul.u32 $0x6400, s6  }
0x9: {  	s10 =	simm.s32 $0x9920;
	s1 =	ssub.s32 $0x2, s1;
	[dreg:$0x6] =	wrdreg s0  }
0xa: {  	s25 =	sshrl.u32 s1, $0x1;
	s30 =	sor.u32 $0x190, s7;
	[dreg:$0x3] =	wrdreg s7  }
0xb: {  	s0 =	ssub.s32 s1, s25;
	s31 =	sor.u32 $0x320, s7;
	[dreg:$0x8] =	wrdreg s30  }
0xc: {  	s26 =	sshrl.u32 s7, $0x3;
	s0 =	smax.u32 s0, $0x1;
	[dreg:$0x9] =	wrdreg s31  }
0xd: {  	v1 =	vlaneseq.u32;
	v2 =	vimm.s32 $0x0;
	vm0 =	vcmask $0x300;
	s16 =	simm.s32 $0x1;
	s29 =	sadd.s32 s4, s26;
	[dreg:$0xa] =	wrdreg s0  }
0xe: {  	s17 =	simm.s32 $0x2;
	v0 =	vimm.f32 $1.000000000e+00;
	v1 =	vmul.u32 $0x40, v1;
	v2 =	vsel vm0, $0x3, v2;
	s6 =	simm.s32 $0x0;
	[dreg:$0x7] =	wrdreg s29  }
.LBB2_1:
0xf: {  	[dreg:$0xb] =	wrdreg s6  }
0x10: {  	s0 =	rddreg [dreg:$0x4];
	s1 =	simm.s32 $0xCF20  }
0x11: {  	[tilespmem:s1], [sflag:$0x5] =	stream.linear.gather [hbm4b:s0+s3], $0x6400, $0x38;
	[tilespmem:$0x13B20] =	vst v63  }
0x12: {  	_ =	swait.ge [sflag:s15], $0x6400  }
0x13: {  	[sflag:s15] =	ssyncset.done $0x0  }
0x14: {  	s20 =	simm.s32 $0x13320;
	s14 =	rddreg [dreg:$0x5];
	[sflag:s15] =	ssyncadd.s32 $0xFFFF9C00  }
0x15: {  	[tilespmem:s20], [sflag:$0x5] =	stream.linear.gather [hbm4b:s14+s3], $0x400, $0x38;
	[tilespmem:$0x13B20] =	vst v63  }
0x16: {  	_ =	swait.ge [sflag:s15], $0x400  }
0x17: {  	[sflag:s15] =	ssyncset.done $0x0  }
0x18: {  	s22 =	simm.s32 $0x13720;
	s21 =	rddreg [dreg:$0x6];
	[sflag:s15] =	ssyncadd.s32 $0xFFFFFC00  }
0x19: {  	[tilespmem:s22], [sflag:$0x5] =	stream.linear.gather [hbm4b:s21+s3], $0x400, $0x38;
	[tilespmem:$0x13B20] =	vst v63  }
0x1a: {  	_ =	swait.ge [sflag:s15], $0x400  }
0x1b: {  	[sflag:s15] =	ssyncset.done $0x0  }
0x1c: {  	s23 =	rddreg [dreg:$0x7];
	[sflag:s15] =	ssyncadd.s32 $0xFFFFFC00  }
0x1d: {  	[tilespmem:s3], [sflag:$0x5] =	stream.linear.gather [hbm4b:s23+s3], $0x190, $0x38;
	[tilespmem:$0x13B20] =	vst v63  }
0x1e: {  	_ =	swait.ge [sflag:s15], $0x190  }
0x1f: {  	[sflag:s15] =	ssyncset.done $0x0  }
0x20: {  	[sflag:s15] =	ssyncadd.s32 $0xFFFFFE70  }
0x21: {  	[tilespmem:s19], [sflag:$0x1] =	stream.indirect.gather [hbm4b:s5+s18], $0x40, s3, s18, $0xb8;
	[tilespmem:$0x13B20] =	vst v63  }
0x22: {  	s24 =	simm.s32 $0x48;
	s25 =	simm.s32 $0x2320  }
0x23: {  	[tilespmem:s25], [sflag:$0x1] =	stream.indirect.gather [hbm4b:s5+s24], $0x40, s18, s24, $0xb8;
	[tilespmem:$0x13B20] =	vst v63  }
0x24: {  	s26 =	simm.s32 $0xC8;
	s29 =	simm.s32 $0x3520  }
0x25: {  	[tilespmem:s29], [sflag:$0x1] =	stream.indirect.gather [hbm4b:s5+s18], $0x40, s26, s18, $0xb8;
	[tilespmem:$0x13B20] =	vst v63  }
0x26: {  	s30 =	simm.s32 $0x148;
	s31 =	simm.s32 $0x5520;
	s25 =	simm.s32 $0x0  }
0x27: {  	[tilespmem:s31], [sflag:$0x1] =	stream.indirect.gather [hbm4b:s5+s24], $0x40, s30, s24, $0xb8;
	[tilespmem:$0x13B20] =	vst v63  }
.LBB2_2:
0x28: {  	p0 =	seq.s32 s25, $0x0  }
0x29: {  	s1 =	simm.s32 @!p0 $0x4  }
0x2a: {  	_ =	swait.ge @!p0 [sflag:s1], $0x3200  }
0x2b: {  	[sflag:s1] =	ssyncset.done @!p0 $0x0  }
0x2c: {  	[sflag:s1] =	ssyncadd.s32 @!p0 $0xFFFFCE00  }
0x2d: {  	s8 =	smul.u32 $0x320, s25;
	_ =	swait.ge @!p0 [sflag:s1], $0x3200  }
0x2e: {  	s0 =	rddreg [dreg:$0x8]  }
0x2f: {  	s7 =	sadd.s32 s8, s0  }
0x30: {  	s9 =	simm.s32 $0x0;
	[sflag:s1] =	ssyncset.done @!p0 $0x0;
	s6 =	sshrl.u32 s7, $0x3  }
0x31: {  	s22 =	simm.s32 $0x190;
	[sflag:s1] =	ssyncadd.s32 @!p0 $0xFFFFCE00;
	s21 =	sadd.s32 s4, s6  }
0x32: {  	[tilespmem:s22], [sflag:$0x5] =	stream.linear.gather [hbm4b:s21+s9], $0x190, $0x38;
	[tilespmem:$0x13B20] =	vst v63  }
0x33: {  	_ =	swait.ge [sflag:s15], $0x190  }
0x34: {  	[sflag:s15] =	ssyncset.done $0x0  }
0x35: {  	[sflag:s15] =	ssyncadd.s32 $0xFFFFFE70  }
0x36: {  	[tilespmem:s28], [sflag:$0x2] =	stream.indirect.gather [hbm4b:s5+s18], $0x40, s22, s18, $0xb8;
	[tilespmem:$0x13B20] =	vst v63  }
0x37: {  	s23 =	simm.s32 $0x48;
	s24 =	simm.s32 $0x210;
	s26 =	simm.s32 $0x8720  }
0x38: {  	[tilespmem:s26], [sflag:$0x2] =	stream.indirect.gather [hbm4b:s5+s23], $0x40, s24, s23, $0xb8;
	[tilespmem:$0x13B20] =	vst v63  }
0x39: {  	s29 =	simm.s32 $0x258  }
0x3a: {  	[tilespmem:s10], [sflag:$0x2] =	stream.indirect.gather [hbm4b:s5+s18], $0x40, s29, s18, $0xb8;
	[tilespmem:$0x13B20] =	vst v63  }
0x3b: {  	s30 =	simm.s32 $0x2D8;
	s31 =	simm.s32 $0xB920  }
0x3c: {  	[tilespmem:s31], [sflag:$0x2] =	stream.indirect.gather [hbm4b:s5+s23], $0x40, s30, s23, $0xb8;
	[tilespmem:$0x13B20] =	vst v63  }
0x3d: {  	_ =	swait.ge [sflag:s16], $0x2000  }
0x3e: {  	[sflag:s16] =	ssyncset.done $0x0  }
0x3f: {  	[sflag:s16] =	ssyncadd.s32 $0xFFFFE000  }
0x40: {  	_ =	swait.ge [sflag:s16], $0x1200  }
0x41: {  	[sflag:s16] =	ssyncset.done $0x0  }
0x42: {  	[sflag:s16] =	ssyncadd.s32 $0xFFFFEE00  }
0x43: {  	_ =	swait.ge [sflag:s16], $0x2000  }
0x44: {  	[sflag:s16] =	ssyncset.done $0x0  }
0x45: {  	[sflag:s16] =	ssyncadd.s32 $0xFFFFE000  }
0x46: {  	_ =	swait.ge [sflag:s16], $0x1200  }
0x47: {  	[sflag:s16] =	ssyncset.done $0x0  }
0x48: {  	[sflag:s16] =	ssyncadd.s32 $0xFFFFEE00  }
.LBB2_3:
0x49: {  	s1 =	sshll.u32 s9, $0x4  }
0x4a: {  	v3 =	vld [tilespmem:s1+$0x0];
	_ =	sdelay $0x2  }
0x4b: {  	p0 =	slt.u32 s9, $0xD;
	v4 =	vmov s1;
	s6 =	sadd.s32 $0xFFFFFF38, s1  }
0x4c: {  	v13 =	vimm.f32 $0.0e+00;
	v4 =	vshll.u32 v4, $0x6;
	s6 =	smov.u32 @p0 s1  }
0x4d: {  	v14 =	vimm.f32 $0.0e+00;
	s1 =	sadd.s32 $0xCF20, s6;
	vm0 =	veq.s32 v3, $0x0;
	v3 =	vor.u32 v1, v4  }
0x4e: {  	v12 =	vmov s1;
	v11 =	vsel vm0, $0x0, v0;
	v4 =	vor.u32 $0x1, v3  }
0x4f: {  	v5 =	vor.u32 $0x2, v3;
	v6 =	vor.u32 $0x3, v3;
	v7 =	vor.u32 $0x4, v3  }
0x50: {  	s24 =	simm.s32 $0x0;
	p0 =	por $0x1, $0x1;
	v8 =	vor.u32 $0x5, v3;
	v9 =	vor.u32 $0x6, v3;
	v10 =	vor.u32 $0x7, v3  }
.LBB2_4:
0x51: {  	s31 =	sshll.u32 s24, $0x3  }
0x52: {  	v15 =	vmov s31  }
0x53: {  	v15 =	vshrl.u32 v15, $0x3  }
0x54: {  	v15 =	vshll.u32 v15, v2  }
0x55: {  	v15 =	vbroadcast v15, $0x0;
	_ =	sdelay $0x1  }
0x56: {  	v15 =	vor.u32 v3, v15;
	_ =	sdelay $0x3  }
0x57: {  	s1 =	smul.u32 $0x3200, s24;
	s6 =	sor.u32 $0x1, s31  }
0x58: {  	v16 =	vmov s6;
	v15 =	vld.idx.msk [tilespmem:v15+s19+$0x0], $0xffff  }
0x59: {  	s1 =	sshra.s32 s1, $0x2;
	v16 =	vshrl.u32 v16, $0x3  }
0x5a: {  	v17 =	vld.idx.msk [tilespmem:v12+s1+$0x0 ss:$0x1], $0xffff;
	v16 =	vshll.u32 v16, v2  }
0x5b: {  	v16 =	vbroadcast v16, $0x0;
	_ =	sdelay $0x1  }
0x5c: {  	v16 =	vadd.s32 v4, v16;
	v15 =	vmul.f32 v15, v11;
	_ =	sdelay $0x1  }
0x5d: {  	s10 =	sshll.u32 s24, $0x7;
	v17 =	vadd.f32 v17, v15  }
0x5e: {  	s1 =	sand.u32 $0x3FFFFF80, s10  }
0x5f: {  	s11 =	smul.u32 $0x640, s6;
	[tilespmem:s1+$0xCB20] =	vst v17  }
0x60: {  	s10 =	sor.u32 $0x2, s31;
	v15 =	vld.idx.msk [tilespmem:v16+s19+$0x0], $0xffff  }
0x61: {  	v31 =	vmov s10;
	s1 =	sshra.s32 s11, $0x2  }
0x62: {  	v16 =	vshrl.u32 v31, $0x3;
	v18 =	vld.idx.msk [tilespmem:v12+s1+$0x0 ss:$0x1], $0xffff  }
0x63: {  	v16 =	vshll.u32 v16, v2  }
0x64: {  	s21 =	sor.u32 $0x1, s24;
	v16 =	vbroadcast v16, $0x0  }
0x65: {  	s30 =	sshll.u32 s21, $0x3;
	v15 =	vmul.f32 v15, v11  }
0x66: {  	v19 =	vmov s30;
	v16 =	vadd.s32 v5, v16  }
0x67: {  	v20 =	vadd.f32 v18, v15;
	v15 =	vshrl.u32 v19, $0x3  }
0x68: {  	s12 =	sshll.u32 s6, $0x4;
	v15 =	vshll.u32 v15, v2  }
0x69: {  	s1 =	sand.u32 $0x3FFFFF90, s12;
	v15 =	vbroadcast v15, $0x0  }
0x6a: {  	s13 =	smul.u32 $0x640, s10;
	s12 =	sor.u32 $0x3, s31;
	[tilespmem:s1+$0xCB20] =	vst v20  }
0x6b: {  	v32 =	vmov s12;
	v16 =	vld.idx.msk [tilespmem:v16+s19+$0x0], $0xffff;
	v15 =	vadd.s32 v3, v15  }
0x6c: {  	v18 =	vshrl.u32 v32, $0x3;
	s1 =	sshra.s32 s13, $0x2  }
0x6d: {  	v18 =	vshll.u32 v18, v2;
	v33 =	vld.idx.msk [tilespmem:v12+s1+$0x0 ss:$0x1], $0xffff  }
0x6e: {  	v18 =	vbroadcast v18, $0x0  }
0x6f: {  	s14 =	smul.u32 $0x3200, s21;
	s11 =	sor.u32 $0x1, s30  }
0x70: {  	v21 =	vmov s11;
	v18 =	vadd.s32 v6, v18;
	v16 =	vmul.f32 v16, v11;
	v15 =	vld.idx.msk [tilespmem:v15+s19+$0x0], $0xffff  }
0x71: {  	v34 =	vshrl.u32 v21, $0x3;
	s1 =	sshra.s32 s14, $0x2  }
0x72: {  	s20 =	sshll.u32 s10, $0x4;
	v35 =	vld.idx.msk [tilespmem:v12+s1+$0x0 ss:$0x1], $0xffff;
	v22 =	vadd.f32 v33, v16;
	v16 =	vshll.u32 v34, v2  }
0x73: {  	s10 =	sand.u32 $0x3FFFFFA0, s20;
	s13 =	sor.u32 $0x2, s24;
	v16 =	vbroadcast v16, $0x0  }
0x74: {  	s22 =	smul.u32 $0x640, s12;
	s29 =	sshll.u32 s13, $0x3;
	[tilespmem:s10+$0xCB20] =	vst v22  }
0x75: {  	v23 =	vmov s29;
	v18 =	vld.idx.msk [tilespmem:v18+s19+$0x0], $0xffff;
	v16 =	vadd.s32 v4, v16;
	v15 =	vmul.f32 v15, v11  }
0x76: {  	s6 =	sor.u32 $0x4, s31;
	s1 =	sshra.s32 s22, $0x2;
	v23 =	vshrl.u32 v23, $0x3  }
0x77: {  	s23 =	sshll.u32 s21, $0x7;
	v36 =	vmov s6;
	v37 =	vshll.u32 v23, v2;
	v24 =	vld.idx.msk [tilespmem:v12+s1+$0x0 ss:$0x1], $0xffff;
	v15 =	vadd.f32 v35, v15  }
0x78: {  	v21 =	vshrl.u32 v36, $0x3;
	v19 =	vbroadcast v37, $0x0;
	s1 =	sand.u32 $0x3FFFFF80, s23  }
0x79: {  	s26 =	smul.u32 $0x640, s11;
	v21 =	vshll.u32 v21, v2;
	s14 =	sor.u32 $0x2, s30;
	[tilespmem:s1+$0xCB20] =	vst v15  }
0x7a: {  	v38 =	vmov s14;
	v19 =	vadd.s32 v3, v19;
	v18 =	vmul.f32 v18, v11;
	v16 =	vld.idx.msk [tilespmem:v16+s19+$0x0], $0xffff  }
0x7b: {  	v21 =	vbroadcast v21, $0x0;
	v39 =	vshrl.u32 v38, $0x3;
	s1 =	sshra.s32 s26, $0x2  }
0x7c: {  	s0 =	sshll.u32 s12, $0x4;
	v40 =	vld.idx.msk [tilespmem:v12+s1+$0x0 ss:$0x1], $0xffff;
	v25 =	vadd.f32 v24, v18;
	v18 =	vshll.u32 v39, v2  }
0x7d: {  	v21 =	vadd.s32 v7, v21;
	s10 =	sand.u32 $0x3FFFFFB0, s0;
	v18 =	vbroadcast v18, $0x0  }
0x7e: {  	s12 =	smul.u32 $0x3200, s13;
	s23 =	sor.u32 $0x1, s29;
	[tilespmem:s10+$0xCB20] =	vst v25;
	s10 =	sor.u32 $0x3, s24  }
0x7f: {  	v19 =	vld.idx.msk [tilespmem:v19+s19+$0x0], $0xffff;
	v42 =	vmov s23;
	v41 =	vadd.s32 v5, v18;
	s22 =	sshll.u32 s10, $0x3;
	v16 =	vmul.f32 v16, v11  }
0x80: {  	s20 =	smul.u32 $0x640, s6;
	v26 =	vshrl.u32 v42, $0x3;
	s26 =	sshra.s32 s12, $0x2;
	v27 =	vmov s22  }
0x81: {  	s11 =	sshll.u32 s11, $0x4;
	v44 =	vshll.u32 v26, v2;
	s1 =	sor.u32 $0x5, s31;
	v43 =	vld.idx.msk [tilespmem:v12+s26+$0x0 ss:$0x1], $0xffff;
	v45 =	vshrl.u32 v27, $0x3;
	v18 =	vadd.f32 v40, v16  }
0x82: {  	s11 =	sand.u32 $0x3FFFFF90, s11;
	v23 =	vbroadcast v44, $0x0;
	s12 =	sshra.s32 s20, $0x2;
	v46 =	vmov s1;
	v21 =	vld.idx.msk [tilespmem:v21+s19+$0x0], $0xffff;
	v26 =	vshll.u32 v45, v2  }
0x83: {  	s0 =	smul.u32 $0x640, s14;
	v28 =	vld.idx.msk [tilespmem:v12+s12+$0x0 ss:$0x1], $0xffff;
	v27 =	vshrl.u32 v46, $0x3;
	v26 =	vbroadcast v26, $0x0;
	[tilespmem:s11+$0xCB20] =	vst v18  }
0x84: {  	s26 =	sor.u32 $0x3, s30;
	v19 =	vmul.f32 v19, v11;
	v23 =	vadd.s32 v4, v23;
	v27 =	vshll.u32 v27, v2;
	v24 =	vld.idx.msk [tilespmem:v41+s19+$0x0], $0xffff  }
0x85: {  	v29 =	vmov s26;
	s20 =	smul.u32 $0x3200, s10;
	v27 =	vbroadcast v27, $0x0;
	s11 =	sshra.s32 s0, $0x2;
	v26 =	vadd.s32 v3, v26  }
0x86: {  	v29 =	vshrl.u32 v29, $0x3;
	s12 =	sshll.u32 s13, $0x7;
	v16 =	vadd.f32 v43, v19;
	v30 =	vld.idx.msk [tilespmem:v12+s11+$0x0 ss:$0x1], $0xffff  }
0x87: {  	s31 =	sor.u32 $0x6, s31;
	v29 =	vshll.u32 v29, v2;
	s20 =	sshra.s32 s20, $0x2;
	v21 =	vmul.f32 v21, v11;
	s11 =	sand.u32 $0x3FFFFF80, s12;
	v48 =	vadd.s32 v8, v27  }
0x88: {  	v51 =	vmov s31;
	v47 =	vbroadcast v29, $0x0;
	v55 =	vld.idx.msk [tilespmem:v12+s20+$0x0 ss:$0x1], $0xffff;
	s0 =	smul.u32 $0x640, s23;
	[tilespmem:s11+$0xCB20] =	vst v16;
	s11 =	sor.u32 $0x2, s29  }
0x89: {  	s6 =	sshll.u32 s6, $0x4;
	s12 =	sor.u32 $0x1, s22;
	v29 =	vadd.f32 v28, v21;
	v49 =	vld.idx.msk [tilespmem:v23+s19+$0x0], $0xffff;
	v50 =	vmov s11;
	v24 =	vmul.f32 v24, v11  }
0x8a: {  	s6 =	sand.u32 $0x3FFFFFC0, s6;
	v19 =	vadd.s32 v6, v47;
	s0 =	sshra.s32 s0, $0x2;
	v32 =	vmov s12;
	v31 =	vshrl.u32 v50, $0x3;
	v26 =	vld.idx.msk [tilespmem:v26+s19+$0x0], $0xffff  }
0x8b: {  	s14 =	sshll.u32 s14, $0x4;
	v52 =	vld.idx.msk [tilespmem:v12+s0+$0x0 ss:$0x1], $0xffff;
	v54 =	vshrl.u32 v32, $0x3;
	[tilespmem:s6+$0xCB20] =	vst v29;
	s6 =	smul.u32 $0x640, s1;
	v53 =	vshll.u32 v31, v2;
	v23 =	vadd.f32 v30, v24  }
0x8c: {  	s14 =	sand.u32 $0x3FFFFFA0, s14;
	v28 =	vshrl.u32 v51, $0x3;
	v31 =	vshll.u32 v54, v2;
	v33 =	vld.idx.msk [tilespmem:v48+s19+$0x0], $0xffff;
	v30 =	vbroadcast v53, $0x0  }
0x8d: {  	v56 =	vshll.u32 v28, v2;
	v57 =	vbroadcast v31, $0x0;
	s6 =	sshra.s32 s6, $0x2;
	[tilespmem:s14+$0xCB20] =	vst v23;
	s14 =	sor.u32 $0x4, s30  }
0x8e: {  	s20 =	smul.u32 $0x640, s26;
	v34 =	vld.idx.msk [tilespmem:v12+s6+$0x0 ss:$0x1], $0xffff;
	v27 =	vmul.f32 v49, v11;
	v30 =	vadd.s32 v5, v30;
	v59 =	vmov s14  }
0x8f: {  	v28 =	vadd.s32 v4, v57;
	v58 =	vld.idx.msk [tilespmem:v19+s19+$0x0], $0xffff;
	v26 =	vmul.f32 v26, v11;
	v19 =	vshrl.u32 v59, $0x3  }
0x90: {  	s0 =	sshra.s32 s20, $0x2;
	s6 =	sshll.u32 s23, $0x4;
	v21 =	vadd.f32 v52, v27;
	v19 =	vshll.u32 v19, v2  }
0x91: {  	s20 =	sshll.u32 s10, $0x7;
	s23 =	sor.u32 $0x3, s29;
	v36 =	vld.idx.msk [tilespmem:v12+s0+$0x0 ss:$0x1], $0xffff;
	s0 =	sand.u32 $0x3FFFFF90, s6;
	v61 =	vmul.f32 v33, v11;
	v60 =	vbroadcast v19, $0x0;
	v19 =	vadd.f32 v55, v26  }
0x92: {  	v35 =	vbroadcast v56, $0x0;
	v37 =	vmov s23;
	s6 =	sand.u32 $0x3FFFFF80, s20;
	[tilespmem:s0+$0xCB20] =	vst v21;
	s0 =	smul.u32 $0x640, s11  }
0x93: {  	s1 =	sshll.u32 s1, $0x4;
	v38 =	vshrl.u32 v37, $0x3;
	s20 =	smul.u32 $0x640, s12;
	v33 =	vadd.f32 v34, v61;
	v30 =	vld.idx.msk [tilespmem:v30+s19+$0x0], $0xffff;
	[tilespmem:s6+$0xCB20] =	vst v19;
	s6 =	sor.u32 $0x2, s22  }
0x94: {  	s1 =	sand.u32 $0x3FFFFFD0, s1;
	v62 =	vadd.s32 v9, v35;
	s0 =	sshra.s32 s0, $0x2;
	v26 =	vshll.u32 v38, v2;
	v28 =	vld.idx.msk [tilespmem:v28+s19+$0x0], $0xffff;
	v39 =	vmov s6  }
0x95: {  	s26 =	sshll.u32 s26, $0x4;
	s20 =	sshra.s32 s20, $0x2;
	v40 =	vld.idx.msk [tilespmem:v12+s0+$0x0 ss:$0x1], $0xffff;
	[tilespmem:s1+$0xCB20] =	vst v33;
	v26 =	vbroadcast v26, $0x0;
	v31 =	vshrl.u32 v39, $0x3  }
0x96: {  	s1 =	sand.u32 $0x3FFFFFB0, s26;
	s26 =	smul.u32 $0x640, s31;
	v63 =	vmul.f32 v58, v11;
	v24 =	vadd.s32 v7, v60;
	v41 =	vld.idx.msk [tilespmem:v12+s20+$0x0 ss:$0x1], $0xffff;
	v31 =	vshll.u32 v31, v2  }
0x97: {  	s20 =	smul.u32 $0x640, s14;
	v31 =	vbroadcast v31, $0x0  }
0x98: {  	v44 =	vadd.s32 v6, v26;
	v27 =	vadd.f32 v36, v63;
	v43 =	vmul.f32 v30, v11  }
0x99: {  	v32 =	vld.idx.msk [tilespmem:v62+s19+$0x0], $0xffff;
	s0 =	sshra.s32 s20, $0x2;
	s20 =	sshra.s32 s26, $0x2;
	v28 =	vmul.f32 v28, v11;
	v31 =	vadd.s32 v5, v31  }
0x9a: {  	s24 =	sshllo.u32 s24, $0x3;
	s11 =	sshll.u32 s11, $0x4;
	[tilespmem:s1+$0xCB20] =	vst v27;
	v48 =	vld.idx.msk [tilespmem:v12+s20+$0x0 ss:$0x1], $0xffff;
	v26 =	vadd.f32 v40, v43  }
0x9b: {  	v37 =	vmov s24;
	s12 =	sshll.u32 s12, $0x4;
	s11 =	sand.u32 $0x3FFFFFA0, s11;
	v42 =	vld.idx.msk [tilespmem:v24+s19+$0x0], $0xffff;
	v24 =	vadd.f32 v41, v28  }
0x9c: {  	v46 =	vshrl.u32 v37, $0x3;
	v37 =	vmul.f32 v17, v17;
	s12 =	sand.u32 $0x3FFFFF90, s12;
	s20 =	smul.u32 $0x640, s23;
	v47 =	vld.idx.msk [tilespmem:v12+s0+$0x0 ss:$0x1], $0xffff;
	[tilespmem:s11+$0xCB20] =	vst v26  }
0x9d: {  	v50 =	vshll.u32 v46, v2;
	v59 =	vmul.f32 v22, v22;
	s26 =	smul.u32 $0x640, s6;
	s1 =	sor.u32 $0x5, s30;
	v30 =	vld.idx.msk [tilespmem:v44+s19+$0x0], $0xffff;
	[tilespmem:s12+$0xCB20] =	vst v24;
	s12 =	sor.u32 $0x3, s22  }
0x9e: {  	v45 =	vmov s1;
	v49 =	vmul.f32 v32, v11;
	s0 =	sshra.s32 s20, $0x2;
	v31 =	vld.idx.msk [tilespmem:v31+s19+$0x0], $0xffff;
	v39 =	vmov s12  }
0x9f: {  	v32 =	vbroadcast v50, $0x0;
	s26 =	sshra.s32 s26, $0x2;
	v38 =	vshrl.u32 v45, $0x3;
	v40 =	vld.idx.msk [tilespmem:v12+s0+$0x0 ss:$0x1], $0xffff;
	v39 =	vshrl.u32 v39, $0x3  }
0xa0: {  	v38 =	vshll.u32 v38, v2;
	v36 =	vmul.f32 v42, v11;
	v42 =	vld.idx.msk [tilespmem:v12+s26+$0x0 ss:$0x1], $0xffff;
	v54 =	vshll.u32 v39, v2  }
0xa1: {  	s14 =	sshll.u32 s14, $0x4;
	v51 =	vbroadcast v38, $0x0;
	s11 =	sor.u32 $0x4, s29;
	v41 =	vadd.s32 v10, v32;
	v55 =	vbroadcast v54, $0x0  }
0xa2: {  	s20 =	sshll.u32 s31, $0x4;
	v52 =	vmov s11;
	v35 =	vadd.f32 v48, v49;
	s0 =	sand.u32 $0x3FFFFFC0, s14;
	v30 =	vmul.f32 v30, v11  }
0xa3: {  	s14 =	sand.u32 $0x3FFFFFE0, s20;
	s26 =	smul.u32 $0x640, s24;
	v32 =	vadd.f32 v47, v36;
	v56 =	vmul.f32 v31, v11;
	v57 =	vadd.s32 v6, v55  }
0xa4: {  	s23 =	sshll.u32 s23, $0x4;
	v34 =	vadd.s32 v8, v51;
	v38 =	vshrl.u32 v52, $0x3;
	[tilespmem:s14+$0xCB20] =	vst v35;
	s14 =	sor.u32 $0x6, s30;
	v31 =	vadd.f32 v40, v30  }
0xa5: {  	v22 =	vadd.f32 v25, v22;
	v38 =	vshll.u32 v38, v2;
	s30 =	sshll.u32 s6, $0x4;
	[tilespmem:s0+$0xCB20] =	vst v32;
	s0 =	sshra.s32 s26, $0x2;
	s26 =	sand.u32 $0x3FFFFFB0, s23;
	v28 =	vadd.f32 v42, v56  }
0xa6: {  	v61 =	vmul.f32 v25, v25;
	v50 =	vadd.f32 v20, v17;
	v53 =	vbroadcast v38, $0x0;
	s23 =	sand.u32 $0x3FFFFFA0, s30;
	[tilespmem:s26+$0xCB20] =	vst v31  }
0xa7: {  	v43 =	vmul.f32 v20, v20;
	v45 =	vmul.f32 v29, v29;
	v41 =	vld.idx.msk [tilespmem:v41+s19+$0x0], $0xffff;
	s26 =	smul.u32 $0x640, s12;
	[tilespmem:s23+$0xCB20] =	vst v28;
	s23 =	sor.u32 $0x4, s22  }
0xa8: {  	s31 =	smul.u32 $0x640, s1;
	v29 =	vadd.f32 v33, v29;
	v36 =	vadd.s32 v7, v53;
	v39 =	vld.idx.msk [tilespmem:v57+s19+$0x0], $0xffff;
	v47 =	vmov s23  }
0xa9: {  	v22 =	vadd.f32 v22, v50;
	s6 =	sor.u32 $0x5, s29;
	v58 =	vmov s14;
	v34 =	vld.idx.msk [tilespmem:v34+s19+$0x0], $0xffff;
	s30 =	sshra.s32 s26, $0x2;
	v47 =	vshrl.u32 v47, $0x3  }
0xaa: {  	s20 =	sshra.s32 s31, $0x2;
	v46 =	vmov s6;
	v44 =	vshrl.u32 v58, $0x3;
	v49 =	vld.idx.msk [tilespmem:v12+s30+$0x0 ss:$0x1], $0xffff;
	v47 =	vshll.u32 v47, v2  }
0xab: {  	v46 =	vshrl.u32 v46, $0x3;
	v44 =	vshll.u32 v44, v2;
	v62 =	vld.idx.msk [tilespmem:v12+s20+$0x0 ss:$0x1], $0xffff;
	v47 =	vbroadcast v47, $0x0  }
0xac: {  	s31 =	smul.u32 $0x640, s11;
	v58 =	vadd.f32 v61, v59;
	v46 =	vshll.u32 v46, v2;
	v60 =	vld.idx.msk [tilespmem:v12+s0+$0x0 ss:$0x1], $0xffff;
	v44 =	vbroadcast v44, $0x0  }
0xad: {  	v46 =	vbroadcast v46, $0x0;
	v36 =	vld.idx.msk [tilespmem:v36+s19+$0x0], $0xffff;
	v39 =	vmul.f32 v39, v11;
	v47 =	vadd.s32 v7, v47  }
0xae: {  	s21 =	sshllo.u32 s21, $0x3;
	v54 =	vmul.f32 v35, v35;
	s0 =	sshra.s32 s31, $0x2;
	v44 =	vadd.s32 v9, v44;
	v34 =	vmul.f32 v34, v11  }
0xaf: {  	v55 =	vmov s21;
	v63 =	vadd.s32 v8, v46;
	v48 =	vld.idx.msk [tilespmem:v12+s0+$0x0 ss:$0x1], $0xffff;
	s26 =	sshll.u32 s12, $0x4;
	v17 =	vadd.f32 v49, v39  }
0xb0: {  	s31 =	sshll.u32 s1, $0x4;
	s20 =	sshll.u32 s11, $0x4;
	v25 =	vshrl.u32 v55, $0x3;
	v41 =	vmul.f32 v41, v11;
	s11 =	sand.u32 $0x3FFFFFB0, s26;
	v34 =	vadd.f32 v62, v34  }
0xb1: {  	v42 =	vmul.f32 v33, v33;
	v56 =	vadd.f32 v43, v37;
	v25 =	vshll.u32 v25, v2;
	s0 =	sand.u32 $0x3FFFFFD0, s31;
	s31 =	smul.u32 $0x640, s23;
	[tilespmem:s11+$0xCB20] =	vst v17;
	s11 =	sor.u32 $0x5, s22  }
0xb2: {  	v30 =	vadd.f32 v60, v41;
	v36 =	vmul.f32 v36, v11;
	[tilespmem:s0+$0xCB20] =	vst v34;
	v61 =	vld.idx.msk [tilespmem:v47+s19+$0x0], $0xffff;
	v62 =	vmov s11  }
0xb3: {  	s1 =	smul.u32 $0x640, s14;
	v25 =	vbroadcast v25, $0x0;
	v42 =	vadd.f32 v42, v45;
	s12 =	sshra.s32 s31, $0x2;
	v44 =	vld.idx.msk [tilespmem:v44+s19+$0x0], $0xffff;
	v41 =	vshrl.u32 v62, $0x3  }
0xb4: {  	v35 =	vadd.f32 v30, v35;
	v20 =	vadd.f32 v48, v36;
	v48 =	vld.idx.msk [tilespmem:v12+s12+$0x0 ss:$0x1], $0xffff;
	v41 =	vshll.u32 v41, v2  }
0xb5: {  	v33 =	vadd.f32 v58, v56;
	v25 =	vadd.s32 v10, v25;
	s0 =	sshra.s32 s1, $0x2;
	s1 =	sand.u32 $0x3FFFFFC0, s20;
	v41 =	vbroadcast v41, $0x0  }
0xb6: {  	s30 =	smul.u32 $0x640, s6;
	v51 =	vmul.f32 v30, v30;
	v29 =	vadd.f32 v35, v29;
	v57 =	vld.idx.msk [tilespmem:v12+s0+$0x0 ss:$0x1], $0xffff;
	[tilespmem:s1+$0xCB20] =	vst v20;
	s1 =	sor.u32 $0x6, s29  }
0xb7: {  	v59 =	vld.idx.msk [tilespmem:v63+s19+$0x0], $0xffff;
	v60 =	vmov s1;
	v40 =	vmul.f32 v61, v11;
	v41 =	vadd.s32 v8, v41  }
0xb8: {  	s13 =	sshllo.u32 s13, $0x3;
	s0 =	sshra.s32 s30, $0x2;
	v22 =	vadd.f32 v29, v22;
	v49 =	vadd.f32 v51, v54;
	v39 =	vshrl.u32 v60, $0x3  }
0xb9: {  	s14 =	sshll.u32 s14, $0x4;
	s20 =	smul.u32 $0x640, s21;
	s30 =	sshll.u32 s23, $0x4;
	v63 =	vld.idx.msk [tilespmem:v12+s0+$0x0 ss:$0x1], $0xffff;
	v44 =	vmul.f32 v44, v11;
	v39 =	vshll.u32 v39, v2;
	v35 =	vadd.f32 v48, v40  }
0xba: {  	v54 =	vmov s13;
	v14 =	vadd.f32 v22, v14;
	s0 =	sand.u32 $0x3FFFFFE0, s14;
	s14 =	sand.u32 $0x3FFFFFC0, s30;
	v39 =	vbroadcast v39, $0x0  }
0xbb: {  	s23 =	sor.u32 $0x6, s22;
	s29 =	sshra.s32 s20, $0x2;
	v43 =	vmul.f32 v20, v20;
	v55 =	vshrl.u32 v54, $0x3;
	s20 =	smul.u32 $0x640, s11;
	v36 =	vadd.f32 v57, v44;
	[tilespmem:s14+$0xCB20] =	vst v35  }
0xbc: {  	s26 =	sshll.u32 s6, $0x4;
	v57 =	vmov s23;
	v38 =	vmul.f32 v59, v11;
	v39 =	vadd.s32 v9, v39;
	v56 =	vld.idx.msk [tilespmem:v41+s19+$0x0], $0xffff  }
0xbd: {  	v52 =	vadd.f32 v49, v42;
	v37 =	vshll.u32 v55, v2;
	[tilespmem:s0+$0xCB20] =	vst v36;
	s0 =	sand.u32 $0x3FFFFFD0, s26;
	s26 =	sshra.s32 s20, $0x2;
	v41 =	vshrl.u32 v57, $0x3  }
0xbe: {  	v49 =	vmul.f32 v34, v34;
	v38 =	vadd.f32 v63, v38;
	v60 =	vld.idx.msk [tilespmem:v12+s26+$0x0 ss:$0x1], $0xffff;
	v41 =	vshll.u32 v41, v2  }
0xbf: {  	v37 =	vbroadcast v37, $0x0;
	v33 =	vadd.f32 v52, v33;
	v41 =	vbroadcast v41, $0x0  }
0xc0: {  	s31 =	smul.u32 $0x640, s1;
	v62 =	vmul.f32 v23, v23;
	v23 =	vadd.f32 v27, v23;
	v25 =	vld.idx.msk [tilespmem:v25+s19+$0x0], $0xffff;
	[tilespmem:s0+$0xCB20] =	vst v38  }
0xc1: {  	v37 =	vadd.s32 v10, v37;
	v53 =	vld.idx.msk [tilespmem:v39+s19+$0x0], $0xffff;
	v41 =	vadd.s32 v9, v41;
	v39 =	vmul.f32 v56, v11  }
0xc2: {  	v59 =	vmul.f32 v15, v15;
	v15 =	vadd.f32 v18, v15;
	v13 =	vadd.f32 v33, v13;
	v51 =	vld.idx.msk [tilespmem:v12+s29+$0x0 ss:$0x1], $0xffff;
	s0 =	sshra.s32 s31, $0x2  }
0xc3: {  	s30 =	sshll.u32 s11, $0x4;
	v61 =	vmul.f32 v18, v18;
	v63 =	vmul.f32 v27, v27;
	v58 =	vld.idx.msk [tilespmem:v12+s0+$0x0 ss:$0x1], $0xffff;
	v39 =	vadd.f32 v60, v39  }
0xc4: {  	s29 =	sshll.u32 s1, $0x4;
	s1 =	sand.u32 $0x3FFFFFD0, s30;
	v15 =	vadd.f32 v23, v15;
	v48 =	vmul.f32 v32, v32;
	v32 =	vadd.f32 v34, v32  }
0xc5: {  	s12 =	sshllo.u32 s10, $0x3;
	v50 =	vmul.f32 v36, v36;
	v22 =	vadd.f32 v61, v59;
	v18 =	vadd.f32 v63, v62;
	[tilespmem:s1+$0xCB20] =	vst v39;
	s1 =	smul.u32 $0x640, s23  }
0xc6: {  	v25 =	vmul.f32 v25, v11;
	v29 =	vmul.f32 v53, v11;
	v53 =	vmov s12;
	v52 =	vld.idx.msk [tilespmem:v41+s19+$0x0], $0xffff  }
0xc7: {  	v62 =	vmul.f32 v16, v16;
	v40 =	vmul.f32 v26, v26;
	v55 =	vshrl.u32 v53, $0x3;
	s14 =	sshra.s32 s1, $0x2  }
0xc8: {  	v25 =	vadd.f32 v51, v25;
	v29 =	vadd.f32 v58, v29;
	v58 =	vshll.u32 v55, v2;
	v56 =	vld.idx.msk [tilespmem:v12+s14+$0x0 ss:$0x1], $0xffff  }
0xc9: {  	v16 =	vadd.f32 v21, v16;
	v26 =	vadd.f32 v31, v26;
	s0 =	sand.u32 $0x3FFFFFE0, s29;
	v59 =	vbroadcast v58, $0x0  }
0xca: {  	s31 =	smul.u32 $0x640, s13;
	v20 =	vadd.f32 v38, v20;
	v18 =	vadd.f32 v18, v22;
	v51 =	vmul.f32 v25, v25;
	[tilespmem:s0+$0xCB20] =	vst v29  }
0xcb: {  	v36 =	vadd.f32 v25, v36;
	v37 =	vld.idx.msk [tilespmem:v37+s19+$0x0], $0xffff;
	v22 =	vadd.s32 v10, v59;
	v61 =	vmul.f32 v52, v11  }
0xcc: {  	v44 =	vmul.f32 v38, v38;
	v42 =	vadd.f32 v49, v48;
	v27 =	vadd.f32 v51, v50;
	s0 =	sshra.s32 s31, $0x2  }
0xcd: {  	s20 =	sshll.u32 s23, $0x4;
	v57 =	vadd.f32 v36, v32;
	v54 =	vld.idx.msk [tilespmem:v12+s0+$0x0 ss:$0x1], $0xffff;
	v32 =	vadd.f32 v56, v61  }
0xce: {  	v63 =	vmul.f32 v21, v21;
	v21 =	vadd.f32 v44, v43;
	v16 =	vadd.f32 v26, v16;
	s0 =	sand.u32 $0x3FFFFFE0, s20  }
0xcf: {  	s22 =	smul.u32 $0x640, s12;
	v51 =	vmul.f32 v19, v19;
	v19 =	vadd.f32 v24, v19;
	v27 =	vadd.f32 v27, v42;
	[tilespmem:s0+$0xCB20] =	vst v32  }
0xd0: {  	v15 =	vadd.f32 v57, v15;
	v42 =	vmul.f32 v31, v31;
	v60 =	vmul.f32 v37, v11;
	v22 =	vld.idx.msk [tilespmem:v22+s19+$0x0], $0xffff  }
0xd1: {  	v53 =	vmul.f32 v28, v28;
	v18 =	vadd.f32 v27, v18;
	v27 =	vadd.f32 v63, v62;
	s0 =	sshra.s32 s22, $0x2  }
0xd2: {  	v55 =	vmul.f32 v35, v35;
	v34 =	vadd.f32 v42, v40;
	v23 =	vadd.f32 v54, v60;
	v48 =	vld.idx.msk [tilespmem:v12+s0+$0x0 ss:$0x1], $0xffff  }
0xd3: {  	v45 =	vmul.f32 v29, v29;
	v14 =	vadd.f32 v15, v14;
	v57 =	vadd.f32 v39, v35  }
0xd4: {  	v49 =	vadd.f32 v34, v27;
	v13 =	vadd.f32 v18, v13;
	v46 =	vmul.f32 v23, v23  }
0xd5: {  	v54 =	vmul.f32 v17, v17;
	v29 =	vadd.f32 v23, v29;
	v15 =	vmul.f32 v22, v11  }
0xd6: {  	v17 =	vadd.f32 v17, v28;
	v56 =	vmul.f32 v39, v39;
	v47 =	vadd.f32 v46, v45  }
0xd7: {  	v52 =	vmul.f32 v24, v24;
	v20 =	vadd.f32 v29, v20;
	v15 =	vadd.f32 v48, v15  }
0xd8: {  	v58 =	vmul.f32 v32, v32;
	v24 =	vadd.f32 v56, v55;
	v21 =	vadd.f32 v47, v21  }
0xd9: {  	v16 =	vadd.f32 v20, v16;
	v20 =	vadd.f32 v52, v51;
	v59 =	vmul.f32 v15, v15  }
0xda: {  	v50 =	vadd.f32 v21, v49;
	v22 =	vadd.f32 v54, v53  }
0xdb: {  	v60 =	vadd.f32 v15, v32;
	v21 =	vadd.f32 v59, v58  }
0xdc: {  	p1 =	por p0, p0;
	s23 =	sshll.u32 s24, $0x4;
	s24 =	sshll.u32 s21, $0x4;
	v17 =	vadd.f32 v17, v19;
	v20 =	vadd.f32 v22, v20  }
.Ltmp0:
0xdd: {  	s29 =	sshll.u32 s13, $0x4;
	s26 =	sand.u32 $0x3FFFFFF0, s24;
	v61 =	vadd.f32 v60, v57;
	v21 =	vadd.f32 v21, v24;
	(pc) =	sbr.rel @p1 .LBB2_4-.Ltmp0, $4  }
0xde: {  	s30 =	sand.u32 $0x3FFFFFF0, s29;
	[tilespmem:s26+$0xCB20] =	vst v25;
	v14 =	vadd.f32 v16, v14;
	v13 =	vadd.f32 v50, v13  }
0xdf: {  	s1 =	sshll.u32 s12, $0x4;
	[tilespmem:s30+$0xCB20] =	vst v23;
	s0 =	sand.u32 $0x3FFFFFF0, s23;
	v62 =	vadd.f32 v61, v17;
	v63 =	vadd.f32 v21, v20  }
0xe0: {  	s31 =	sand.u32 $0x3FFFFFF0, s1;
	[tilespmem:s0+$0xCB20] =	vst v30  }
0xe1: {  	p0 =	por $0x0, $0x0;
	s24 =	simm.s32 $0x4;
	[tilespmem:s31+$0xCB20] =	vst v15;
	v14 =	vadd.f32 v62, v14;
	v13 =	vadd.f32 v63, v13  }
0xe2: {  	_ = 	snop  }
0xe3: {  	v11 =	vmul.f32 $1.562500000e-02, v14;
	_ =	sdelay $0x1  }
0xe4: {  	v12 =	vmul.f32 $1.562500000e-02, v13;
	v13 =	vmul.f32 v11, v11;
	_ =	sdelay $0x1  }
0xe5: {  	v12 =	vsub.f32 v12, v13;
	_ =	sdelay $0x1  }
0xe6: {  	v12 =	vmax.f32 v12, $0.0e+00  }
0xe7: {  	v12 =	vadd.f32 $9.999999960e-13, v12;
	_ =	sdelay $0x1  }
0xe8: {  	v13 =	vshra.s32 v12, $0x1;
	v12 =	vmul.f32 $5.000000000e-01, v12  }
0xe9: {  	v13 =	vsub.s32 $0x5F3759DF, v13  }
0xea: {  	v14 =	vmul.f32 v13, v12;
	_ =	sdelay $0x1  }
0xeb: {  	v14 =	vmul.f32 v13, v14;
	_ =	sdelay $0x1  }
0xec: {  	v14 =	vsub.f32 $1.500000000e+00, v14;
	_ =	sdelay $0x1  }
0xed: {  	v13 =	vmul.f32 v13, v14;
	_ =	sdelay $0x1  }
0xee: {  	v14 =	vmul.f32 v13, v12;
	_ =	sdelay $0x1  }
0xef: {  	v14 =	vmul.f32 v14, v13;
	_ =	sdelay $0x1  }
0xf0: {  	v14 =	vsub.f32 $1.500000000e+00, v14;
	_ =	sdelay $0x1  }
0xf1: {  	v13 =	vmul.f32 v14, v13;
	_ =	sdelay $0x1  }
0xf2: {  	v12 =	vmul.f32 v13, v12;
	_ =	sdelay $0x1  }
0xf3: {  	v12 =	vmul.f32 v12, v13;
	_ =	sdelay $0x1  }
0xf4: {  	v12 =	vsub.f32 $1.500000000e+00, v12;
	_ =	sdelay $0x1  }
0xf5: {  	s10 =	simm.s32 $0x0;
	p0 =	por $0x1, $0x1;
	v12 =	vmul.f32 v12, v13  }
.LBB2_6:
0xf6: {  	s0 =	sshll.u32 s10, $0x7  }
0xf7: {  	v13 =	vld [tilespmem:s0+$0xCB20];
	_ =	sdelay $0x1  }
0xf8: {  	s24 =	sshll.u32 s10, $0x3  }
0xf9: {  	v14 =	vmov s24  }
0xfa: {  	v15 =	vld [tilespmem:s0+$0x13320];
	v14 =	vshrl.u32 v14, $0x3  }
0xfb: {  	v14 =	vshll.u32 v14, v2;
	v13 =	vsub.f32 v13, v11  }
0xfc: {  	v16 =	vld [tilespmem:s0+$0x13720];
	v14 =	vbroadcast v14, $0x0  }
0xfd: {  	v13 =	vmul.f32 v13, v12  }
0xfe: {  	v14 =	vor.u32 v3, v14  }
0xff: {  	v13 =	vmul.f32 v13, v15;
	_ =	sdelay $0x1  }
0x100: {  	s13 =	sor.u32 $0x1, s10;
	v13 =	vadd.f32 v13, v16  }
0x101: {  	s1 =	sshll.u32 s13, $0x7  }
0x102: {  	[tilespmem:v14+s19+$0x0] =	vst.idx.msk $0xffff, v13;
	v13 =	vld [tilespmem:s1+$0xCB20]  }
0x103: {  	s11 =	sor.u32 $0x1, s24  }
0x104: {  	s29 =	sshll.u32 s13, $0x3;
	s6 =	sshll.u32 s11, $0x4  }
0x105: {  	v15 =	vmov s29;
	v14 =	vld [tilespmem:s6+$0xCB20]  }
0x106: {  	v17 =	vld [tilespmem:s1+$0x13320];
	v15 =	vshrl.u32 v15, $0x3  }
0x107: {  	v15 =	vshll.u32 v15, v2;
	v13 =	vsub.f32 v13, v11  }
0x108: {  	v26 =	vmov s11;
	v19 =	vld [tilespmem:s1+$0x13720];
	v15 =	vbroadcast v15, $0x0  }
0x109: {  	v16 =	vshrl.u32 v26, $0x3;
	v18 =	vld [tilespmem:s6+$0x13320];
	v13 =	vmul.f32 v13, v12  }
0x10a: {  	v16 =	vshll.u32 v16, v2;
	v15 =	vadd.s32 v3, v15;
	v14 =	vsub.f32 v14, v11  }
0x10b: {  	v16 =	vbroadcast v16, $0x0;
	v20 =	vld [tilespmem:s6+$0x13720];
	v13 =	vmul.f32 v13, v17  }
0x10c: {  	v14 =	vmul.f32 v14, v12  }
0x10d: {  	v16 =	vadd.s32 v4, v16;
	v13 =	vadd.f32 v13, v19  }
0x10e: {  	s12 =	sor.u32 $0x1, s29;
	v14 =	vmul.f32 v14, v18  }
0x10f: {  	s21 =	sor.u32 $0x2, s10;
	s20 =	sshll.u32 s12, $0x4;
	[tilespmem:v15+s19+$0x0] =	vst.idx.msk $0xffff, v13  }
0x110: {  	s22 =	sor.u32 $0x3, s10;
	s23 =	sshll.u32 s21, $0x7;
	v14 =	vadd.f32 v14, v20;
	v13 =	vld [tilespmem:s20+$0xCB20]  }
0x111: {  	s14 =	sor.u32 $0x2, s24;
	s26 =	sshll.u32 s22, $0x7;
	v30 =	vld [tilespmem:s23+$0xCB20]  }
0x112: {  	s30 =	sshll.u32 s22, $0x3;
	s11 =	sshll.u32 s14, $0x4;
	v31 =	vld [tilespmem:s26+$0xCB20];
	v29 =	vmov s12;
	[tilespmem:v16+s19+$0x0] =	vst.idx.msk $0xffff, v14  }
0x113: {  	s31 =	sshll.u32 s21, $0x3;
	v24 =	vmov s30;
	v18 =	vshrl.u32 v29, $0x3;
	v14 =	vld [tilespmem:s11+$0xCB20]  }
0x114: {  	v32 =	vmov s31;
	v24 =	vshrl.u32 v24, $0x3;
	v18 =	vshll.u32 v18, v2;
	v27 =	vld [tilespmem:s20+$0x13320]  }
0x115: {  	v23 =	vld [tilespmem:s23+$0x13320];
	v24 =	vshll.u32 v24, v2;
	v18 =	vbroadcast v18, $0x0;
	v13 =	vsub.f32 v13, v11  }
0x116: {  	v24 =	vbroadcast v24, $0x0;
	v19 =	vsub.f32 v30, v11;
	v15 =	vmov s14;
	v21 =	vld [tilespmem:s20+$0x13720]  }
0x117: {  	v15 =	vshrl.u32 v15, $0x3;
	v18 =	vadd.s32 v4, v18;
	v28 =	vld [tilespmem:s11+$0x13320];
	v13 =	vmul.f32 v13, v12  }
0x118: {  	v25 =	vld [tilespmem:s26+$0x13320];
	v16 =	vshrl.u32 v32, $0x3;
	v15 =	vshll.u32 v15, v2;
	v14 =	vsub.f32 v14, v11  }
0x119: {  	v22 =	vld [tilespmem:s11+$0x13720];
	v16 =	vshll.u32 v16, v2;
	v15 =	vbroadcast v15, $0x0;
	v13 =	vmul.f32 v13, v27  }
0x11a: {  	v26 =	vld [tilespmem:s23+$0x13720];
	v20 =	vsub.f32 v31, v11;
	v16 =	vbroadcast v16, $0x0;
	v14 =	vmul.f32 v14, v12  }
0x11b: {  	v33 =	vld [tilespmem:s26+$0x13720];
	v19 =	vmul.f32 v19, v12;
	v15 =	vadd.s32 v5, v15;
	v13 =	vadd.f32 v13, v21  }
0x11c: {  	v34 =	vmul.f32 v20, v12;
	v16 =	vadd.s32 v3, v16;
	v14 =	vmul.f32 v14, v28  }
0x11d: {  	v35 =	vadd.s32 v3, v24;
	[tilespmem:v18+s19+$0x0] =	vst.idx.msk $0xffff, v13;
	v13 =	vmul.f32 v19, v23  }
0x11e: {  	s6 =	sor.u32 $0x2, s29;
	v17 =	vmul.f32 v34, v25;
	v14 =	vadd.f32 v14, v22  }
0x11f: {  	s11 =	sshll.u32 s6, $0x4;
	v13 =	vadd.f32 v13, v26  }
0x120: {  	s12 =	sor.u32 $0x1, s31;
	v36 =	vld [tilespmem:s11+$0xCB20];
	[tilespmem:v15+s19+$0x0] =	vst.idx.msk $0xffff, v14;
	v14 =	vadd.f32 v17, v33  }
0x121: {  	s14 =	sshll.u32 s12, $0x4;
	s20 =	sor.u32 $0x1, s30;
	v39 =	vld [tilespmem:s11+$0x13320];
	[tilespmem:v16+s19+$0x0] =	vst.idx.msk $0xffff, v13  }
0x122: {  	s23 =	sshll.u32 s20, $0x4;
	[tilespmem:v35+s19+$0x0] =	vst.idx.msk $0xffff, v14;
	v13 =	vld [tilespmem:s14+$0xCB20]  }
0x123: {  	s26 =	sor.u32 $0x3, s24;
	v41 =	vmov s12;
	v38 =	vld [tilespmem:s23+$0xCB20]  }
0x124: {  	s1 =	sshll.u32 s26, $0x4;
	v20 =	vshrl.u32 v41, $0x3;
	v40 =	vld [tilespmem:s11+$0x13720];
	v14 =	vmov s6  }
0x125: {  	v43 =	vmov s20;
	v20 =	vshll.u32 v20, v2;
	v15 =	vld [tilespmem:s1+$0xCB20];
	v14 =	vshrl.u32 v14, $0x3  }
0x126: {  	v20 =	vbroadcast v20, $0x0;
	v14 =	vshll.u32 v14, v2;
	v42 =	vld [tilespmem:s14+$0x13320];
	v37 =	vsub.f32 v36, v11  }
0x127: {  	v22 =	vshrl.u32 v43, $0x3;
	v44 =	vld [tilespmem:s23+$0x13320];
	v14 =	vbroadcast v14, $0x0;
	v13 =	vsub.f32 v13, v11  }
0x128: {  	v22 =	vshll.u32 v22, v2;
	v45 =	vld [tilespmem:s14+$0x13720];
	v16 =	vmul.f32 v37, v12;
	v17 =	vsub.f32 v38, v11  }
0x129: {  	v22 =	vbroadcast v22, $0x0;
	v46 =	vld [tilespmem:s23+$0x13720];
	v14 =	vadd.s32 v5, v14;
	v13 =	vmul.f32 v13, v12  }
0x12a: {  	v47 =	vadd.s32 v4, v20;
	v16 =	vmul.f32 v16, v39;
	v17 =	vmul.f32 v17, v12  }
0x12b: {  	v48 =	vadd.s32 v4, v22;
	v13 =	vmul.f32 v13, v42  }
0x12c: {  	v16 =	vadd.f32 v16, v40;
	v17 =	vmul.f32 v17, v44  }
0x12d: {  	v13 =	vadd.f32 v13, v45  }
0x12e: {  	v50 =	vmov s26;
	s14 =	sor.u32 $0x2, s31;
	v15 =	vsub.f32 v15, v11;
	[tilespmem:v14+s19+$0x0] =	vst.idx.msk $0xffff, v16;
	v14 =	vadd.f32 v17, v46  }
0x12f: {  	v51 =	vshrl.u32 v50, $0x3;
	v49 =	vld [tilespmem:s1+$0x13320];
	s23 =	sor.u32 $0x2, s30;
	s20 =	sshll.u32 s14, $0x4;
	[tilespmem:v47+s19+$0x0] =	vst.idx.msk $0xffff, v13  }
0x130: {  	s26 =	sshll.u32 s23, $0x4;
	[tilespmem:v48+s19+$0x0] =	vst.idx.msk $0xffff, v14;
	v13 =	vmul.f32 v15, v12;
	v15 =	vshll.u32 v51, v2;
	v53 =	vld [tilespmem:s20+$0xCB20]  }
0x131: {  	s12 =	sor.u32 $0x3, s29;
	v14 =	vbroadcast v15, $0x0;
	v15 =	vld [tilespmem:s26+$0xCB20]  }
0x132: {  	v54 =	vld [tilespmem:s1+$0x13720];
	s6 =	sshll.u32 s12, $0x4  }
0x133: {  	v57 =	vmov s14;
	v52 =	vld [tilespmem:s6+$0xCB20]  }
0x134: {  	v59 =	vmov s23;
	v21 =	vshrl.u32 v57, $0x3;
	v58 =	vld [tilespmem:s20+$0x13320]  }
0x135: {  	v23 =	vshrl.u32 v59, $0x3;
	v21 =	vshll.u32 v21, v2;
	v60 =	vld [tilespmem:s26+$0x13320];
	v16 =	vsub.f32 v53, v11  }
0x136: {  	v23 =	vshll.u32 v23, v2;
	v21 =	vbroadcast v21, $0x0;
	v61 =	vld [tilespmem:s20+$0x13720];
	v15 =	vsub.f32 v15, v11  }
0x137: {  	v23 =	vbroadcast v23, $0x0;
	v62 =	vld [tilespmem:s26+$0x13720];
	v14 =	vadd.s32 v6, v14;
	v16 =	vmul.f32 v16, v12  }
0x138: {  	v21 =	vadd.s32 v5, v21;
	v13 =	vmul.f32 v13, v49;
	v15 =	vmul.f32 v15, v12  }
0x139: {  	v63 =	vadd.s32 v5, v23;
	v16 =	vmul.f32 v16, v58  }
0x13a: {  	v56 =	vld [tilespmem:s6+$0x13320];
	v13 =	vadd.f32 v13, v54;
	v15 =	vmul.f32 v15, v60  }
0x13b: {  	v55 =	vmov s12;
	v17 =	vsub.f32 v52, v11;
	v16 =	vadd.f32 v16, v61  }
0x13c: {  	v19 =	vshrl.u32 v55, $0x3;
	s12 =	sor.u32 $0x3, s31;
	v27 =	vld [tilespmem:s6+$0x13720];
	[tilespmem:v14+s19+$0x0] =	vst.idx.msk $0xffff, v13;
	v14 =	vadd.f32 v15, v62  }
0x13d: {  	v19 =	vshll.u32 v19, v2;
	s11 =	sshll.u32 s12, $0x4;
	s14 =	sor.u32 $0x3, s30;
	v17 =	vmul.f32 v17, v12;
	[tilespmem:v21+s19+$0x0] =	vst.idx.msk $0xffff, v16  }
0x13e: {  	v19 =	vbroadcast v19, $0x0;
	s20 =	sshll.u32 s14, $0x4;
	[tilespmem:v63+s19+$0x0] =	vst.idx.msk $0xffff, v14;
	v16 =	vld [tilespmem:s11+$0xCB20]  }
0x13f: {  	s6 =	sor.u32 $0x4, s24;
	v13 =	vmul.f32 v17, v56;
	v14 =	vld [tilespmem:s20+$0xCB20]  }
0x140: {  	v24 =	vadd.s32 v6, v19;
	s1 =	sshll.u32 s6, $0x4  }
0x141: {  	v13 =	vadd.f32 v13, v27;
	v27 =	vmov s12;
	v15 =	vld [tilespmem:s1+$0xCB20]  }
0x142: {  	v28 =	vmov s14;
	v17 =	vshrl.u32 v27, $0x3;
	v29 =	vld [tilespmem:s11+$0x13320]  }
0x143: {  	v19 =	vshrl.u32 v28, $0x3;
	v17 =	vshll.u32 v17, v2;
	v30 =	vld [tilespmem:s20+$0x13320];
	v16 =	vsub.f32 v16, v11  }
0x144: {  	s23 =	sor.u32 $0x4, s29;
	v19 =	vshll.u32 v19, v2;
	v17 =	vbroadcast v17, $0x0;
	v31 =	vld [tilespmem:s11+$0x13720];
	v14 =	vsub.f32 v14, v11  }
0x145: {  	v19 =	vbroadcast v19, $0x0;
	s26 =	sshll.u32 s23, $0x4;
	[tilespmem:v24+s19+$0x0] =	vst.idx.msk $0xffff, v13;
	v32 =	vld [tilespmem:s20+$0x13720];
	v16 =	vmul.f32 v16, v12  }
0x146: {  	v35 =	vmov s23;
	v18 =	vld [tilespmem:s26+$0xCB20];
	v17 =	vadd.s32 v6, v17;
	v14 =	vmul.f32 v14, v12  }
0x147: {  	v19 =	vadd.s32 v6, v19;
	v33 =	vld [tilespmem:s1+$0x13320];
	v13 =	vmov s6;
	v16 =	vmul.f32 v16, v29  }
0x148: {  	v13 =	vshrl.u32 v13, $0x3;
	v15 =	vsub.f32 v15, v11;
	v14 =	vmul.f32 v14, v30  }
0x149: {  	v25 =	vshrl.u32 v35, $0x3;
	v34 =	vld [tilespmem:s1+$0x13720];
	v13 =	vshll.u32 v13, v2;
	v16 =	vadd.f32 v16, v31  }
0x14a: {  	s1 =	sor.u32 $0x4, s31;
	v36 =	vld [tilespmem:s26+$0x13320];
	v13 =	vbroadcast v13, $0x0;
	v15 =	vmul.f32 v15, v12;
	v14 =	vadd.f32 v14, v32  }
0x14b: {  	v37 =	vshll.u32 v25, v2;
	v38 =	vld [tilespmem:s26+$0x13720];
	s6 =	sshll.u32 s1, $0x4;
	s11 =	sor.u32 $0x4, s30;
	v18 =	vsub.f32 v18, v11;
	[tilespmem:v17+s19+$0x0] =	vst.idx.msk $0xffff, v16  }
0x14c: {  	v22 =	vbroadcast v37, $0x0;
	s12 =	sshll.u32 s11, $0x4;
	v13 =	vadd.s32 v7, v13;
	v15 =	vmul.f32 v15, v33;
	[tilespmem:v19+s19+$0x0] =	vst.idx.msk $0xffff, v14;
	v17 =	vld [tilespmem:s6+$0xCB20]  }
0x14d: {  	v39 =	vmul.f32 v18, v12;
	v40 =	vld [tilespmem:s12+$0xCB20]  }
0x14e: {  	v42 =	vmov s1;
	v14 =	vadd.f32 v15, v34;
	v15 =	vadd.s32 v7, v22  }
0x14f: {  	v20 =	vshrl.u32 v42, $0x3;
	v16 =	vmul.f32 v39, v36;
	v41 =	vld [tilespmem:s6+$0x13320]  }
0x150: {  	s14 =	sor.u32 $0x5, s24;
	v20 =	vshll.u32 v20, v2;
	v43 =	vmov s11;
	v44 =	vld [tilespmem:s12+$0x13320]  }
0x151: {  	s20 =	sshll.u32 s14, $0x4;
	v21 =	vshrl.u32 v43, $0x3;
	[tilespmem:v13+s19+$0x0] =	vst.idx.msk $0xffff, v14;
	v13 =	vld [tilespmem:s6+$0x13720];
	v16 =	vadd.f32 v16, v38;
	v17 =	vsub.f32 v17, v11  }
0x152: {  	v45 =	vbroadcast v20, $0x0;
	v46 =	vshll.u32 v21, v2;
	v14 =	vld [tilespmem:s20+$0xCB20];
	v18 =	vsub.f32 v40, v11  }
0x153: {  	s23 =	sor.u32 $0x5, s29;
	v20 =	vbroadcast v46, $0x0;
	[tilespmem:v15+s19+$0x0] =	vst.idx.msk $0xffff, v16;
	v15 =	vld [tilespmem:s12+$0x13720];
	v17 =	vmul.f32 v17, v12  }
0x154: {  	s26 =	sshll.u32 s23, $0x4;
	v16 =	vadd.s32 v7, v45;
	v18 =	vmul.f32 v18, v12  }
0x155: {  	v48 =	vmov s14;
	v49 =	vadd.s32 v7, v20;
	v47 =	vld [tilespmem:s26+$0xCB20];
	v17 =	vmul.f32 v17, v41  }
0x156: {  	v52 =	vmov s23;
	v23 =	vshrl.u32 v48, $0x3;
	v50 =	vld [tilespmem:s20+$0x13320];
	v18 =	vmul.f32 v18, v44  }
0x157: {  	v23 =	vshll.u32 v23, v2;
	v54 =	vld [tilespmem:s20+$0x13720];
	v14 =	vsub.f32 v14, v11;
	v13 =	vadd.f32 v17, v13  }
0x158: {  	v51 =	vbroadcast v23, $0x0;
	v23 =	vshrl.u32 v52, $0x3;
	s1 =	sor.u32 $0x5, s31;
	v53 =	vld [tilespmem:s26+$0x13320];
	v15 =	vadd.f32 v18, v15  }
0x159: {  	v23 =	vshll.u32 v23, v2;
	s11 =	sor.u32 $0x5, s30;
	s6 =	sshll.u32 s1, $0x4;
	v55 =	vld [tilespmem:s26+$0x13720];
	v14 =	vmul.f32 v14, v12;
	[tilespmem:v16+s19+$0x0] =	vst.idx.msk $0xffff, v13  }
0x15a: {  	v57 =	vbroadcast v23, $0x0;
	s12 =	sshll.u32 s11, $0x4;
	v21 =	vsub.f32 v47, v11;
	v13 =	vadd.s32 v8, v51;
	[tilespmem:v49+s19+$0x0] =	vst.idx.msk $0xffff, v15;
	v58 =	vld [tilespmem:s6+$0xCB20]  }
0x15b: {  	v14 =	vmul.f32 v14, v50;
	v15 =	vld [tilespmem:s12+$0xCB20]  }
0x15c: {  	v59 =	vadd.s32 v8, v57;
	v24 =	vmov s11;
	v56 =	vmul.f32 v21, v12  }
0x15d: {  	v60 =	vmov s1;
	v20 =	vshrl.u32 v24, $0x3;
	v14 =	vadd.f32 v14, v54;
	v61 =	vld [tilespmem:s6+$0x13320]  }
0x15e: {  	s14 =	sor.u32 $0x6, s24;
	v63 =	vshrl.u32 v60, $0x3;
	v20 =	vshll.u32 v20, v2;
	v16 =	vmul.f32 v56, v53;
	v62 =	vld [tilespmem:s6+$0x13720]  }
0x15f: {  	s20 =	sshll.u32 s14, $0x4;
	v25 =	vld [tilespmem:s12+$0x13320];
	[tilespmem:v13+s19+$0x0] =	vst.idx.msk $0xffff, v14;
	v14 =	vshll.u32 v63, v2;
	v13 =	vsub.f32 v58, v11  }
0x160: {  	v16 =	vadd.f32 v16, v55;
	v26 =	vld [tilespmem:s20+$0xCB20];
	v14 =	vbroadcast v14, $0x0;
	v15 =	vsub.f32 v15, v11  }
0x161: {  	s23 =	sor.u32 $0x6, s29;
	v28 =	vbroadcast v20, $0x0;
	v27 =	vld [tilespmem:s12+$0x13720];
	v13 =	vmul.f32 v13, v12  }
0x162: {  	s24 =	sshll.u32 s23, $0x4;
	[tilespmem:v59+s19+$0x0] =	vst.idx.msk $0xffff, v16;
	v14 =	vadd.s32 v8, v14;
	v15 =	vmul.f32 v15, v12  }
0x163: {  	v30 =	vmov s14;
	v31 =	vadd.s32 v8, v28;
	v29 =	vld [tilespmem:s24+$0xCB20];
	v13 =	vmul.f32 v13, v61  }
0x164: {  	v23 =	vshrl.u32 v30, $0x3;
	v32 =	vld [tilespmem:s20+$0x13320];
	v15 =	vmul.f32 v15, v25  }
0x165: {  	v23 =	vshll.u32 v23, v2;
	v22 =	vsub.f32 v26, v11;
	v13 =	vadd.f32 v13, v62  }
0x166: {  	v34 =	vbroadcast v23, $0x0;
	s26 =	sor.u32 $0x6, s31;
	v33 =	vld [tilespmem:s20+$0x13720];
	v15 =	vadd.f32 v15, v27  }
0x167: {  	v37 =	vmov s23;
	s30 =	sor.u32 $0x6, s30;
	s29 =	sshll.u32 s26, $0x4;
	v35 =	vld [tilespmem:s24+$0x13320];
	v36 =	vmul.f32 v22, v12;
	[tilespmem:v14+s19+$0x0] =	vst.idx.msk $0xffff, v13  }
0x168: {  	s31 =	sshll.u32 s30, $0x4;
	v20 =	vsub.f32 v29, v11;
	v13 =	vadd.s32 v9, v34;
	v14 =	vshrl.u32 v37, $0x3;
	[tilespmem:v31+s19+$0x0] =	vst.idx.msk $0xffff, v15;
	v38 =	vld [tilespmem:s29+$0xCB20]  }
0x169: {  	v15 =	vmul.f32 v36, v32;
	v14 =	vshll.u32 v14, v2;
	v17 =	vld [tilespmem:s31+$0xCB20]  }
0x16a: {  	v40 =	vld [tilespmem:s24+$0x13720];
	v39 =	vmul.f32 v20, v12;
	v14 =	vbroadcast v14, $0x0  }
0x16b: {  	v41 =	vmov s26;
	v44 =	vmov s30;
	v15 =	vadd.f32 v15, v33  }
0x16c: {  	v20 =	vshrl.u32 v41, $0x3;
	v16 =	vmul.f32 v39, v35;
	v42 =	vld [tilespmem:s29+$0x13320];
	v14 =	vadd.s32 v9, v14  }
0x16d: {  	v46 =	vshrl.u32 v44, $0x3;
	v45 =	vld [tilespmem:s31+$0x13320];
	[tilespmem:v13+s19+$0x0] =	vst.idx.msk $0xffff, v15;
	v15 =	vshll.u32 v20, v2;
	v13 =	vsub.f32 v38, v11  }
0x16e: {  	v21 =	vshll.u32 v46, v2;
	v43 =	vld [tilespmem:s29+$0x13720];
	v15 =	vbroadcast v15, $0x0;
	v17 =	vsub.f32 v17, v11  }
0x16f: {  	v21 =	vbroadcast v21, $0x0;
	v48 =	vld [tilespmem:s31+$0x13720];
	v16 =	vadd.f32 v16, v40;
	v13 =	vmul.f32 v13, v12  }
0x170: {  	s14 =	sshllo.u32 s10, $0x3;
	v15 =	vadd.s32 v9, v15;
	v17 =	vmul.f32 v17, v12  }
0x171: {  	s20 =	sshll.u32 s14, $0x4;
	[tilespmem:v14+s19+$0x0] =	vst.idx.msk $0xffff, v16;
	v14 =	vadd.s32 v9, v21;
	v13 =	vmul.f32 v13, v42  }
0x172: {  	v47 =	vld [tilespmem:s20+$0xCB20];
	v17 =	vmul.f32 v17, v45  }
0x173: {  	s23 =	sshllo.u32 s13, $0x3;
	v50 =	vld [tilespmem:s20+$0x13320];
	v13 =	vadd.f32 v13, v43  }
0x174: {  	s26 =	sshllo.u32 s21, $0x3;
	s30 =	sshllo.u32 s22, $0x3;
	s24 =	sshll.u32 s23, $0x4;
	v52 =	vld [tilespmem:s20+$0x13720];
	v17 =	vadd.f32 v17, v48  }
0x175: {  	v49 =	vmov s14;
	v58 =	vmov s30;
	s29 =	sshll.u32 s26, $0x4;
	v16 =	vld [tilespmem:s24+$0xCB20];
	[tilespmem:v15+s19+$0x0] =	vst.idx.msk $0xffff, v13  }
0x176: {  	v18 =	vshrl.u32 v49, $0x3;
	v56 =	vmov s26;
	v24 =	vshrl.u32 v58, $0x3;
	s31 =	sshll.u32 s30, $0x4;
	[tilespmem:v14+s19+$0x0] =	vst.idx.msk $0xffff, v17;
	v53 =	vld [tilespmem:s29+$0xCB20]  }
0x177: {  	v18 =	vshll.u32 v18, v2;
	v24 =	vshll.u32 v24, v2;
	v22 =	vshrl.u32 v56, $0x3;
	v17 =	vld [tilespmem:s31+$0xCB20]  }
0x178: {  	v24 =	vbroadcast v24, $0x0;
	v22 =	vshll.u32 v22, v2;
	v54 =	vld [tilespmem:s24+$0x13320];
	v14 =	vmov s23  }
0x179: {  	v22 =	vbroadcast v22, $0x0;
	v55 =	vld [tilespmem:s24+$0x13720];
	v51 =	vsub.f32 v47, v11;
	v14 =	vshrl.u32 v14, $0x3  }
0x17a: {  	v15 =	vbroadcast v18, $0x0;
	v16 =	vsub.f32 v16, v11;
	v57 =	vld [tilespmem:s29+$0x13320];
	v14 =	vshll.u32 v14, v2  }
0x17b: {  	v13 =	vmul.f32 v51, v12;
	v59 =	vld [tilespmem:s31+$0x13320];
	v14 =	vbroadcast v14, $0x0;
	v18 =	vsub.f32 v53, v11  }
0x17c: {  	v60 =	vld [tilespmem:s29+$0x13720];
	v15 =	vadd.s32 v10, v15;
	v16 =	vmul.f32 v16, v12;
	v17 =	vsub.f32 v17, v11  }
0x17d: {  	v61 =	vld [tilespmem:s31+$0x13720];
	v13 =	vmul.f32 v13, v50;
	v14 =	vadd.s32 v10, v14;
	v18 =	vmul.f32 v18, v12  }
0x17e: {  	v62 =	vadd.s32 v10, v22;
	v16 =	vmul.f32 v16, v54;
	v17 =	vmul.f32 v17, v12  }
0x17f: {  	p1 =	por p0, p0;
	v63 =	vadd.s32 v10, v24;
	v13 =	vadd.f32 v13, v52;
	v18 =	vmul.f32 v18, v57  }
.Ltmp1:
0x180: {  	v16 =	vadd.f32 v16, v55;
	v17 =	vmul.f32 v17, v59;
	(pc) =	sbr.rel @p1 .LBB2_6-.Ltmp1, $4  }
0x181: {  	[tilespmem:v15+s19+$0x0] =	vst.idx.msk $0xffff, v13;
	v13 =	vadd.f32 v18, v60  }
0x182: {  	[tilespmem:v14+s19+$0x0] =	vst.idx.msk $0xffff, v16;
	v14 =	vadd.f32 v17, v61  }
0x183: {  	[tilespmem:v62+s19+$0x0] =	vst.idx.msk $0xffff, v13  }
0x184: {  	p0 =	por $0x0, $0x0;
	s10 =	simm.s32 $0x4;
	[tilespmem:v63+s19+$0x0] =	vst.idx.msk $0xffff, v14  }
0x185: {  	s9 =	sadd.s32 $0x1, s9  }
0x186: {  	p0 =	sne.s32 s9, $0x19  }
.Ltmp2:
0x187: {  	_ = 	snop;
	(pc) =	sbr.rel @p0 .LBB2_3-.Ltmp2, $1  }
0x188: {  	_ =	sdelay $0x3  }
0x189: {  	s0 =	rddreg [dreg:$0x3]  }
0x18a: {  	s0 =	sadd.s32 s0, s8  }
0x18b: {  	s0 =	smulhi.u32 $0x51EB851F, s0;
	_ =	sdelay $0x1  }
0x18c: {  	s0 =	sshrl.u32 s0, $0x6  }
0x18d: {  	s1 =	smul.u32 $0x640, s0  }
0x18e: {  	s0 =	smul.u32 $0x3200, s0;
	_ =	sdelay $0x1  }
0x18f: {  	s1 =	sadd.s32 s2, s1;
	s0 =	sshrl.u32 s0, $0x3  }
0x190: {  	[hbm4b:s1+s3] =	stream.linear.scatter [tilespmem:s19], [sflag:$0x3], $0x3200, $0x38;
	[tilespmem:$0x13B20] =	vst v63  }
0x191: {  	s0 =	sadd.s32 s2, s0  }
0x192: {  	s31 =	simm.s32 $0x3520;
	p0 =	seq.s32 s25, $0x1F;
	s0 =	sadd.s32 $0x640, s0  }
0x193: {  	[hbm4b:s0+s3] =	stream.linear.scatter [tilespmem:s31], [sflag:$0x3], $0x3200, $0x38;
	[tilespmem:$0x13B20] =	vst v63  }
0x194: {  	s0 =	simm.s32 @!p0 $0x3  }
0x195: {  	_ =	swait.ge @!p0 [sflag:s0], $0x3200  }
0x196: {  	[sflag:s0] =	ssyncset.done @!p0 $0x0  }
0x197: {  	[sflag:s0] =	ssyncadd.s32 @!p0 $0xFFFFCE00  }
0x198: {  	_ =	swait.ge @!p0 [sflag:s0], $0x3200  }
0x199: {  	s1 =	rddreg [dreg:$0x9]  }
0x19a: {  	s1 =	sadd.s32 @!p0 s8, s1  }
0x19b: {  	[sflag:s0] =	ssyncset.done @!p0 $0x0;
	s1 =	sshrl.u32 @!p0 s1, $0x3  }
0x19c: {  	[sflag:s0] =	ssyncadd.s32 @!p0 $0xFFFFCE00;
	s0 =	sadd.s32 @!p0 s4, s1;
	s1 =	simm.s32 @!p0 $0x0  }
0x19d: {  	[tilespmem:s1], [sflag:$0x5] =	stream.linear.gather @!p0 [hbm4b:s0+s1], $0x190, $0x38;
	[tilespmem:$0x13B20] =	vst v63  }
0x19e: {  	s0 =	simm.s32 @!p0 $0x5  }
0x19f: {  	_ =	swait.ge @!p0 [sflag:s0], $0x190  }
0x1a0: {  	[sflag:s0] =	ssyncset.done @!p0 $0x0  }
0x1a1: {  	s6 =	simm.s32 @!p0 $0x320;
	[sflag:s0] =	ssyncadd.s32 @!p0 $0xFFFFFE70;
	s0 =	simm.s32 @!p0 $0x80  }
0x1a2: {  	[tilespmem:s6], [sflag:$0x1] =	stream.indirect.gather @!p0 [hbm4b:s5+s0], $0x40, s1, s0, $0xb8;
	[tilespmem:$0x13B20] =	vst v63  }
0x1a3: {  	s1 =	simm.s32 @!p0 $0x48;
	s6 =	simm.s32 @!p0 $0x2320  }
0x1a4: {  	[tilespmem:s6], [sflag:$0x1] =	stream.indirect.gather @!p0 [hbm4b:s5+s1], $0x40, s0, s1, $0xb8;
	[tilespmem:$0x13B20] =	vst v63  }
0x1a5: {  	s8 =	simm.s32 @!p0 $0x3520;
	s6 =	simm.s32 @!p0 $0xC8  }
0x1a6: {  	[tilespmem:s8], [sflag:$0x1] =	stream.indirect.gather @!p0 [hbm4b:s5+s0], $0x40, s6, s0, $0xb8;
	[tilespmem:$0x13B20] =	vst v63  }
0x1a7: {  	s0 =	simm.s32 @!p0 $0x148;
	s6 =	simm.s32 @!p0 $0x5520  }
0x1a8: {  	[tilespmem:s6], [sflag:$0x1] =	stream.indirect.gather @!p0 [hbm4b:s5+s1], $0x40, s0, s1, $0xb8;
	[tilespmem:$0x13B20] =	vst v63  }
0x1a9: {  	_ =	swait.ge [sflag:s17], $0x2000  }
0x1aa: {  	[sflag:s17] =	ssyncset.done $0x0  }
0x1ab: {  	[sflag:s17] =	ssyncadd.s32 $0xFFFFE000  }
0x1ac: {  	_ =	swait.ge [sflag:s17], $0x1200  }
0x1ad: {  	[sflag:s17] =	ssyncset.done $0x0  }
0x1ae: {  	[sflag:s17] =	ssyncadd.s32 $0xFFFFEE00  }
0x1af: {  	_ =	swait.ge [sflag:s17], $0x2000  }
0x1b0: {  	[sflag:s17] =	ssyncset.done $0x0  }
0x1b1: {  	[sflag:s17] =	ssyncadd.s32 $0xFFFFE000  }
0x1b2: {  	_ =	swait.ge [sflag:s17], $0x1200  }
0x1b3: {  	[sflag:s17] =	ssyncset.done $0x0  }
0x1b4: {  	s8 =	simm.s32 $0x0;
	[sflag:s17] =	ssyncadd.s32 $0xFFFFEE00  }
.LBB2_9:
0x1b5: {  	s0 =	sshll.u32 s8, $0x4  }
0x1b6: {  	v3 =	vld [tilespmem:s0+$0x190];
	_ =	sdelay $0x2  }
0x1b7: {  	p0 =	slt.u32 s8, $0xD;
	v4 =	vmov s0;
	s1 =	sadd.s32 $0xFFFFFF38, s0  }
0x1b8: {  	v13 =	vimm.f32 $0.0e+00;
	v4 =	vshll.u32 v4, $0x6;
	s1 =	smov.u32 @p0 s0  }
0x1b9: {  	v14 =	vimm.f32 $0.0e+00;
	s0 =	sadd.s32 $0xCF20, s1;
	vm0 =	veq.s32 v3, $0x0;
	v3 =	vor.u32 v1, v4  }
0x1ba: {  	v12 =	vmov s0;
	v11 =	vsel vm0, $0x0, v0;
	v4 =	vor.u32 $0x1, v3  }
0x1bb: {  	v5 =	vor.u32 $0x2, v3;
	v6 =	vor.u32 $0x3, v3;
	v7 =	vor.u32 $0x4, v3  }
0x1bc: {  	s22 =	simm.s32 $0x0;
	p0 =	por $0x1, $0x1;
	v8 =	vor.u32 $0x5, v3;
	v9 =	vor.u32 $0x6, v3;
	v10 =	vor.u32 $0x7, v3  }
.LBB2_10:
0x1bd: {  	s30 =	sshll.u32 s22, $0x3  }
0x1be: {  	v15 =	vmov s30  }
0x1bf: {  	v15 =	vshrl.u32 v15, $0x3  }
0x1c0: {  	v15 =	vshll.u32 v15, v2  }
0x1c1: {  	v15 =	vbroadcast v15, $0x0;
	_ =	sdelay $0x1  }
0x1c2: {  	v15 =	vor.u32 v3, v15;
	_ =	sdelay $0x3  }
0x1c3: {  	s0 =	smul.u32 $0x3200, s22;
	s1 =	sor.u32 $0x1, s30  }
0x1c4: {  	v16 =	vmov s1;
	v15 =	vld.idx.msk [tilespmem:v15+s28+$0x0], $0xffff  }
0x1c5: {  	s0 =	sshra.s32 s0, $0x2;
	v16 =	vshrl.u32 v16, $0x3  }
0x1c6: {  	v17 =	vld.idx.msk [tilespmem:v12+s0+$0x0 ss:$0x1], $0xffff;
	v16 =	vshll.u32 v16, v2  }
0x1c7: {  	v16 =	vbroadcast v16, $0x0;
	_ =	sdelay $0x1  }
0x1c8: {  	v16 =	vadd.s32 v4, v16;
	v15 =	vmul.f32 v15, v11;
	_ =	sdelay $0x1  }
0x1c9: {  	s29 =	sshll.u32 s22, $0x7;
	v17 =	vadd.f32 v17, v15  }
0x1ca: {  	s0 =	sand.u32 $0x3FFFFF80, s29  }
0x1cb: {  	s31 =	smul.u32 $0x640, s1;
	[tilespmem:s0+$0xCB20] =	vst v17  }
0x1cc: {  	s9 =	sor.u32 $0x2, s30;
	v15 =	vld.idx.msk [tilespmem:v16+s28+$0x0], $0xffff  }
0x1cd: {  	v31 =	vmov s9;
	s0 =	sshra.s32 s31, $0x2  }
0x1ce: {  	v16 =	vshrl.u32 v31, $0x3;
	v18 =	vld.idx.msk [tilespmem:v12+s0+$0x0 ss:$0x1], $0xffff  }
0x1cf: {  	v16 =	vshll.u32 v16, v2  }
0x1d0: {  	s13 =	sor.u32 $0x1, s22;
	v16 =	vbroadcast v16, $0x0  }
0x1d1: {  	s29 =	sshll.u32 s13, $0x3;
	v15 =	vmul.f32 v15, v11  }
0x1d2: {  	v19 =	vmov s29;
	v16 =	vadd.s32 v5, v16  }
0x1d3: {  	v20 =	vadd.f32 v18, v15;
	v15 =	vshrl.u32 v19, $0x3  }
0x1d4: {  	s6 =	sshll.u32 s1, $0x4;
	v15 =	vshll.u32 v15, v2  }
0x1d5: {  	s0 =	sand.u32 $0x3FFFFF90, s6;
	v15 =	vbroadcast v15, $0x0  }
0x1d6: {  	s11 =	sor.u32 $0x3, s30;
	s10 =	smul.u32 $0x640, s9;
	[tilespmem:s0+$0xCB20] =	vst v20  }
0x1d7: {  	v32 =	vmov s11;
	v16 =	vld.idx.msk [tilespmem:v16+s28+$0x0], $0xffff;
	v15 =	vadd.s32 v3, v15  }
0x1d8: {  	v18 =	vshrl.u32 v32, $0x3;
	s0 =	sshra.s32 s10, $0x2  }
0x1d9: {  	v18 =	vshll.u32 v18, v2;
	v33 =	vld.idx.msk [tilespmem:v12+s0+$0x0 ss:$0x1], $0xffff  }
0x1da: {  	v18 =	vbroadcast v18, $0x0  }
0x1db: {  	s14 =	smul.u32 $0x3200, s13;
	s6 =	sor.u32 $0x1, s29  }
0x1dc: {  	v21 =	vmov s6;
	v18 =	vadd.s32 v6, v18;
	v16 =	vmul.f32 v16, v11;
	v15 =	vld.idx.msk [tilespmem:v15+s28+$0x0], $0xffff  }
0x1dd: {  	v34 =	vshrl.u32 v21, $0x3;
	s0 =	sshra.s32 s14, $0x2  }
0x1de: {  	s9 =	sshll.u32 s9, $0x4;
	v35 =	vld.idx.msk [tilespmem:v12+s0+$0x0 ss:$0x1], $0xffff;
	v22 =	vadd.f32 v33, v16;
	v16 =	vshll.u32 v34, v2  }
0x1df: {  	s9 =	sand.u32 $0x3FFFFFA0, s9;
	s10 =	sor.u32 $0x2, s22;
	v16 =	vbroadcast v16, $0x0  }
0x1e0: {  	s20 =	smul.u32 $0x640, s11;
	s24 =	sshll.u32 s10, $0x3;
	[tilespmem:s9+$0xCB20] =	vst v22  }
0x1e1: {  	v23 =	vmov s24;
	v18 =	vld.idx.msk [tilespmem:v18+s28+$0x0], $0xffff;
	v16 =	vadd.s32 v4, v16;
	v15 =	vmul.f32 v15, v11  }
0x1e2: {  	s0 =	sshra.s32 s20, $0x2;
	v23 =	vshrl.u32 v23, $0x3  }
0x1e3: {  	s12 =	sor.u32 $0x4, s30;
	s21 =	sshll.u32 s13, $0x7;
	v37 =	vshll.u32 v23, v2;
	v24 =	vld.idx.msk [tilespmem:v12+s0+$0x0 ss:$0x1], $0xffff;
	v15 =	vadd.f32 v35, v15  }
0x1e4: {  	v36 =	vmov s12;
	v19 =	vbroadcast v37, $0x0;
	s0 =	sand.u32 $0x3FFFFF80, s21  }
0x1e5: {  	s23 =	smul.u32 $0x640, s6;
	v21 =	vshrl.u32 v36, $0x3;
	s14 =	sor.u32 $0x2, s29;
	[tilespmem:s0+$0xCB20] =	vst v15  }
0x1e6: {  	v38 =	vmov s14;
	v19 =	vadd.s32 v3, v19;
	v18 =	vmul.f32 v18, v11;
	v16 =	vld.idx.msk [tilespmem:v16+s28+$0x0], $0xffff  }
0x1e7: {  	v21 =	vshll.u32 v21, v2;
	v39 =	vshrl.u32 v38, $0x3;
	s0 =	sshra.s32 s23, $0x2  }
0x1e8: {  	v21 =	vbroadcast v21, $0x0;
	v40 =	vld.idx.msk [tilespmem:v12+s0+$0x0 ss:$0x1], $0xffff;
	v25 =	vadd.f32 v24, v18;
	v18 =	vshll.u32 v39, v2  }
0x1e9: {  	v18 =	vbroadcast v18, $0x0  }
0x1ea: {  	v21 =	vadd.s32 v7, v21;
	s26 =	smul.u32 $0x3200, s10;
	s9 =	sor.u32 $0x3, s22;
	s23 =	sor.u32 $0x1, s24  }
0x1eb: {  	s21 =	sshll.u32 s9, $0x3;
	v19 =	vld.idx.msk [tilespmem:v19+s28+$0x0], $0xffff;
	v42 =	vmov s23;
	v41 =	vadd.s32 v5, v18;
	v16 =	vmul.f32 v16, v11  }
0x1ec: {  	s1 =	sshll.u32 s11, $0x4;
	v27 =	vmov s21;
	s0 =	sshra.s32 s26, $0x2;
	v26 =	vshrl.u32 v42, $0x3  }
0x1ed: {  	s11 =	smul.u32 $0x640, s12;
	s1 =	sand.u32 $0x3FFFFFB0, s1;
	s6 =	sshll.u32 s6, $0x4;
	v45 =	vshrl.u32 v27, $0x3;
	v43 =	vld.idx.msk [tilespmem:v12+s0+$0x0 ss:$0x1], $0xffff;
	v44 =	vshll.u32 v26, v2;
	v18 =	vadd.f32 v40, v16  }
0x1ee: {  	s6 =	sand.u32 $0x3FFFFF90, s6;
	v26 =	vshll.u32 v45, v2;
	[tilespmem:s1+$0xCB20] =	vst v25;
	v23 =	vbroadcast v44, $0x0  }
0x1ef: {  	s31 =	sshra.s32 s11, $0x2;
	s11 =	smul.u32 $0x640, s14;
	s1 =	sor.u32 $0x5, s30;
	v26 =	vbroadcast v26, $0x0;
	v21 =	vld.idx.msk [tilespmem:v21+s28+$0x0], $0xffff;
	[tilespmem:s6+$0xCB20] =	vst v18  }
0x1f0: {  	s26 =	sor.u32 $0x3, s29;
	v19 =	vmul.f32 v19, v11;
	v46 =	vmov s1;
	v23 =	vadd.s32 v4, v23;
	v24 =	vld.idx.msk [tilespmem:v41+s28+$0x0], $0xffff  }
0x1f1: {  	v29 =	vmov s26;
	s0 =	sshra.s32 s11, $0x2;
	v28 =	vld.idx.msk [tilespmem:v12+s31+$0x0 ss:$0x1], $0xffff;
	v27 =	vshrl.u32 v46, $0x3;
	v26 =	vadd.s32 v3, v26  }
0x1f2: {  	s20 =	sshll.u32 s10, $0x7;
	s11 =	sor.u32 $0x1, s21;
	v29 =	vshrl.u32 v29, $0x3;
	v27 =	vshll.u32 v27, v2;
	v16 =	vadd.f32 v43, v19;
	v30 =	vld.idx.msk [tilespmem:v12+s0+$0x0 ss:$0x1], $0xffff  }
0x1f3: {  	v32 =	vmov s11;
	v29 =	vshll.u32 v29, v2;
	v27 =	vbroadcast v27, $0x0;
	s0 =	sand.u32 $0x3FFFFF80, s20  }
0x1f4: {  	v54 =	vshrl.u32 v32, $0x3;
	v47 =	vbroadcast v29, $0x0;
	s31 =	smul.u32 $0x640, s23;
	v21 =	vmul.f32 v21, v11;
	s6 =	sor.u32 $0x2, s24;
	[tilespmem:s0+$0xCB20] =	vst v16  }
0x1f5: {  	v48 =	vadd.s32 v8, v27;
	v50 =	vmov s6;
	s20 =	smul.u32 $0x3200, s9;
	v49 =	vld.idx.msk [tilespmem:v23+s28+$0x0], $0xffff;
	v24 =	vmul.f32 v24, v11  }
0x1f6: {  	s12 =	sshll.u32 s12, $0x4;
	s30 =	sor.u32 $0x6, s30;
	v19 =	vadd.s32 v6, v47;
	v26 =	vld.idx.msk [tilespmem:v26+s28+$0x0], $0xffff;
	v29 =	vadd.f32 v28, v21;
	s0 =	sshra.s32 s31, $0x2;
	v31 =	vshrl.u32 v50, $0x3  }
0x1f7: {  	s12 =	sand.u32 $0x3FFFFFC0, s12;
	s14 =	sshll.u32 s14, $0x4;
	v51 =	vmov s30;
	v52 =	vld.idx.msk [tilespmem:v12+s0+$0x0 ss:$0x1], $0xffff;
	v53 =	vshll.u32 v31, v2;
	s20 =	sshra.s32 s20, $0x2;
	v23 =	vadd.f32 v30, v24  }
0x1f8: {  	s14 =	sand.u32 $0x3FFFFFA0, s14;
	v28 =	vshrl.u32 v51, $0x3;
	v31 =	vshll.u32 v54, v2;
	[tilespmem:s12+$0xCB20] =	vst v29;
	v55 =	vld.idx.msk [tilespmem:v12+s20+$0x0 ss:$0x1], $0xffff;
	v30 =	vbroadcast v53, $0x0  }
0x1f9: {  	s31 =	smul.u32 $0x640, s1;
	v56 =	vshll.u32 v28, v2;
	v57 =	vbroadcast v31, $0x0;
	[tilespmem:s14+$0xCB20] =	vst v23;
	s14 =	sor.u32 $0x4, s29  }
0x1fa: {  	s20 =	smul.u32 $0x640, s26;
	v33 =	vld.idx.msk [tilespmem:v48+s28+$0x0], $0xffff;
	v27 =	vmul.f32 v49, v11;
	v30 =	vadd.s32 v5, v30;
	v59 =	vmov s14  }
0x1fb: {  	s12 =	sshra.s32 s31, $0x2;
	v26 =	vmul.f32 v26, v11;
	v28 =	vadd.s32 v4, v57;
	v58 =	vld.idx.msk [tilespmem:v19+s28+$0x0], $0xffff;
	v19 =	vshrl.u32 v59, $0x3  }
0x1fc: {  	s23 =	sshll.u32 s23, $0x4;
	v34 =	vld.idx.msk [tilespmem:v12+s12+$0x0 ss:$0x1], $0xffff;
	s0 =	sshra.s32 s20, $0x2;
	v21 =	vadd.f32 v52, v27;
	v19 =	vshll.u32 v19, v2  }
0x1fd: {  	v35 =	vbroadcast v56, $0x0;
	s31 =	sshll.u32 s9, $0x7;
	v36 =	vld.idx.msk [tilespmem:v12+s0+$0x0 ss:$0x1], $0xffff;
	s0 =	sand.u32 $0x3FFFFF90, s23;
	v60 =	vbroadcast v19, $0x0;
	v19 =	vadd.f32 v55, v26  }
0x1fe: {  	s12 =	sand.u32 $0x3FFFFF80, s31;
	s31 =	sor.u32 $0x2, s21;
	s20 =	smul.u32 $0x640, s6;
	[tilespmem:s0+$0xCB20] =	vst v21  }
0x1ff: {  	v62 =	vadd.s32 v9, v35;
	v39 =	vmov s31;
	v61 =	vmul.f32 v33, v11;
	v30 =	vld.idx.msk [tilespmem:v30+s28+$0x0], $0xffff;
	[tilespmem:s12+$0xCB20] =	vst v19;
	s12 =	smul.u32 $0x640, s11  }
0x200: {  	v31 =	vshrl.u32 v39, $0x3;
	s23 =	sor.u32 $0x3, s24;
	s0 =	sshra.s32 s20, $0x2;
	v28 =	vld.idx.msk [tilespmem:v28+s28+$0x0], $0xffff  }
0x201: {  	s1 =	sshll.u32 s1, $0x4;
	v31 =	vshll.u32 v31, v2;
	v37 =	vmov s23;
	v33 =	vadd.f32 v34, v61;
	v40 =	vld.idx.msk [tilespmem:v12+s0+$0x0 ss:$0x1], $0xffff;
	s12 =	sshra.s32 s12, $0x2  }
0x202: {  	s20 =	sand.u32 $0x3FFFFFD0, s1;
	v38 =	vshrl.u32 v37, $0x3;
	v63 =	vmul.f32 v58, v11;
	v24 =	vadd.s32 v7, v60;
	v41 =	vld.idx.msk [tilespmem:v12+s12+$0x0 ss:$0x1], $0xffff  }
0x203: {  	v31 =	vbroadcast v31, $0x0;
	v26 =	vshll.u32 v38, v2;
	[tilespmem:s20+$0xCB20] =	vst v33  }
0x204: {  	s22 =	sshllo.u32 s22, $0x3;
	s26 =	sshll.u32 s26, $0x4;
	s20 =	smul.u32 $0x640, s14;
	v26 =	vbroadcast v26, $0x0;
	v32 =	vld.idx.msk [tilespmem:v62+s28+$0x0], $0xffff;
	v27 =	vadd.f32 v36, v63;
	v43 =	vmul.f32 v30, v11  }
0x205: {  	s6 =	sshll.u32 s6, $0x4;
	v31 =	vadd.s32 v5, v31;
	s1 =	sand.u32 $0x3FFFFFB0, s26;
	s26 =	smul.u32 $0x640, s30;
	v28 =	vmul.f32 v28, v11  }
0x206: {  	s6 =	sand.u32 $0x3FFFFFA0, s6;
	v37 =	vmov s22;
	s0 =	sshra.s32 s20, $0x2;
	v44 =	vadd.s32 v6, v26;
	[tilespmem:s1+$0xCB20] =	vst v27;
	v26 =	vadd.f32 v40, v43  }
0x207: {  	v46 =	vshrl.u32 v37, $0x3;
	s20 =	sshll.u32 s11, $0x4;
	s12 =	sshra.s32 s26, $0x2;
	s1 =	sor.u32 $0x5, s29;
	v42 =	vld.idx.msk [tilespmem:v24+s28+$0x0], $0xffff;
	v24 =	vadd.f32 v41, v28  }
0x208: {  	v50 =	vshll.u32 v46, v2;
	s26 =	smul.u32 $0x640, s23;
	v48 =	vld.idx.msk [tilespmem:v12+s12+$0x0 ss:$0x1], $0xffff;
	s12 =	sor.u32 $0x3, s21;
	v45 =	vmov s1;
	[tilespmem:s6+$0xCB20] =	vst v26;
	s6 =	sand.u32 $0x3FFFFF90, s20  }
0x209: {  	v49 =	vmul.f32 v32, v11;
	v47 =	vld.idx.msk [tilespmem:v12+s0+$0x0 ss:$0x1], $0xffff;
	v39 =	vmov s12;
	v38 =	vshrl.u32 v45, $0x3;
	s20 =	smul.u32 $0x640, s31;
	[tilespmem:s6+$0xCB20] =	vst v24  }
0x20a: {  	s11 =	sor.u32 $0x4, s24;
	v32 =	vbroadcast v50, $0x0;
	v39 =	vshrl.u32 v39, $0x3;
	v38 =	vshll.u32 v38, v2;
	v31 =	vld.idx.msk [tilespmem:v31+s28+$0x0], $0xffff  }
0x20b: {  	v52 =	vmov s11;
	s0 =	sshra.s32 s26, $0x2;
	v54 =	vshll.u32 v39, v2;
	v51 =	vbroadcast v38, $0x0;
	v30 =	vld.idx.msk [tilespmem:v44+s28+$0x0], $0xffff;
	s26 =	sshra.s32 s20, $0x2  }
0x20c: {  	v38 =	vshrl.u32 v52, $0x3;
	v41 =	vadd.s32 v10, v32;
	v36 =	vmul.f32 v42, v11;
	v42 =	vld.idx.msk [tilespmem:v12+s26+$0x0 ss:$0x1], $0xffff  }
0x20d: {  	v55 =	vbroadcast v54, $0x0;
	v40 =	vld.idx.msk [tilespmem:v12+s0+$0x0 ss:$0x1], $0xffff;
	v38 =	vshll.u32 v38, v2;
	v34 =	vadd.s32 v8, v51  }
0x20e: {  	v35 =	vadd.f32 v48, v49;
	s6 =	sshll.u32 s14, $0x4;
	v53 =	vbroadcast v38, $0x0;
	s14 =	sshll.u32 s30, $0x4;
	s20 =	smul.u32 $0x640, s22  }
0x20f: {  	v57 =	vadd.s32 v6, v55;
	s0 =	sand.u32 $0x3FFFFFC0, s6;
	s6 =	sand.u32 $0x3FFFFFE0, s14;
	v32 =	vadd.f32 v47, v36;
	v56 =	vmul.f32 v31, v11  }
0x210: {  	s26 =	smul.u32 $0x640, s1;
	v36 =	vadd.s32 v7, v53;
	[tilespmem:s6+$0xCB20] =	vst v35;
	v30 =	vmul.f32 v30, v11  }
0x211: {  	v59 =	vmul.f32 v22, v22;
	s30 =	sshll.u32 s23, $0x4;
	s6 =	sor.u32 $0x6, s29;
	s29 =	sshll.u32 s31, $0x4;
	v41 =	vld.idx.msk [tilespmem:v41+s28+$0x0], $0xffff;
	[tilespmem:s0+$0xCB20] =	vst v32;
	v28 =	vadd.f32 v42, v56  }
0x212: {  	v61 =	vmul.f32 v25, v25;
	v22 =	vadd.f32 v25, v22;
	s23 =	sshra.s32 s26, $0x2;
	s0 =	sshra.s32 s20, $0x2;
	s20 =	sand.u32 $0x3FFFFFA0, s29;
	v34 =	vld.idx.msk [tilespmem:v34+s28+$0x0], $0xffff;
	v31 =	vadd.f32 v40, v30  }
0x213: {  	v37 =	vmul.f32 v17, v17;
	v50 =	vadd.f32 v20, v17;
	s31 =	smul.u32 $0x640, s12;
	s26 =	sand.u32 $0x3FFFFFB0, s30;
	v62 =	vld.idx.msk [tilespmem:v12+s23+$0x0 ss:$0x1], $0xffff;
	s23 =	sor.u32 $0x4, s21;
	[tilespmem:s20+$0xCB20] =	vst v28  }
0x214: {  	v43 =	vmul.f32 v20, v20;
	v45 =	vmul.f32 v29, v29;
	v47 =	vmov s23;
	[tilespmem:s26+$0xCB20] =	vst v31;
	v39 =	vld.idx.msk [tilespmem:v57+s28+$0x0], $0xffff  }
0x215: {  	v29 =	vadd.f32 v33, v29;
	v58 =	vmov s6;
	s30 =	smul.u32 $0x640, s11;
	v47 =	vshrl.u32 v47, $0x3;
	v36 =	vld.idx.msk [tilespmem:v36+s28+$0x0], $0xffff;
	s20 =	sshra.s32 s31, $0x2  }
0x216: {  	s13 =	sshllo.u32 s13, $0x3;
	v22 =	vadd.f32 v22, v50;
	v44 =	vshrl.u32 v58, $0x3;
	v47 =	vshll.u32 v47, v2;
	v49 =	vld.idx.msk [tilespmem:v12+s20+$0x0 ss:$0x1], $0xffff  }
0x217: {  	v55 =	vmov s13;
	v60 =	vld.idx.msk [tilespmem:v12+s0+$0x0 ss:$0x1], $0xffff;
	v44 =	vshll.u32 v44, v2;
	s0 =	sshra.s32 s30, $0x2;
	v47 =	vbroadcast v47, $0x0  }
0x218: {  	s14 =	sor.u32 $0x5, s24;
	v54 =	vmul.f32 v35, v35;
	v25 =	vshrl.u32 v55, $0x3;
	v44 =	vbroadcast v44, $0x0;
	v48 =	vld.idx.msk [tilespmem:v12+s0+$0x0 ss:$0x1], $0xffff  }
0x219: {  	v46 =	vmov s14;
	v47 =	vadd.s32 v7, v47;
	v39 =	vmul.f32 v39, v11  }
0x21a: {  	v46 =	vshrl.u32 v46, $0x3;
	v44 =	vadd.s32 v9, v44;
	v34 =	vmul.f32 v34, v11  }
0x21b: {  	v46 =	vshll.u32 v46, v2;
	s31 =	sshll.u32 s12, $0x4;
	v36 =	vmul.f32 v36, v11;
	v17 =	vadd.f32 v49, v39  }
0x21c: {  	v46 =	vbroadcast v46, $0x0;
	s30 =	sshll.u32 s11, $0x4;
	v41 =	vmul.f32 v41, v11;
	s26 =	sshll.u32 s1, $0x4;
	s11 =	sand.u32 $0x3FFFFFB0, s31;
	v34 =	vadd.f32 v62, v34  }
0x21d: {  	v25 =	vshll.u32 v25, v2;
	v58 =	vadd.f32 v61, v59;
	s0 =	sand.u32 $0x3FFFFFD0, s26;
	s20 =	smul.u32 $0x640, s23;
	v20 =	vadd.f32 v48, v36;
	[tilespmem:s11+$0xCB20] =	vst v17;
	s11 =	sor.u32 $0x5, s21  }
0x21e: {  	v63 =	vadd.s32 v8, v46;
	s1 =	sand.u32 $0x3FFFFFC0, s30;
	v30 =	vadd.f32 v60, v41;
	[tilespmem:s0+$0xCB20] =	vst v34;
	v61 =	vld.idx.msk [tilespmem:v47+s28+$0x0], $0xffff;
	v62 =	vmov s11  }
0x21f: {  	v25 =	vbroadcast v25, $0x0;
	s29 =	smul.u32 $0x640, s6;
	v42 =	vmul.f32 v33, v33;
	v44 =	vld.idx.msk [tilespmem:v44+s28+$0x0], $0xffff;
	[tilespmem:s1+$0xCB20] =	vst v20;
	s1 =	sor.u32 $0x6, s24;
	s24 =	sshra.s32 s20, $0x2;
	v41 =	vshrl.u32 v62, $0x3  }
0x220: {  	v56 =	vadd.f32 v43, v37;
	v35 =	vadd.f32 v30, v35;
	v48 =	vld.idx.msk [tilespmem:v12+s24+$0x0 ss:$0x1], $0xffff;
	v41 =	vshll.u32 v41, v2  }
0x221: {  	v25 =	vadd.s32 v10, v25;
	v42 =	vadd.f32 v42, v45;
	s0 =	sshra.s32 s29, $0x2;
	v41 =	vbroadcast v41, $0x0  }
0x222: {  	s12 =	smul.u32 $0x640, s14;
	v33 =	vadd.f32 v58, v56;
	v51 =	vmul.f32 v30, v30;
	v29 =	vadd.f32 v35, v29;
	v57 =	vld.idx.msk [tilespmem:v12+s0+$0x0 ss:$0x1], $0xffff  }
0x223: {  	v59 =	vld.idx.msk [tilespmem:v63+s28+$0x0], $0xffff;
	v60 =	vmov s1;
	v40 =	vmul.f32 v61, v11;
	v41 =	vadd.s32 v8, v41  }
0x224: {  	s0 =	sshra.s32 s12, $0x2;
	v22 =	vadd.f32 v29, v22;
	v49 =	vadd.f32 v51, v54;
	v39 =	vshrl.u32 v60, $0x3  }
0x225: {  	s10 =	sshllo.u32 s10, $0x3;
	s31 =	sshll.u32 s23, $0x4;
	v63 =	vld.idx.msk [tilespmem:v12+s0+$0x0 ss:$0x1], $0xffff;
	v44 =	vmul.f32 v44, v11;
	v39 =	vshll.u32 v39, v2;
	v35 =	vadd.f32 v48, v40  }
0x226: {  	s20 =	sand.u32 $0x3FFFFFC0, s31;
	v54 =	vmov s10;
	v14 =	vadd.f32 v22, v14;
	v39 =	vbroadcast v39, $0x0  }
0x227: {  	v43 =	vmul.f32 v20, v20;
	v55 =	vshrl.u32 v54, $0x3;
	s23 =	smul.u32 $0x640, s11;
	s24 =	sor.u32 $0x6, s21;
	v36 =	vadd.f32 v57, v44;
	[tilespmem:s20+$0xCB20] =	vst v35  }
0x228: {  	s26 =	sshll.u32 s6, $0x4;
	v57 =	vmov s24;
	v38 =	vmul.f32 v59, v11;
	v39 =	vadd.s32 v9, v39;
	v56 =	vld.idx.msk [tilespmem:v41+s28+$0x0], $0xffff  }
0x229: {  	s0 =	sand.u32 $0x3FFFFFE0, s26;
	v52 =	vadd.f32 v49, v42;
	v37 =	vshll.u32 v55, v2;
	s26 =	sshra.s32 s23, $0x2;
	v41 =	vshrl.u32 v57, $0x3  }
0x22a: {  	s30 =	sshll.u32 s14, $0x4;
	v49 =	vmul.f32 v34, v34;
	v38 =	vadd.f32 v63, v38;
	v60 =	vld.idx.msk [tilespmem:v12+s26+$0x0 ss:$0x1], $0xffff;
	v41 =	vshll.u32 v41, v2  }
0x22b: {  	s29 =	smul.u32 $0x640, s13;
	v37 =	vbroadcast v37, $0x0;
	v33 =	vadd.f32 v52, v33;
	[tilespmem:s0+$0xCB20] =	vst v36;
	s0 =	sand.u32 $0x3FFFFFD0, s30;
	v41 =	vbroadcast v41, $0x0  }
0x22c: {  	s14 =	smul.u32 $0x640, s1;
	v62 =	vmul.f32 v23, v23;
	v23 =	vadd.f32 v27, v23;
	v25 =	vld.idx.msk [tilespmem:v25+s28+$0x0], $0xffff;
	[tilespmem:s0+$0xCB20] =	vst v38  }
0x22d: {  	s6 =	sshra.s32 s29, $0x2;
	v37 =	vadd.s32 v10, v37;
	v53 =	vld.idx.msk [tilespmem:v39+s28+$0x0], $0xffff;
	v41 =	vadd.s32 v9, v41;
	v39 =	vmul.f32 v56, v11  }
0x22e: {  	v59 =	vmul.f32 v15, v15;
	v15 =	vadd.f32 v18, v15;
	v13 =	vadd.f32 v33, v13;
	v51 =	vld.idx.msk [tilespmem:v12+s6+$0x0 ss:$0x1], $0xffff;
	s0 =	sshra.s32 s14, $0x2  }
0x22f: {  	s30 =	sshll.u32 s11, $0x4;
	v61 =	vmul.f32 v18, v18;
	v63 =	vmul.f32 v27, v27;
	v58 =	vld.idx.msk [tilespmem:v12+s0+$0x0 ss:$0x1], $0xffff;
	v39 =	vadd.f32 v60, v39  }
0x230: {  	s29 =	sshll.u32 s1, $0x4;
	s1 =	sand.u32 $0x3FFFFFD0, s30;
	v15 =	vadd.f32 v23, v15;
	v48 =	vmul.f32 v32, v32;
	v32 =	vadd.f32 v34, v32  }
0x231: {  	s12 =	sshllo.u32 s9, $0x3;
	v50 =	vmul.f32 v36, v36;
	v22 =	vadd.f32 v61, v59;
	v18 =	vadd.f32 v63, v62;
	[tilespmem:s1+$0xCB20] =	vst v39;
	s1 =	smul.u32 $0x640, s24  }
0x232: {  	v25 =	vmul.f32 v25, v11;
	v29 =	vmul.f32 v53, v11;
	v53 =	vmov s12;
	v52 =	vld.idx.msk [tilespmem:v41+s28+$0x0], $0xffff  }
0x233: {  	v62 =	vmul.f32 v16, v16;
	v40 =	vmul.f32 v26, v26;
	v55 =	vshrl.u32 v53, $0x3;
	s14 =	sshra.s32 s1, $0x2  }
0x234: {  	v25 =	vadd.f32 v51, v25;
	v29 =	vadd.f32 v58, v29;
	v58 =	vshll.u32 v55, v2;
	v56 =	vld.idx.msk [tilespmem:v12+s14+$0x0 ss:$0x1], $0xffff  }
0x235: {  	v16 =	vadd.f32 v21, v16;
	v26 =	vadd.f32 v31, v26;
	s0 =	sand.u32 $0x3FFFFFE0, s29;
	v59 =	vbroadcast v58, $0x0  }
0x236: {  	s31 =	smul.u32 $0x640, s10;
	v20 =	vadd.f32 v38, v20;
	v18 =	vadd.f32 v18, v22;
	v51 =	vmul.f32 v25, v25;
	[tilespmem:s0+$0xCB20] =	vst v29  }
0x237: {  	v36 =	vadd.f32 v25, v36;
	v37 =	vld.idx.msk [tilespmem:v37+s28+$0x0], $0xffff;
	v22 =	vadd.s32 v10, v59;
	v61 =	vmul.f32 v52, v11  }
0x238: {  	v44 =	vmul.f32 v38, v38;
	v42 =	vadd.f32 v49, v48;
	v27 =	vadd.f32 v51, v50;
	s0 =	sshra.s32 s31, $0x2  }
0x239: {  	s20 =	sshll.u32 s24, $0x4;
	v57 =	vadd.f32 v36, v32;
	v54 =	vld.idx.msk [tilespmem:v12+s0+$0x0 ss:$0x1], $0xffff;
	v32 =	vadd.f32 v56, v61  }
0x23a: {  	v63 =	vmul.f32 v21, v21;
	v21 =	vadd.f32 v44, v43;
	v16 =	vadd.f32 v26, v16;
	s0 =	sand.u32 $0x3FFFFFE0, s20  }
0x23b: {  	s21 =	smul.u32 $0x640, s12;
	v51 =	vmul.f32 v19, v19;
	v19 =	vadd.f32 v24, v19;
	v27 =	vadd.f32 v27, v42;
	[tilespmem:s0+$0xCB20] =	vst v32  }
0x23c: {  	v15 =	vadd.f32 v57, v15;
	v42 =	vmul.f32 v31, v31;
	v60 =	vmul.f32 v37, v11;
	v22 =	vld.idx.msk [tilespmem:v22+s28+$0x0], $0xffff  }
0x23d: {  	v53 =	vmul.f32 v28, v28;
	v18 =	vadd.f32 v27, v18;
	v27 =	vadd.f32 v63, v62;
	s0 =	sshra.s32 s21, $0x2  }
0x23e: {  	v55 =	vmul.f32 v35, v35;
	v34 =	vadd.f32 v42, v40;
	v23 =	vadd.f32 v54, v60;
	v48 =	vld.idx.msk [tilespmem:v12+s0+$0x0 ss:$0x1], $0xffff  }
0x23f: {  	v45 =	vmul.f32 v29, v29;
	v14 =	vadd.f32 v15, v14;
	v57 =	vadd.f32 v39, v35  }
0x240: {  	v49 =	vadd.f32 v34, v27;
	v13 =	vadd.f32 v18, v13;
	v46 =	vmul.f32 v23, v23  }
0x241: {  	v54 =	vmul.f32 v17, v17;
	v29 =	vadd.f32 v23, v29;
	v15 =	vmul.f32 v22, v11  }
0x242: {  	v17 =	vadd.f32 v17, v28;
	v56 =	vmul.f32 v39, v39;
	v47 =	vadd.f32 v46, v45  }
0x243: {  	v52 =	vmul.f32 v24, v24;
	v20 =	vadd.f32 v29, v20;
	v15 =	vadd.f32 v48, v15  }
0x244: {  	v58 =	vmul.f32 v32, v32;
	v24 =	vadd.f32 v56, v55;
	v21 =	vadd.f32 v47, v21  }
0x245: {  	v16 =	vadd.f32 v20, v16;
	v20 =	vadd.f32 v52, v51;
	v59 =	vmul.f32 v15, v15  }
0x246: {  	v50 =	vadd.f32 v21, v49;
	v22 =	vadd.f32 v54, v53  }
0x247: {  	v60 =	vadd.f32 v15, v32;
	v21 =	vadd.f32 v59, v58  }
0x248: {  	p1 =	por p0, p0;
	s24 =	sshll.u32 s13, $0x4;
	v17 =	vadd.f32 v17, v19;
	v20 =	vadd.f32 v22, v20  }
.Ltmp3:
0x249: {  	s29 =	sshll.u32 s10, $0x4;
	s26 =	sand.u32 $0x3FFFFFF0, s24;
	v61 =	vadd.f32 v60, v57;
	v21 =	vadd.f32 v21, v24;
	(pc) =	sbr.rel @p1 .LBB2_10-.Ltmp3, $4  }
0x24a: {  	s23 =	sshll.u32 s22, $0x4;
	s30 =	sand.u32 $0x3FFFFFF0, s29;
	[tilespmem:s26+$0xCB20] =	vst v25;
	v14 =	vadd.f32 v16, v14;
	v13 =	vadd.f32 v50, v13  }
0x24b: {  	s1 =	sshll.u32 s12, $0x4;
	[tilespmem:s30+$0xCB20] =	vst v23;
	s0 =	sand.u32 $0x3FFFFFF0, s23;
	v62 =	vadd.f32 v61, v17;
	v63 =	vadd.f32 v21, v20  }
0x24c: {  	s31 =	sand.u32 $0x3FFFFFF0, s1;
	[tilespmem:s0+$0xCB20] =	vst v30  }
0x24d: {  	p0 =	por $0x0, $0x0;
	s22 =	simm.s32 $0x4;
	[tilespmem:s31+$0xCB20] =	vst v15;
	v14 =	vadd.f32 v62, v14;
	v13 =	vadd.f32 v63, v13  }
0x24e: {  	_ = 	snop  }
0x24f: {  	v11 =	vmul.f32 $1.562500000e-02, v14;
	_ =	sdelay $0x1  }
0x250: {  	v12 =	vmul.f32 $1.562500000e-02, v13;
	v13 =	vmul.f32 v11, v11;
	_ =	sdelay $0x1  }
0x251: {  	v12 =	vsub.f32 v12, v13;
	_ =	sdelay $0x1  }
0x252: {  	v12 =	vmax.f32 v12, $0.0e+00  }
0x253: {  	v12 =	vadd.f32 $9.999999960e-13, v12;
	_ =	sdelay $0x1  }
0x254: {  	v13 =	vshra.s32 v12, $0x1;
	v12 =	vmul.f32 $5.000000000e-01, v12  }
0x255: {  	v13 =	vsub.s32 $0x5F3759DF, v13  }
0x256: {  	v14 =	vmul.f32 v13, v12;
	_ =	sdelay $0x1  }
0x257: {  	v14 =	vmul.f32 v13, v14;
	_ =	sdelay $0x1  }
0x258: {  	v14 =	vsub.f32 $1.500000000e+00, v14;
	_ =	sdelay $0x1  }
0x259: {  	v13 =	vmul.f32 v13, v14;
	_ =	sdelay $0x1  }
0x25a: {  	v14 =	vmul.f32 v13, v12;
	_ =	sdelay $0x1  }
0x25b: {  	v14 =	vmul.f32 v14, v13;
	_ =	sdelay $0x1  }
0x25c: {  	v14 =	vsub.f32 $1.500000000e+00, v14;
	_ =	sdelay $0x1  }
0x25d: {  	v13 =	vmul.f32 v14, v13;
	_ =	sdelay $0x1  }
0x25e: {  	v12 =	vmul.f32 v13, v12;
	_ =	sdelay $0x1  }
0x25f: {  	v12 =	vmul.f32 v12, v13;
	_ =	sdelay $0x1  }
0x260: {  	v12 =	vsub.f32 $1.500000000e+00, v12;
	_ =	sdelay $0x1  }
0x261: {  	s9 =	simm.s32 $0x0;
	p0 =	por $0x1, $0x1;
	v12 =	vmul.f32 v12, v13  }
.LBB2_12:
0x262: {  	s0 =	sshll.u32 s9, $0x7  }
0x263: {  	v13 =	vld [tilespmem:s0+$0xCB20];
	_ =	sdelay $0x1  }
0x264: {  	s22 =	sshll.u32 s9, $0x3  }
0x265: {  	v14 =	vmov s22  }
0x266: {  	v15 =	vld [tilespmem:s0+$0x13320];
	v14 =	vshrl.u32 v14, $0x3  }
0x267: {  	v14 =	vshll.u32 v14, v2;
	v13 =	vsub.f32 v13, v11  }
0x268: {  	v16 =	vld [tilespmem:s0+$0x13720];
	v14 =	vbroadcast v14, $0x0  }
0x269: {  	v13 =	vmul.f32 v13, v12  }
0x26a: {  	v14 =	vor.u32 v3, v14  }
0x26b: {  	v13 =	vmul.f32 v13, v15;
	_ =	sdelay $0x1  }
0x26c: {  	s10 =	sor.u32 $0x1, s9;
	v13 =	vadd.f32 v13, v16  }
0x26d: {  	s1 =	sshll.u32 s10, $0x7  }
0x26e: {  	[tilespmem:v14+s28+$0x0] =	vst.idx.msk $0xffff, v13;
	v13 =	vld [tilespmem:s1+$0xCB20]  }
0x26f: {  	s14 =	sor.u32 $0x1, s22  }
0x270: {  	s24 =	sshll.u32 s10, $0x3;
	s6 =	sshll.u32 s14, $0x4  }
0x271: {  	v15 =	vmov s24;
	v14 =	vld [tilespmem:s6+$0xCB20]  }
0x272: {  	v17 =	vld [tilespmem:s1+$0x13320];
	v15 =	vshrl.u32 v15, $0x3  }
0x273: {  	v15 =	vshll.u32 v15, v2;
	v13 =	vsub.f32 v13, v11  }
0x274: {  	v26 =	vmov s14;
	v19 =	vld [tilespmem:s1+$0x13720];
	v15 =	vbroadcast v15, $0x0  }
0x275: {  	v16 =	vshrl.u32 v26, $0x3;
	v18 =	vld [tilespmem:s6+$0x13320];
	v13 =	vmul.f32 v13, v12  }
0x276: {  	v16 =	vshll.u32 v16, v2;
	v15 =	vadd.s32 v3, v15;
	v14 =	vsub.f32 v14, v11  }
0x277: {  	v16 =	vbroadcast v16, $0x0;
	v20 =	vld [tilespmem:s6+$0x13720];
	v13 =	vmul.f32 v13, v17  }
0x278: {  	s13 =	sor.u32 $0x2, s9;
	v14 =	vmul.f32 v14, v12  }
0x279: {  	s26 =	sshll.u32 s13, $0x7;
	v16 =	vadd.s32 v4, v16;
	v13 =	vadd.f32 v13, v19  }
0x27a: {  	s20 =	sor.u32 $0x1, s24;
	v30 =	vld [tilespmem:s26+$0xCB20];
	v14 =	vmul.f32 v14, v18  }
0x27b: {  	s23 =	sshll.u32 s20, $0x4;
	[tilespmem:v15+s28+$0x0] =	vst.idx.msk $0xffff, v13  }
0x27c: {  	v14 =	vadd.f32 v14, v20;
	v13 =	vld [tilespmem:s23+$0xCB20]  }
0x27d: {  	s21 =	sor.u32 $0x2, s22;
	v29 =	vmov s20  }
0x27e: {  	s11 =	sshll.u32 s21, $0x4;
	v23 =	vld [tilespmem:s26+$0x13320];
	v18 =	vshrl.u32 v29, $0x3;
	[tilespmem:v16+s28+$0x0] =	vst.idx.msk $0xffff, v14  }
0x27f: {  	v18 =	vshll.u32 v18, v2;
	v19 =	vsub.f32 v30, v11;
	v15 =	vmov s21;
	s21 =	sor.u32 $0x3, s9;
	v14 =	vld [tilespmem:s11+$0xCB20]  }
0x280: {  	s30 =	sshll.u32 s13, $0x3;
	v18 =	vbroadcast v18, $0x0;
	v27 =	vld [tilespmem:s23+$0x13320];
	s31 =	sshll.u32 s21, $0x7  }
0x281: {  	v32 =	vmov s30;
	v19 =	vmul.f32 v19, v12;
	v31 =	vld [tilespmem:s31+$0xCB20];
	v13 =	vsub.f32 v13, v11  }
0x282: {  	v15 =	vshrl.u32 v15, $0x3;
	v21 =	vld [tilespmem:s23+$0x13720];
	s29 =	sshll.u32 s21, $0x3;
	v18 =	vadd.s32 v4, v18;
	v16 =	vshrl.u32 v32, $0x3  }
0x283: {  	v28 =	vld [tilespmem:s11+$0x13320];
	v15 =	vshll.u32 v15, v2;
	v24 =	vmov s29;
	v13 =	vmul.f32 v13, v12  }
0x284: {  	v22 =	vld [tilespmem:s11+$0x13720];
	v16 =	vshll.u32 v16, v2;
	v15 =	vbroadcast v15, $0x0;
	v14 =	vsub.f32 v14, v11  }
0x285: {  	v25 =	vld [tilespmem:s31+$0x13320];
	v24 =	vshrl.u32 v24, $0x3;
	v16 =	vbroadcast v16, $0x0;
	v13 =	vmul.f32 v13, v27  }
0x286: {  	v26 =	vld [tilespmem:s26+$0x13720];
	v24 =	vshll.u32 v24, v2;
	v20 =	vsub.f32 v31, v11;
	v14 =	vmul.f32 v14, v12  }
0x287: {  	v33 =	vld [tilespmem:s31+$0x13720];
	v15 =	vadd.s32 v5, v15;
	v24 =	vbroadcast v24, $0x0;
	v13 =	vadd.f32 v13, v21  }
0x288: {  	v16 =	vadd.s32 v3, v16;
	v34 =	vmul.f32 v20, v12;
	v14 =	vmul.f32 v14, v28  }
0x289: {  	v35 =	vadd.s32 v3, v24;
	[tilespmem:v18+s28+$0x0] =	vst.idx.msk $0xffff, v13;
	v13 =	vmul.f32 v19, v23  }
0x28a: {  	s11 =	sor.u32 $0x2, s24;
	v17 =	vmul.f32 v34, v25;
	v14 =	vadd.f32 v14, v22  }
0x28b: {  	s26 =	sshll.u32 s11, $0x4;
	v13 =	vadd.f32 v13, v26  }
0x28c: {  	s12 =	sor.u32 $0x1, s30;
	v36 =	vld [tilespmem:s26+$0xCB20];
	[tilespmem:v15+s28+$0x0] =	vst.idx.msk $0xffff, v14;
	v14 =	vadd.f32 v17, v33  }
0x28d: {  	s14 =	sshll.u32 s12, $0x4;
	s20 =	sor.u32 $0x1, s29;
	v39 =	vld [tilespmem:s26+$0x13320];
	[tilespmem:v16+s28+$0x0] =	vst.idx.msk $0xffff, v13  }
0x28e: {  	s23 =	sshll.u32 s20, $0x4;
	[tilespmem:v35+s28+$0x0] =	vst.idx.msk $0xffff, v14;
	v13 =	vld [tilespmem:s14+$0xCB20]  }
0x28f: {  	v41 =	vmov s12;
	s31 =	sor.u32 $0x3, s22;
	v38 =	vld [tilespmem:s23+$0xCB20]  }
0x290: {  	s1 =	sshll.u32 s31, $0x4;
	v20 =	vshrl.u32 v41, $0x3;
	v40 =	vld [tilespmem:s26+$0x13720];
	v14 =	vmov s11  }
0x291: {  	v43 =	vmov s20;
	v20 =	vshll.u32 v20, v2;
	v15 =	vld [tilespmem:s1+$0xCB20];
	v14 =	vshrl.u32 v14, $0x3  }
0x292: {  	v20 =	vbroadcast v20, $0x0;
	v14 =	vshll.u32 v14, v2;
	v42 =	vld [tilespmem:s14+$0x13320];
	v37 =	vsub.f32 v36, v11  }
0x293: {  	v22 =	vshrl.u32 v43, $0x3;
	v44 =	vld [tilespmem:s23+$0x13320];
	v14 =	vbroadcast v14, $0x0;
	v13 =	vsub.f32 v13, v11  }
0x294: {  	v22 =	vshll.u32 v22, v2;
	v45 =	vld [tilespmem:s14+$0x13720];
	v16 =	vmul.f32 v37, v12;
	v17 =	vsub.f32 v38, v11  }
0x295: {  	v22 =	vbroadcast v22, $0x0;
	v46 =	vld [tilespmem:s23+$0x13720];
	v14 =	vadd.s32 v5, v14;
	v13 =	vmul.f32 v13, v12  }
0x296: {  	v47 =	vadd.s32 v4, v20;
	v16 =	vmul.f32 v16, v39;
	v17 =	vmul.f32 v17, v12  }
0x297: {  	v48 =	vadd.s32 v4, v22;
	v13 =	vmul.f32 v13, v42  }
0x298: {  	v16 =	vadd.f32 v16, v40;
	v17 =	vmul.f32 v17, v44  }
0x299: {  	v13 =	vadd.f32 v13, v45  }
0x29a: {  	v50 =	vmov s31;
	s20 =	sor.u32 $0x2, s30;
	v15 =	vsub.f32 v15, v11;
	[tilespmem:v14+s28+$0x0] =	vst.idx.msk $0xffff, v16;
	v14 =	vadd.f32 v17, v46  }
0x29b: {  	v51 =	vshrl.u32 v50, $0x3;
	s26 =	sor.u32 $0x2, s29;
	v49 =	vld [tilespmem:s1+$0x13320];
	s23 =	sshll.u32 s20, $0x4;
	[tilespmem:v47+s28+$0x0] =	vst.idx.msk $0xffff, v13  }
0x29c: {  	s31 =	sshll.u32 s26, $0x4;
	[tilespmem:v48+s28+$0x0] =	vst.idx.msk $0xffff, v14;
	v13 =	vmul.f32 v15, v12;
	v15 =	vshll.u32 v51, v2;
	v53 =	vld [tilespmem:s23+$0xCB20]  }
0x29d: {  	s14 =	sor.u32 $0x3, s24;
	v14 =	vbroadcast v15, $0x0;
	v15 =	vld [tilespmem:s31+$0xCB20]  }
0x29e: {  	v54 =	vld [tilespmem:s1+$0x13720];
	s6 =	sshll.u32 s14, $0x4  }
0x29f: {  	v57 =	vmov s20;
	v52 =	vld [tilespmem:s6+$0xCB20]  }
0x2a0: {  	v21 =	vshrl.u32 v57, $0x3;
	v59 =	vmov s26;
	v58 =	vld [tilespmem:s23+$0x13320]  }
0x2a1: {  	v21 =	vshll.u32 v21, v2;
	v23 =	vshrl.u32 v59, $0x3;
	v60 =	vld [tilespmem:s31+$0x13320];
	v16 =	vsub.f32 v53, v11  }
0x2a2: {  	v21 =	vbroadcast v21, $0x0;
	v23 =	vshll.u32 v23, v2;
	v61 =	vld [tilespmem:s23+$0x13720];
	v15 =	vsub.f32 v15, v11  }
0x2a3: {  	v23 =	vbroadcast v23, $0x0;
	v62 =	vld [tilespmem:s31+$0x13720];
	v14 =	vadd.s32 v6, v14;
	v16 =	vmul.f32 v16, v12  }
0x2a4: {  	v21 =	vadd.s32 v5, v21;
	v13 =	vmul.f32 v13, v49;
	v15 =	vmul.f32 v15, v12  }
0x2a5: {  	v63 =	vadd.s32 v5, v23;
	v16 =	vmul.f32 v16, v58  }
0x2a6: {  	v56 =	vld [tilespmem:s6+$0x13320];
	v13 =	vadd.f32 v13, v54;
	v15 =	vmul.f32 v15, v60  }
0x2a7: {  	v55 =	vmov s14;
	v17 =	vsub.f32 v52, v11;
	v16 =	vadd.f32 v16, v61  }
0x2a8: {  	s12 =	sor.u32 $0x3, s30;
	v19 =	vshrl.u32 v55, $0x3;
	v27 =	vld [tilespmem:s6+$0x13720];
	[tilespmem:v14+s28+$0x0] =	vst.idx.msk $0xffff, v13;
	v14 =	vadd.f32 v15, v62  }
0x2a9: {  	s20 =	sor.u32 $0x3, s29;
	s14 =	sshll.u32 s12, $0x4;
	v19 =	vshll.u32 v19, v2;
	v17 =	vmul.f32 v17, v12;
	[tilespmem:v21+s28+$0x0] =	vst.idx.msk $0xffff, v16  }
0x2aa: {  	v19 =	vbroadcast v19, $0x0;
	s23 =	sshll.u32 s20, $0x4;
	[tilespmem:v63+s28+$0x0] =	vst.idx.msk $0xffff, v14;
	v16 =	vld [tilespmem:s14+$0xCB20]  }
0x2ab: {  	s11 =	sor.u32 $0x4, s22;
	v13 =	vmul.f32 v17, v56;
	v14 =	vld [tilespmem:s23+$0xCB20]  }
0x2ac: {  	s1 =	sshll.u32 s11, $0x4;
	v24 =	vadd.s32 v6, v19  }
0x2ad: {  	v13 =	vadd.f32 v13, v27;
	v27 =	vmov s12;
	v15 =	vld [tilespmem:s1+$0xCB20]  }
0x2ae: {  	v28 =	vmov s20;
	v17 =	vshrl.u32 v27, $0x3;
	v29 =	vld [tilespmem:s14+$0x13320]  }
0x2af: {  	v19 =	vshrl.u32 v28, $0x3;
	v17 =	vshll.u32 v17, v2;
	v30 =	vld [tilespmem:s23+$0x13320];
	v16 =	vsub.f32 v16, v11  }
0x2b0: {  	s26 =	sor.u32 $0x4, s24;
	v19 =	vshll.u32 v19, v2;
	v17 =	vbroadcast v17, $0x0;
	v31 =	vld [tilespmem:s14+$0x13720];
	v14 =	vsub.f32 v14, v11  }
0x2b1: {  	v19 =	vbroadcast v19, $0x0;
	s31 =	sshll.u32 s26, $0x4;
	[tilespmem:v24+s28+$0x0] =	vst.idx.msk $0xffff, v13;
	v32 =	vld [tilespmem:s23+$0x13720];
	v16 =	vmul.f32 v16, v12  }
0x2b2: {  	v35 =	vmov s26;
	v18 =	vld [tilespmem:s31+$0xCB20];
	v17 =	vadd.s32 v6, v17;
	v14 =	vmul.f32 v14, v12  }
0x2b3: {  	v19 =	vadd.s32 v6, v19;
	v33 =	vld [tilespmem:s1+$0x13320];
	v13 =	vmov s11;
	v16 =	vmul.f32 v16, v29  }
0x2b4: {  	v13 =	vshrl.u32 v13, $0x3;
	v15 =	vsub.f32 v15, v11;
	v14 =	vmul.f32 v14, v30  }
0x2b5: {  	v25 =	vshrl.u32 v35, $0x3;
	v34 =	vld [tilespmem:s1+$0x13720];
	v13 =	vshll.u32 v13, v2;
	v16 =	vadd.f32 v16, v31  }
0x2b6: {  	s6 =	sor.u32 $0x4, s30;
	v36 =	vld [tilespmem:s31+$0x13320];
	v13 =	vbroadcast v13, $0x0;
	v15 =	vmul.f32 v15, v12;
	v14 =	vadd.f32 v14, v32  }
0x2b7: {  	v37 =	vshll.u32 v25, v2;
	s12 =	sor.u32 $0x4, s29;
	s11 =	sshll.u32 s6, $0x4;
	v38 =	vld [tilespmem:s31+$0x13720];
	v18 =	vsub.f32 v18, v11;
	[tilespmem:v17+s28+$0x0] =	vst.idx.msk $0xffff, v16  }
0x2b8: {  	v22 =	vbroadcast v37, $0x0;
	s14 =	sshll.u32 s12, $0x4;
	v13 =	vadd.s32 v7, v13;
	v15 =	vmul.f32 v15, v33;
	[tilespmem:v19+s28+$0x0] =	vst.idx.msk $0xffff, v14;
	v17 =	vld [tilespmem:s11+$0xCB20]  }
0x2b9: {  	v39 =	vmul.f32 v18, v12;
	v40 =	vld [tilespmem:s14+$0xCB20]  }
0x2ba: {  	v42 =	vmov s6;
	v14 =	vadd.f32 v15, v34;
	v15 =	vadd.s32 v7, v22  }
0x2bb: {  	v20 =	vshrl.u32 v42, $0x3;
	v16 =	vmul.f32 v39, v36;
	v41 =	vld [tilespmem:s11+$0x13320]  }
0x2bc: {  	v20 =	vshll.u32 v20, v2;
	s20 =	sor.u32 $0x5, s22;
	v43 =	vmov s12;
	v44 =	vld [tilespmem:s14+$0x13320]  }
0x2bd: {  	v21 =	vshrl.u32 v43, $0x3;
	s23 =	sshll.u32 s20, $0x4;
	[tilespmem:v13+s28+$0x0] =	vst.idx.msk $0xffff, v14;
	v13 =	vld [tilespmem:s11+$0x13720];
	v16 =	vadd.f32 v16, v38;
	v17 =	vsub.f32 v17, v11  }
0x2be: {  	v45 =	vbroadcast v20, $0x0;
	v46 =	vshll.u32 v21, v2;
	v14 =	vld [tilespmem:s23+$0xCB20];
	v18 =	vsub.f32 v40, v11  }
0x2bf: {  	s26 =	sor.u32 $0x5, s24;
	v20 =	vbroadcast v46, $0x0;
	[tilespmem:v15+s28+$0x0] =	vst.idx.msk $0xffff, v16;
	v15 =	vld [tilespmem:s14+$0x13720];
	v17 =	vmul.f32 v17, v12  }
0x2c0: {  	s31 =	sshll.u32 s26, $0x4;
	v16 =	vadd.s32 v7, v45;
	v18 =	vmul.f32 v18, v12  }
0x2c1: {  	v48 =	vmov s20;
	v49 =	vadd.s32 v7, v20;
	v47 =	vld [tilespmem:s31+$0xCB20];
	v17 =	vmul.f32 v17, v41  }
0x2c2: {  	v52 =	vmov s26;
	v23 =	vshrl.u32 v48, $0x3;
	v50 =	vld [tilespmem:s23+$0x13320];
	v18 =	vmul.f32 v18, v44  }
0x2c3: {  	v23 =	vshll.u32 v23, v2;
	v54 =	vld [tilespmem:s23+$0x13720];
	v14 =	vsub.f32 v14, v11;
	v13 =	vadd.f32 v17, v13  }
0x2c4: {  	v51 =	vbroadcast v23, $0x0;
	v23 =	vshrl.u32 v52, $0x3;
	s11 =	sor.u32 $0x5, s30;
	v53 =	vld [tilespmem:s31+$0x13320];
	v15 =	vadd.f32 v18, v15  }
0x2c5: {  	v23 =	vshll.u32 v23, v2;
	s12 =	sshll.u32 s11, $0x4;
	s14 =	sor.u32 $0x5, s29;
	v55 =	vld [tilespmem:s31+$0x13720];
	v14 =	vmul.f32 v14, v12;
	[tilespmem:v16+s28+$0x0] =	vst.idx.msk $0xffff, v13  }
0x2c6: {  	v57 =	vbroadcast v23, $0x0;
	s20 =	sshll.u32 s14, $0x4;
	v21 =	vsub.f32 v47, v11;
	v13 =	vadd.s32 v8, v51;
	[tilespmem:v49+s28+$0x0] =	vst.idx.msk $0xffff, v15;
	v58 =	vld [tilespmem:s12+$0xCB20]  }
0x2c7: {  	v14 =	vmul.f32 v14, v50;
	v15 =	vld [tilespmem:s20+$0xCB20]  }
0x2c8: {  	v59 =	vadd.s32 v8, v57;
	v24 =	vmov s14;
	v56 =	vmul.f32 v21, v12  }
0x2c9: {  	v60 =	vmov s11;
	v20 =	vshrl.u32 v24, $0x3;
	v14 =	vadd.f32 v14, v54;
	v61 =	vld [tilespmem:s12+$0x13320]  }
0x2ca: {  	s22 =	sor.u32 $0x6, s22;
	v63 =	vshrl.u32 v60, $0x3;
	v20 =	vshll.u32 v20, v2;
	v16 =	vmul.f32 v56, v53;
	v62 =	vld [tilespmem:s12+$0x13720]  }
0x2cb: {  	s23 =	sshll.u32 s22, $0x4;
	v25 =	vld [tilespmem:s20+$0x13320];
	[tilespmem:v13+s28+$0x0] =	vst.idx.msk $0xffff, v14;
	v14 =	vshll.u32 v63, v2;
	v13 =	vsub.f32 v58, v11  }
0x2cc: {  	v16 =	vadd.f32 v16, v55;
	v26 =	vld [tilespmem:s23+$0xCB20];
	v14 =	vbroadcast v14, $0x0;
	v15 =	vsub.f32 v15, v11  }
0x2cd: {  	s26 =	sor.u32 $0x6, s24;
	v28 =	vbroadcast v20, $0x0;
	v27 =	vld [tilespmem:s20+$0x13720];
	v13 =	vmul.f32 v13, v12  }
0x2ce: {  	s31 =	sshll.u32 s26, $0x4;
	[tilespmem:v59+s28+$0x0] =	vst.idx.msk $0xffff, v16;
	v14 =	vadd.s32 v8, v14;
	v15 =	vmul.f32 v15, v12  }
0x2cf: {  	v30 =	vmov s22;
	v31 =	vadd.s32 v8, v28;
	v29 =	vld [tilespmem:s31+$0xCB20];
	v13 =	vmul.f32 v13, v61  }
0x2d0: {  	v23 =	vshrl.u32 v30, $0x3;
	v32 =	vld [tilespmem:s23+$0x13320];
	v15 =	vmul.f32 v15, v25  }
0x2d1: {  	v23 =	vshll.u32 v23, v2;
	v22 =	vsub.f32 v26, v11;
	v13 =	vadd.f32 v13, v62  }
0x2d2: {  	s1 =	sor.u32 $0x6, s30;
	v34 =	vbroadcast v23, $0x0;
	v33 =	vld [tilespmem:s23+$0x13720];
	v15 =	vadd.f32 v15, v27  }
0x2d3: {  	s6 =	sshll.u32 s1, $0x4;
	v37 =	vmov s26;
	s12 =	sor.u32 $0x6, s29;
	v35 =	vld [tilespmem:s31+$0x13320];
	v36 =	vmul.f32 v22, v12;
	[tilespmem:v14+s28+$0x0] =	vst.idx.msk $0xffff, v13  }
0x2d4: {  	s14 =	sshll.u32 s12, $0x4;
	v20 =	vsub.f32 v29, v11;
	v13 =	vadd.s32 v9, v34;
	v14 =	vshrl.u32 v37, $0x3;
	[tilespmem:v31+s28+$0x0] =	vst.idx.msk $0xffff, v15;
	v38 =	vld [tilespmem:s6+$0xCB20]  }
0x2d5: {  	v15 =	vmul.f32 v36, v32;
	v14 =	vshll.u32 v14, v2;
	v17 =	vld [tilespmem:s14+$0xCB20]  }
0x2d6: {  	v40 =	vld [tilespmem:s31+$0x13720];
	v39 =	vmul.f32 v20, v12;
	v14 =	vbroadcast v14, $0x0  }
0x2d7: {  	v41 =	vmov s1;
	v44 =	vmov s12;
	v15 =	vadd.f32 v15, v33  }
0x2d8: {  	v20 =	vshrl.u32 v41, $0x3;
	v16 =	vmul.f32 v39, v35;
	v42 =	vld [tilespmem:s6+$0x13320];
	v14 =	vadd.s32 v9, v14  }
0x2d9: {  	v46 =	vshrl.u32 v44, $0x3;
	v45 =	vld [tilespmem:s14+$0x13320];
	[tilespmem:v13+s28+$0x0] =	vst.idx.msk $0xffff, v15;
	v15 =	vshll.u32 v20, v2;
	v13 =	vsub.f32 v38, v11  }
0x2da: {  	v21 =	vshll.u32 v46, v2;
	v43 =	vld [tilespmem:s6+$0x13720];
	v15 =	vbroadcast v15, $0x0;
	v17 =	vsub.f32 v17, v11  }
0x2db: {  	v21 =	vbroadcast v21, $0x0;
	v48 =	vld [tilespmem:s14+$0x13720];
	v16 =	vadd.f32 v16, v40;
	v13 =	vmul.f32 v13, v12  }
0x2dc: {  	s20 =	sshllo.u32 s9, $0x3;
	v15 =	vadd.s32 v9, v15;
	v17 =	vmul.f32 v17, v12  }
0x2dd: {  	s22 =	sshll.u32 s20, $0x4;
	[tilespmem:v14+s28+$0x0] =	vst.idx.msk $0xffff, v16;
	v14 =	vadd.s32 v9, v21;
	v13 =	vmul.f32 v13, v42  }
0x2de: {  	v47 =	vld [tilespmem:s22+$0xCB20];
	v17 =	vmul.f32 v17, v45  }
0x2df: {  	s23 =	sshllo.u32 s10, $0x3;
	v50 =	vld [tilespmem:s22+$0x13320];
	v13 =	vadd.f32 v13, v43  }
0x2e0: {  	s30 =	sshllo.u32 s21, $0x3;
	s26 =	sshllo.u32 s13, $0x3;
	s24 =	sshll.u32 s23, $0x4;
	v52 =	vld [tilespmem:s22+$0x13720];
	v17 =	vadd.f32 v17, v48  }
0x2e1: {  	s29 =	sshll.u32 s26, $0x4;
	v49 =	vmov s20;
	v58 =	vmov s30;
	v16 =	vld [tilespmem:s24+$0xCB20];
	[tilespmem:v15+s28+$0x0] =	vst.idx.msk $0xffff, v13  }
0x2e2: {  	v56 =	vmov s26;
	v18 =	vshrl.u32 v49, $0x3;
	s31 =	sshll.u32 s30, $0x4;
	v24 =	vshrl.u32 v58, $0x3;
	[tilespmem:v14+s28+$0x0] =	vst.idx.msk $0xffff, v17;
	v53 =	vld [tilespmem:s29+$0xCB20]  }
0x2e3: {  	v18 =	vshll.u32 v18, v2;
	v24 =	vshll.u32 v24, v2;
	v22 =	vshrl.u32 v56, $0x3;
	v17 =	vld [tilespmem:s31+$0xCB20]  }
0x2e4: {  	v24 =	vbroadcast v24, $0x0;
	v22 =	vshll.u32 v22, v2;
	v54 =	vld [tilespmem:s24+$0x13320];
	v14 =	vmov s23  }
0x2e5: {  	v22 =	vbroadcast v22, $0x0;
	v55 =	vld [tilespmem:s24+$0x13720];
	v51 =	vsub.f32 v47, v11;
	v14 =	vshrl.u32 v14, $0x3  }
0x2e6: {  	v15 =	vbroadcast v18, $0x0;
	v16 =	vsub.f32 v16, v11;
	v57 =	vld [tilespmem:s29+$0x13320];
	v14 =	vshll.u32 v14, v2  }
0x2e7: {  	v13 =	vmul.f32 v51, v12;
	v59 =	vld [tilespmem:s31+$0x13320];
	v14 =	vbroadcast v14, $0x0;
	v18 =	vsub.f32 v53, v11  }
0x2e8: {  	v60 =	vld [tilespmem:s29+$0x13720];
	v15 =	vadd.s32 v10, v15;
	v16 =	vmul.f32 v16, v12;
	v17 =	vsub.f32 v17, v11  }
0x2e9: {  	v61 =	vld [tilespmem:s31+$0x13720];
	v13 =	vmul.f32 v13, v50;
	v14 =	vadd.s32 v10, v14;
	v18 =	vmul.f32 v18, v12  }
0x2ea: {  	v62 =	vadd.s32 v10, v22;
	v16 =	vmul.f32 v16, v54;
	v17 =	vmul.f32 v17, v12  }
0x2eb: {  	p1 =	por p0, p0;
	v63 =	vadd.s32 v10, v24;
	v13 =	vadd.f32 v13, v52;
	v18 =	vmul.f32 v18, v57  }
.Ltmp4:
0x2ec: {  	v16 =	vadd.f32 v16, v55;
	v17 =	vmul.f32 v17, v59;
	(pc) =	sbr.rel @p1 .LBB2_12-.Ltmp4, $4  }
0x2ed: {  	[tilespmem:v15+s28+$0x0] =	vst.idx.msk $0xffff, v13;
	v13 =	vadd.f32 v18, v60  }
0x2ee: {  	[tilespmem:v14+s28+$0x0] =	vst.idx.msk $0xffff, v16;
	v14 =	vadd.f32 v17, v61  }
0x2ef: {  	[tilespmem:v62+s28+$0x0] =	vst.idx.msk $0xffff, v13  }
0x2f0: {  	p0 =	por $0x0, $0x0;
	s9 =	simm.s32 $0x4;
	[tilespmem:v63+s28+$0x0] =	vst.idx.msk $0xffff, v14  }
0x2f1: {  	s8 =	sadd.s32 $0x1, s8  }
0x2f2: {  	p0 =	sne.s32 s8, $0x19  }
.Ltmp5:
0x2f3: {  	_ = 	snop;
	(pc) =	sbr.rel @p0 .LBB2_9-.Ltmp5, $1  }
0x2f4: {  	_ =	sdelay $0x3  }
0x2f5: {  	s0 =	smulhi.u32 $0x51EB851F, s7;
	_ =	sdelay $0x1  }
0x2f6: {  	s0 =	sshrl.u32 s0, $0x6  }
0x2f7: {  	s1 =	smul.u32 $0x640, s0  }
0x2f8: {  	s25 =	sadd.s32 $0x1, s25;
	s0 =	smul.u32 $0x3200, s0  }
0x2f9: {  	p0 =	sne.s32 s25, $0x20  }
.Ltmp6:
0x2fa: {  	s1 =	sadd.s32 s2, s1;
	s0 =	sshrl.u32 s0, $0x3;
	(pc) =	sbr.rel @p0 .LBB2_2-.Ltmp6, $4  }
0x2fb: {  	[hbm4b:s1+s3] =	stream.linear.scatter [tilespmem:s28], [sflag:$0x4], $0x3200, $0x38;
	[tilespmem:$0x13B20] =	vst v63  }
0x2fc: {  	s0 =	sadd.s32 s2, s0  }
0x2fd: {  	s10 =	simm.s32 $0x9920;
	s0 =	sadd.s32 $0x640, s0  }
0x2fe: {  	[hbm4b:s0+s3] =	stream.linear.scatter [tilespmem:s10], [sflag:$0x4], $0x3200, $0x38;
	[tilespmem:$0x13B20] =	vst v63  }
0x2ff: {  	s0 =	simm.s32 $0x3  }
0x300: {  	_ =	swait.ge [sflag:s0], $0x3200  }
0x301: {  	[sflag:s0] =	ssyncset.done $0x0  }
0x302: {  	[sflag:s0] =	ssyncadd.s32 $0xFFFFCE00  }
0x303: {  	_ =	swait.ge [sflag:s0], $0x3200  }
0x304: {  	[sflag:s0] =	ssyncset.done $0x0  }
0x305: {  	s1 =	simm.s32 $0x4;
	[sflag:s0] =	ssyncadd.s32 $0xFFFFCE00  }
0x306: {  	_ =	swait.ge [sflag:s1], $0x3200  }
0x307: {  	[sflag:s1] =	ssyncset.done $0x0  }
0x308: {  	[sflag:s1] =	ssyncadd.s32 $0xFFFFCE00  }
0x309: {  	_ =	swait.ge [sflag:s1], $0x3200  }
0x30a: {  	s6 =	rddreg [dreg:$0xb]  }
0x30b: {  	s31 =	rddreg [dreg:$0xa];
	s6 =	sadd.s32 $0x1, s6  }
0x30c: {  	p0 =	sne.s32 s6, s31  }
.Ltmp7:
0x30d: {  	_ = 	snop;
	(pc) =	sbr.rel @p0 .LBB2_1-.Ltmp7, $3  }
0x30e: {  	_ =	sdelay $0x1  }
0x30f: {  	[sflag:s1] =	ssyncset.done $0x0  }
0x310: {  	[sflag:s1] =	ssyncadd.s32 $0xFFFFCE00  }
0x311: {  	_ =	sfence.sel $0x180000  }
0x312: {  	[bflag:$0x0] =	sbarrier.arrive $0xFFFF  }
0x313: {  	_ =	strace $0x90000047  }
0x314: {  	s0 =	stileid.u32;
	[bflag:$0x2] =	sbarrier.arrive $0xFFFF  }
0x315: {  	p0 =	sne.s32 s0, $0x0;
	s0 =	rddreg [dreg:$0x2]  }
0x316: {  	s0 =	sadd.s32 @!p0 $0x100000, s0  }
0x317: {  	[sflag:s0] =	ssyncadd.tile.s32 @!p0 $0x1;
	_ =	shalt  }
.Lfunc_end2:
_tile_overlayer_lowered:
.L_overlay_start_2:
0x318: {  	(tag) =	ssettag $0x2  }
0x319: {  	s0 =	rddreg [dreg:$0x0];
	s2 =	stileid.u32  }
0x31a: {  	s1 =	rddreg [dreg:$0x1];
	p0 =	sne.s32 s2, $0x0  }
0x31b: {  	s3 =	rddreg [dreg:$0x2];
	[bflag:$0x3] =	sbarrier.arrive $0xFFFF;
	s2 =	simm.s32 @!p0 $0x1C05  }
0x31c: {  	[timem:s3], [sflag:s2] =	dma.local @!p0 [hbm:s0], s1  }
0x31d: {  	s0 =	simm.s32 @!p0 $0x5  }
0x31e: {  	_ =	swait.ge @!p0 [sflag:s0], s1  }
0x31f: {  	s1 =	ssub.s32 @!p0 $0x0, s1;
	[sflag:s0] =	ssyncset.done @!p0 $0x0  }
0x320: {  	[sflag:s0] =	ssyncadd.s32 @!p0 s1  }
0x321: {  	[bflag:$0x3] =	sbarrier.arrive $0xFFFF  }
0x322: {  	_ =	shalt  }

// kernel: sparse-core-data-format-call.cloned.1.call-start
scs
called_computation_lowered:
.L_overlay_start_0:
0x0: {  	s2 =	sld [smem:$0x3FD9]  }
0x1: {  	s3 =	sld [smem:$0x3FFE];
	_ =	sdelay $0x1  }
0x2: {  	s1 =	srdreg.scid  }
0x3: {  	s0 =	sand.u32 $0x1, s1  }
0x4: {  	s18 =	sshll.u32 s0, $0xA;
	s2 =	sadd.s32 s3, s2  }
0x5: {  	s2 =	sadd.s32 s2, s18  }
0x6: {  	[smem:$0x3FC3] =	sst s2  }
0x7: {  	_ = 	snop  }
0x8: {  	s2 =	sld [smem:$0x3FD0];
	(tm) =	ssettm $0x1  }
0x9: {  	s19 =	sld [smem:$0x3FFB];
	_ =	sdelay $0x3  }
0xa: {  	_ =	strace s19  }
0xb: {  	s3 =	sld [smem:$0x3FFC];
	_ =	sdelay $0x3  }
0xc: {  	_ =	strace s3  }
0xd: {  	s3 =	sld [smem:$0x3FFD];
	_ =	sdelay $0x3  }
0xe: {  	_ =	strace s3  }
0xf: {  	_ =	strace $0x8FFFFFFF  }
0x10: {  	s20 =	sld [smem:$0x3FDB];
	_ =	sdelay $0x1  }
0x11: {  	s4 =	simm.s32 $_scs_section_size  }
0x12: {  	s5 =	simm.s32 $_size__tile_overlayer_lowered;
	s6 =	simm.s32 $_tile_overlayer_lowered  }
0x13: {  	s23 =	simm.s32 $0x1BFF;
	s22 =	sshll.u32 s6, $0x1;
	s3 =	sadd.s32 s4, s20  }
0x14: {  	s7 =	simm.s32 $0x0;
	s21 =	sshll.u32 s5, $0x1;
	s5 =	sadd.s32 s22, s3  }
0x15: {  	[timem:s7], [sflag:s23] =	dma.local [hbm:s5], s21  }
0x16: {  	_ =	swait.ge [sflag:s23], s21  }
0x17: {  	s4 =	ssub.s32 $0x0, s21;
	[sflag:s23] =	ssyncset.done $0x0  }
0x18: {  	[sflag:s23] =	ssyncadd.s32 s4;
	_ =	sdelay $0x1  }
0x19: {  	s24 =	simm.s32 $0x1B8B  }
0x1a: {  	_ =	swait.ge [sflag:s24], $0x1  }
0x1b: {  	[sflag:s24] =	ssyncset.done $0x0  }
0x1c: {  	s26 =	simm.s32 $0x1B8E;
	s25 =	sld [smem:$0x3FFE];
	[sflag:s24] =	ssyncadd.s32 $0xFFFFFFFF  }
0x1d: {  	s27 =	simm.s32 $execute0_lowered;
	[smem:$0x3FD2] =	sst s26  }
0x1e: {  	s5 =	sshll.u32 s27, $0x1;
	_ =	strace $0x80000049;
	[dreg:$0x1] =	wrdreg $0xFFFFFFFF  }
0x1f: {  	s28 =	simm.s32 $_size_execute0_lowered;
	s3 =	sadd.s32 s3, s5;
	[dreg:$0x0] =	wrdreg $0x0  }
0x20: {  	s5 =	sshll.u32 s28, $0x1;
	[dreg:$0x2] =	wrdreg s3  }
0x21: {  	[dreg:$0x3] =	wrdreg s5  }
0x22: {  	[dreg:$0x4] =	wrdreg $0xC0  }
0x23: {  	_ =	task [dreg:s7], $0x5FFFF  }
0x24: {  	[dreg:$0x1] =	wrdreg $0xFFFFFFFF  }
0x25: {  	[dreg:$0x0] =	wrdreg $0x60  }
0x26: {  	[dreg:$0x2] =	wrdreg s25  }
0x27: {  	[dreg:$0x3] =	wrdreg s2  }
0x28: {  	[dreg:$0x4] =	wrdreg $0x9  }
0x29: {  	_ =	task.clear_ibuf [dreg:s7], $0x5FFFF;
	_ =	strace $0x90000049  }
0x2a: {  	s29 =	simm.s32 $0x9;
	_ =	strace $0x8000004B  }
0x2b: {  	_ =	swait.ge [sflag:s29], $0x1  }
0x2c: {  	[sflag:s29] =	ssyncadd.s32 $0xFFFFFFFF  }
0x2d: {  	_ =	strace $0x9000004B  }
0x2e: {  	_ =	sfence  }
0x2f: {  	s30 =	sld [smem:$0x0];
	_ =	sdelay $0x2  }
0x30: {  	s31 =	sshll.u32 s1, $0xD;
	s1 =	sshrl.u32 s1, $0x2  }
0x31: {  	s3 =	sand.u32 $0x4000, s31;
	s1 =	sadd.s32 s1, s30  }
0x32: {  	s0 =	sor.u32 s3, s0;
	s1 =	sshll.u32 s1, $0x11  }
0x33: {  	s0 =	sor.u32 s1, s0  }
0x34: {  	s0 =	sadd.s32 $0x8F2B, s0  }
0x35: {  	[sflag:s0] =	ssyncadd.remote.s32 $0x1  }
0x36: {  	_ =	sfence.sel $0xFFFF  }
0x37: {  	[dreg:$0x0] =	wrdreg $0xFFFFFFFF;
	(pc) =	sbr.abs _section_cstart, $3  }
0x38: {  	[dreg:$0x1] =	wrdreg $0xFFFFFFFF  }
0x39: {  	_ =	task.clear_ibuf [dreg:s7], $0x2FFFF;
	_ =	strace $0x9FFFFFFF  }
0x3a: {  	(tm) =	ssettm $0x7FFFFFFF  }
0x3b: {  	_ =	shalt  }
tec
execute0_lowered:
.L_overlay_start_1:
0x0: {  	(tag) =	ssettag $0x1  }
0x1: {  	s0 =	srdreg.scid  }
0x2: {  	s1 =	sshll.u32 s0, $0x4  }
0x3: {  	s0 =	stileid.u32;
	s1 =	sand.u32 $0x10, s1  }
0x4: {  	s1 =	sor.u32 s0, s1  }
0x5: {  	s6 =	rddreg [dreg:$0x0];
	s4 =	simm.s32 $0x1;
	s2 =	sshll.u32 s1, $0x7  }
0x6: {  	s7 =	simm.s32 $0x2;
	s12 =	simm.s32 $0x0;
	s1 =	ssub.s32 $0x1000, s2  }
0x7: {  	s8 =	simm.s32 $0x8000;
	s13 =	simm.s32 $0x0;
	s3 =	sand.u32 $0xF80, s1  }
0x8: {  	s9 =	simm.s32 $0x0;
	s5 =	sshrl.u32 s1, $0xC;
	p0 =	sne.s32 s3, $0x0  }
.Ltmp0:
0x9: {  	s1 =	rddreg [dreg:$0x2];
	s4 =	simm.s32 @!p0 $0x0;
	(pc) =	sbr.rel .LBB1_1-.Ltmp0, $4  }
0xa: {  	s11 =	simm.s32 $0x0;
	s3 =	rddreg [dreg:$0x1];
	s5 =	sadd.s32 s4, s5  }
0xb: {  	_ =	strace $0x8000004A;
	s4 =	simm.s32 $0x1;
	s5 =	smul.u32 $0xC8, s5  }
0xc: {  	s6 =	sadd.s32 $0x800, s6;
	s10 =	smov.u32 s2;
	[sflag:s4] =	ssyncpa.u1 $0x0  }
0xd: {  	p0 =	por $0x0, $0x0;
	[sflag:s7] =	ssyncpa.u1 $0x0;
	s7 =	sor.u32 $0x1, s5  }
.LBB1_4:
0xe: {  	s16 =	sshll.u32 s13, $0x3;
	s17 =	sand.u32 $0x78, s13  }
0xf: {  	s30 =	sand.u32 $0x7E00, s13;
	s12 =	sshll.u32 s12, $0xF;
	s16 =	sand.u32 $0xC00, s16  }
0x10: {  	[tilespmem:s15+$0x810 ss:$0x81] =	vst.msk $0xffff, v2;
	s31 =	sand.u32 $0x7, s13;
	s16 =	sor.u32 s17, s16;
	s17 =	sadd.s32 s3, s30  }
0x11: {  	[tilespmem:s15+$0x1020 ss:$0x81] =	vst.msk $0xffff, v0;
	s13 =	sshll.u32 s31, $0x12;
	s12 =	sadd.s32 s12, s17;
	s16 =	sshrl.u32 s16, $0x3  }
0x12: {  	[tilespmem:s15+$0x0 ss:$0x81] =	vst.msk $0xffff, v1;
	s13 =	sor.u32 $0x400, s13;
	s12 =	sadd.s32 s16, s12  }
0x13: {  	[hbm4b:s12+s13] =	stream.strided.scatter [tilespmem:s14], [sflag:$0x2], $0x2000, s8, s13, $0x20;
	[tilespmem:$0x8080] =	vst v63  }
.LBB1_5:
0x14: {  	s14 =	sadd.s32 $0x1, s9  }
0x15: {  	s12 =	sadd.s32 $0x1000, s10;
	s16 =	smov.u32 s10;
	p2 =	sgt.s32 s14, $0xC7  }
0x16: {  	s16 =	smov.u32 @p2 s12  }
0x17: {  	s14 =	simm.s32 @p2 $0x0;
	p2 =	sgt.s32 s16, $0xFFF  }
0x18: {  	s16 =	smov.u32 @p2 s2;
	p2 =	sne.s32 s11, s7  }
.Ltmp1:
0x19: {  	p1 =	slt.u32 s11, $0x2;
	(pc) =	sbr.rel @!p2 .LBB1_6-.Ltmp1, $4  }
0x1a: {  	s15 =	simm.s32 @!p1 $0x2  }
0x1b: {  	s13 =	smov.u32 s10;
	p0 =	por !p0, !p0;
	_ =	swait.ge @!p1 [sflag:s15], $0x2000  }
0x1c: {  	s12 =	smov.u32 s9;
	[sflag:s15] =	ssyncset.done @!p1 $0x0;
	s9 =	smov.u32 s14  }
0x1d: {  	s11 =	sadd.s32 $0x1, s11;
	[sflag:s15] =	ssyncadd.s32 @!p1 $0xFFFFE000;
	s10 =	smov.u32 s16  }
.LBB1_1:
0x1e: {  	p1 =	sge.u32 s11, s5  }
0x1f: {  	s14 =	sand.u32 @!p1 $0x1FFFFFF, s9  }
0x20: {  	s15 =	smulhi.u32 @!p1 $0x147AE15, s14;
	_ =	sdelay $0x1  }
0x21: {  	s15 =	smul.u32 @!p1 $0xC8, s15  }
0x22: {  	s16 =	sxor.u32 @!p1 $0xFFFFFFFF, s11;
	s17 =	smul.u32 @!p1 $0xC80, s10  }
0x23: {  	s31 =	sadd.s32 $0xFFFFFFFF, s11;
	s16 =	sshll.u32 @!p1 s16, $0xD;
	s14 =	ssub.s32 @!p1 s14, s15  }
0x24: {  	s15 =	sand.u32 @!p1 $0x2000, s16;
	s16 =	sadd.s32 @!p1 s6, s17;
	s14 =	sshll.u32 @!p1 s14, $0x4  }
0x25: {  	s17 =	simm.s32 @!p1 $0x6400;
	s14 =	sadd.s32 @!p1 s14, s16;
	s16 =	simm.s32 @!p1 $0x40  }
0x26: {  	[tilespmem:s15], [sflag:$0x1] =	stream.strided.gather @!p1 [hbm4b:s14+s16], $0x2000, s17, s16, $0x38;
	[tilespmem:$0x8080] =	vst v63  }
0x27: {  	p1 =	sge.u32 s31, s5  }
.Ltmp2:
0x28: {  	_ = 	snop;
	(pc) =	sbr.rel @p1 .LBB1_5-.Ltmp2, $1  }
0x29: {  	_ =	sdelay $0x3  }
0x2a: {  	s14 =	simm.s32 $0x1  }
0x2b: {  	_ =	swait.ge [sflag:s4], $0x2000;
	s14 =	simm.s32 @!p0 $0x0  }
0x2c: {  	[sflag:s4] =	ssyncset.done $0x0;
	s15 =	sshll.u32 s14, $0xD  }
0x2d: {  	[sflag:s4] =	ssyncadd.s32 $0xFFFFE000;
	s18 =	sor.u32 $0x20, s15  }
0x2e: {  	s14 =	smul.u32 $0x8100, s14;
	v3 =	vld [tilespmem:s18+$0x10]  }
0x2f: {  	s30 =	sand.u32 $0x1, s11;
	v2 =	vld [tilespmem:s18+$0xFFFFFFF0]  }
0x30: {  	s15 =	smul.u32 $0x8100, s30;
	s14 =	sshrl.u32 s14, $0x2;
	v0 =	vld [tilespmem:s18+$0x0]  }
0x31: {  	v1 =	vld [tilespmem:s18+$0xFFFFFFE0];
	s16 =	sor.u32 $0x4000, s14  }
0x32: {  	s31 =	sshrl.u32 s15, $0x2;
	s15 =	sadd.s32 $0x0, s16  }
0x33: {  	s17 =	simm.s32 $0x4;
	s18 =	sadd.s32 $0x40, s18;
	s14 =	sor.u32 $0x4000, s31;
	[tilespmem:s15+$0x1830 ss:$0x81] =	vst.msk $0xffff, v3  }
.LBB1_3:
0x34: {  	v3 =	vld [tilespmem:s18+$0x10];
	p1 =	sne.s32 s17, $0x1FC;
	[tilespmem:s15+$0x810 ss:$0x81] =	vst.msk $0xffff, v2;
	s19 =	smov.u32 s17;
	s17 =	sadd.s32 $0x4, s17  }
.Ltmp3:
0x35: {  	v2 =	vld [tilespmem:s18+$0xFFFFFFF0];
	[tilespmem:s15+$0x1020 ss:$0x81] =	vst.msk $0xffff, v0;
	(pc) =	sbr.rel @p1 .LBB1_3-.Ltmp3, $4  }
0x36: {  	v0 =	vld [tilespmem:s18+$0x0];
	[tilespmem:s15+$0x0 ss:$0x81] =	vst.msk $0xffff, v1  }
0x37: {  	s15 =	sshra.s32 s19, $0x2;
	v1 =	vld [tilespmem:s18+$0xFFFFFFE0]  }
0x38: {  	s15 =	sadd.s32 s15, s16  }
0x39: {  	s18 =	sadd.s32 $0x40, s18;
	[tilespmem:s15+$0x1830 ss:$0x81] =	vst.msk $0xffff, v3  }
.Ltmp4:
0x3a: {  	_ = 	snop;
	(pc) =	sbr.rel .LBB1_4-.Ltmp4, $1  }
0x3b: {  	_ =	sdelay $0x3  }
.LBB1_6:
0x3c: {  	_ =	sfence.sel $0x180000  }
0x3d: {  	s2 =	simm.s32 $0x1;
	[bflag:$0x0] =	sbarrier.arrive $0xFFFF  }
0x3e: {  	s31 =	simm.s32 $0x2;
	[sflag:s2] =	ssyncpa.u1 $0x1  }
0x3f: {  	[sflag:s31] =	ssyncpa.u1 $0x1  }
0x40: {  	p0 =	sne.s32 s0, $0x0;
	_ =	strace $0x9000004A  }
0x41: {  	s0 =	sadd.s32 @!p0 $0x100000, s1;
	[bflag:$0x2] =	sbarrier.arrive $0xFFFF  }
0x42: {  	[sflag:s0] =	ssyncadd.tile.s32 @!p0 $0x1;
	_ =	shalt  }
.Lfunc_end1:
_tile_overlayer_lowered:
.L_overlay_start_2:
0x43: {  	(tag) =	ssettag $0x2  }
0x44: {  	s0 =	rddreg [dreg:$0x0];
	s2 =	stileid.u32  }
0x45: {  	s1 =	rddreg [dreg:$0x1];
	p0 =	sne.s32 s2, $0x0  }
0x46: {  	s3 =	rddreg [dreg:$0x2];
	[bflag:$0x3] =	sbarrier.arrive $0xFFFF;
	s2 =	simm.s32 @!p0 $0x1C01  }
0x47: {  	[timem:s3], [sflag:s2] =	dma.local @!p0 [hbm:s0], s1  }
0x48: {  	s0 =	simm.s32 @!p0 $0x1  }
0x49: {  	_ =	swait.ge @!p0 [sflag:s0], s1  }
0x4a: {  	s1 =	ssub.s32 @!p0 $0x0, s1;
	[sflag:s0] =	ssyncset.done @!p0 $0x0  }
0x4b: {  	[sflag:s0] =	ssyncadd.s32 @!p0 s1  }
0x4c: {  	[bflag:$0x3] =	sbarrier.arrive $0xFFFF  }
0x4d: {  	_ =	shalt  }

</sc_bundles>
